<compile_context>
chip_gen: v7x
topology: tpu7x:2x2x1
jax: 0.10.2.dev20260603
libtpu: 0.0.44.dev20260713+nightly
codegen_flags: <defaults>
</compile_context>

<pallas_src>
import jax
import jax.numpy as jnp
from jax import lax
from jax.experimental import pallas as pl
from jax.experimental.pallas import tpu as pltpu, tpu_sc as plsc

N = 100000
E = 3200000
D = 32
H = N // 2
HPAD = 50176
STRIPE = HPAD // 16
ZROWS = 98
C = 400
C1 = 8000
EPT = E // 16
BN = 5000

_SC_PARAMS = pltpu.CompilerParams(needs_layout_passes=False,
                                  use_tc_tiling_on_sc=False)


def _ab_body(nf_ref, wst_ref, wdt_ref, a_ref, b_ref):
    x = nf_ref[...]
    a_ref[...] = jnp.dot(x, wst_ref[...], preferred_element_type=jnp.float32)
    b_ref[...] = jnp.dot(x, wdt_ref[...], preferred_element_type=jnp.float32)


def _compute_ab(nf, WsT, WdT):
    return pl.pallas_call(
        _ab_body,
        grid=(N // BN,),
        in_specs=[
            pl.BlockSpec((BN, D), lambda i: (i, 0)),
            pl.BlockSpec((D, D), lambda i: (0, 0)),
            pl.BlockSpec((D, D), lambda i: (0, 0)),
        ],
        out_specs=[
            pl.BlockSpec((BN, D), lambda i: (i, 0)),
            pl.BlockSpec((BN, D), lambda i: (i, 0)),
        ],
        out_shape=[
            jax.ShapeDtypeStruct((N, D), jnp.float32),
            jax.ShapeDtypeStruct((N, D), jnp.float32),
        ],
    )(nf, WsT, WdT)


def _wsum_body(dst_h, ef_h, parts_o, wred_o, dstv, efv, wsumv, acc, tmp, sem):
    c = lax.axis_index("c")
    s = lax.axis_index("s")
    cH = c * H
    zero16 = jnp.zeros((16,), jnp.float32)

    def _zw(i, carry):
        wsumv[pl.ds(i * 16, 16)] = zero16
        return carry
    lax.fori_loop(0, HPAD // 16, _zw, 0)

    def _chunk(i, carry):
        base = s * EPT + i * C1
        pltpu.sync_copy(dst_h.at[pl.ds(base, C1)], dstv)
        pltpu.sync_copy(ef_h.at[pl.ds(base, C1)], efv)

        @plsc.parallel_loop(0, C1 // 16, 1, unroll=4)
        def _grp(k):
            sl = pl.ds(k * 16, 16)
            wk = 1.0 / (efv[sl] + 1e-5)
            dl = dstv[sl] - cH
            own = jnp.logical_and(dl >= 0, dl < H)
            dlf = jnp.where(own, dl, H)
            plsc.addupdate_scatter(wsumv, [dlf], wk)
        return carry
    lax.fori_loop(0, EPT // C1, _chunk, 0)

    pltpu.sync_copy(wsumv, parts_o.at[pl.ds((c * 16 + s) * HPAD, HPAD)])
    plsc.subcore_barrier()

    off = s * STRIPE
    pltpu.sync_copy(parts_o.at[pl.ds(c * 16 * HPAD + off, STRIPE)], acc)

    def _red(t, carry):
        pltpu.sync_copy(parts_o.at[pl.ds((c * 16 + t) * HPAD + off, STRIPE)],
                        tmp)

        def _add(k, carry2):
            sl = pl.ds(k * 16, 16)
            acc[sl] = acc[sl] + tmp[sl]
            return carry2
        lax.fori_loop(0, STRIPE // 16, _add, 0)
        return carry
    lax.fori_loop(1, 16, _red, 0)
    pltpu.sync_copy(acc, wred_o.at[pl.ds(c * HPAD + off, STRIPE)])


def _run_wsum(dst, ef):
    mesh = plsc.VectorSubcoreMesh(core_axis_name="c", subcore_axis_name="s")
    fn = pl.kernel(
        _wsum_body,
        out_type=[
            jax.ShapeDtypeStruct((2 * 16 * HPAD,), jnp.float32),
            jax.ShapeDtypeStruct((2 * HPAD,), jnp.float32),
        ],
        mesh=mesh,
        compiler_params=_SC_PARAMS,
        scratch_types=[
            pltpu.VMEM((C1,), jnp.int32),
            pltpu.VMEM((C1,), jnp.float32),
            pltpu.VMEM((HPAD,), jnp.float32),
            pltpu.VMEM((STRIPE,), jnp.float32),
            pltpu.VMEM((STRIPE,), jnp.float32),
            pltpu.SemaphoreType.DMA,
        ],
    )
    return fn(dst, ef)


def _agg_body(a_h, b_h, src_h, dst_h, ef_h, we_h, agg_o,
              aggs, pk0, dlocv0, g0, pk1, dlocv1, g1, wev,
              semg0, semg1, semsc0, semsc1):
    c = lax.axis_index("c")
    s = lax.axis_index("s")
    cH = c * H
    zero16 = jnp.zeros((16,), jnp.float32)

    def _zz(i, carry):
        g0[i, pl.ds(0, 16)] = zero16
        g0[i, pl.ds(16, 16)] = zero16
        return carry
    lax.fori_loop(0, C, _zz, 0)
    for j in range(8):
        pltpu.sync_copy(g0.at[pl.ds(0, STRIPE // 8)],
                        aggs.at[pl.ds(s * STRIPE + j * (STRIPE // 8),
                                      STRIPE // 8)])

    pltpu.sync_copy(we_h, wev)
    we0 = wev[pl.ds(0, 16)]
    we1 = wev[pl.ds(16, 16)]

    plsc.subcore_barrier()

    bufs = ((pk0, dlocv0, g0, semg0, semsc0),
            (pk1, dlocv1, g1, semg1, semsc1))

    def idx_load(i, b):
        pk, dlocv, g, semg, semsc = b
        base = s * EPT + i * C
        pltpu.sync_copy(src_h.at[pl.ds(base, C)], pk.at[pl.ds(0, C)])
        pltpu.sync_copy(dst_h.at[pl.ds(base, C)], pk.at[pl.ds(C, C)])
        pltpu.sync_copy(ef_h.at[pl.ds(base, C)], pk.at[pl.ds(2 * C, C)])

    def fire_a(b):
        pk, dlocv, g, semg, semsc = b
        pltpu.async_copy(a_h.at[pk.at[pl.ds(0, C)]], g, semg)

    def fire_b(b):
        pk, dlocv, g, semg, semsc = b
        pltpu.async_copy(b_h.at[pk.at[pl.ds(C, C)]], g, semg, add=True)

    def wait_g(b):
        pk, dlocv, g, semg, semsc = b
        pltpu.make_async_copy(a_h.at[pk.at[pl.ds(0, C)]], g, semg).wait()

    def fire_scatter(b):
        pk, dlocv, g, semg, semsc = b
        pltpu.async_copy(g, aggs.at[dlocv], semsc, add=True)

    def wait_scatter(b):
        pk, dlocv, g, semg, semsc = b
        pltpu.make_async_copy(g, aggs.at[dlocv], semsc).wait()

    def compute(b):
        pk, dlocv, g, semg, semsc = b

        @plsc.parallel_loop(0, C // 16, 1)
        def _grp(k):
            sl = pl.ds(2 * C + k * 16, 16)
            efk = plsc.bitcast(pk[sl], jnp.float32)
            wk = 1.0 / (efk + 1e-5)
            dl = pk[pl.ds(C + k * 16, 16)] - cH
            own = jnp.logical_and(dl >= 0, dl < H)
            dlf = jnp.where(own, dl, H)
            dlocv[pl.ds(k * 16, 16)] = dlf
            for i in range(16):
                e = k * 16 + i
                ef_s = efk[i]
                w_s = wk[i]
                ga = g[e, pl.ds(0, 16)]
                gb = g[e, pl.ds(16, 16)]
                g[e, pl.ds(0, 16)] = jnp.maximum(ga + we0 * ef_s, 0.0) * w_s
                g[e, pl.ds(16, 16)] = jnp.maximum(gb + we1 * ef_s, 0.0) * w_s

    idx_load(0, bufs[0])
    fire_a(bufs[0])

    def _it(j, carry):
        a_i = 2 * j
        wait_g(bufs[0])
        fire_b(bufs[0])

        @pl.when(j > 0)
        def _():
            wait_scatter(bufs[1])
        idx_load(a_i + 1, bufs[1])
        fire_a(bufs[1])
        wait_g(bufs[0])
        compute(bufs[0])
        fire_scatter(bufs[0])
        wait_g(bufs[1])
        fire_b(bufs[1])

        @pl.when(j < (EPT // C) // 2 - 1)
        def _():
            wait_scatter(bufs[0])
            idx_load(a_i + 2, bufs[0])
            fire_a(bufs[0])
        wait_g(bufs[1])
        compute(bufs[1])
        fire_scatter(bufs[1])
        return carry
    lax.fori_loop(0, (EPT // C) // 2, _it, 0)

    wait_scatter(bufs[0])
    wait_scatter(bufs[1])
    plsc.subcore_barrier()

    pltpu.sync_copy(aggs.at[pl.ds(s * STRIPE, STRIPE)],
                    agg_o.at[c, pl.ds(s * STRIPE, STRIPE)])


def _run_agg(A, B, src, dst, ef, we):
    mesh = plsc.VectorSubcoreMesh(core_axis_name="c", subcore_axis_name="s")
    fn = pl.kernel(
        _agg_body,
        out_type=[
            jax.ShapeDtypeStruct((2, HPAD, D), jnp.float32),
        ],
        mesh=mesh,
        compiler_params=_SC_PARAMS,
        scratch_types=[
            pltpu.VMEM_SHARED((HPAD, D), jnp.float32),
            pltpu.VMEM((3 * C,), jnp.int32),
            pltpu.VMEM((C,), jnp.int32),
            pltpu.VMEM((C, D), jnp.float32),
            pltpu.VMEM((3 * C,), jnp.int32),
            pltpu.VMEM((C,), jnp.int32),
            pltpu.VMEM((C, D), jnp.float32),
            pltpu.VMEM((D,), jnp.float32),
            pltpu.SemaphoreType.DMA,
            pltpu.SemaphoreType.DMA,
            pltpu.SemaphoreType.DMA,
            pltpu.SemaphoreType.DMA,
        ],
    )
    return fn(A, B, src, dst, lax.bitcast_convert_type(ef, jnp.int32), we)


def _node_body(nf_ref, nt_ref, agg_ref, ws_ref, w0_ref, w1_ref, w2_ref,
               out_ref):
    aggraw = agg_ref[0]
    wsum = ws_ref[0]
    good = wsum > 0.0
    aggn = jnp.where(good, aggraw / jnp.where(good, wsum, 1.0), 0.0)
    h = jnp.concatenate([nf_ref[...], aggn], axis=1)
    y0 = jnp.maximum(jnp.dot(h, w0_ref[...], preferred_element_type=jnp.float32), 0.0)
    y1 = jnp.maximum(jnp.dot(h, w1_ref[...], preferred_element_type=jnp.float32), 0.0)
    y2 = jnp.maximum(jnp.dot(h, w2_ref[...], preferred_element_type=jnp.float32), 0.0)
    nt = nt_ref[...]
    out_ref[...] = jnp.where(nt == 0, y0, jnp.where(nt == 1, y1, y2))


def _node_update(nf, node_type2, agg2, wred3, W0T, W1T, W2T):
    nb = H // BN
    return pl.pallas_call(
        _node_body,
        grid=(N // BN,),
        in_specs=[
            pl.BlockSpec((BN, D), lambda i: (i, 0)),
            pl.BlockSpec((BN, 1), lambda i: (i, 0)),
            pl.BlockSpec((1, BN, D), lambda i: (i // nb, i % nb, 0)),
            pl.BlockSpec((1, BN, 1), lambda i: (i // nb, i % nb, 0)),
            pl.BlockSpec((2 * D, D), lambda i: (0, 0)),
            pl.BlockSpec((2 * D, D), lambda i: (0, 0)),
            pl.BlockSpec((2 * D, D), lambda i: (0, 0)),
        ],
        out_specs=pl.BlockSpec((BN, D), lambda i: (i, 0)),
        out_shape=jax.ShapeDtypeStruct((N, D), jnp.float32),
    )(nf, node_type2, agg2, wred3, W0T, W1T, W2T)


def kernel(nf, edge_index, init_ef, node_type, W_edge, W_node0, W_node1,
           W_node2):
    src = edge_index[0]
    dst = edge_index[1]
    ef = init_ef[:, 0]
    WsT = W_edge[:, :D].T
    WdT = W_edge[:, D:2 * D].T
    we = W_edge[:, 2 * D]

    A, B = _compute_ab(nf, WsT, WdT)
    _parts, wred = _run_wsum(dst, ef)
    agg2, = _run_agg(A, B, src, dst, ef, we)

    node_type2 = node_type.reshape(N, 1)
    wred3 = wred.reshape(2, HPAD, 1)
    return _node_update(nf, node_type2, agg2, wred3,
                        W_node0.T, W_node1.T, W_node2.T)

# --- scband reference (transcript-rebuilt; emitter-appended) ---
"""Pipeline reference for scband-gnn-nodetypeaware-77111842832648 (READ-ONLY COPY).

The authoritative reference and input builder live on the scoring server;
editing this copy changes nothing except your own understanding.
"""

import jax, jax.numpy as jnp
import numpy as np

N = 100000
E = 3200000
IN_DIM = 32
OUT_DIM = 32


def setup_inputs(seed: int = 0) -> dict:
    key = jax.random.key(seed)
    ks = jax.random.split(key, 8)
    nf = jax.random.normal(ks[0], (N, IN_DIM), dtype=jnp.float32)
    edge_index = jax.random.randint(ks[1], (2, E), 0, N, dtype=jnp.int32)
    init_ef = jax.random.uniform(ks[2], (E, 1), dtype=jnp.float32)
    node_type = jax.random.randint(ks[3], (N,), 0, 3, dtype=jnp.int32)
    s1 = 1.0 / np.sqrt(2 * IN_DIM + 1)
    s2 = 1.0 / np.sqrt(OUT_DIM + IN_DIM)
    W_edge = jax.random.uniform(ks[4], (OUT_DIM, 2 * IN_DIM + 1), dtype=jnp.float32, minval=-s1, maxval=s1)
    W_node0 = jax.random.uniform(ks[5], (OUT_DIM, OUT_DIM + IN_DIM), dtype=jnp.float32, minval=-s2, maxval=s2)
    W_node1 = jax.random.uniform(ks[6], (OUT_DIM, OUT_DIM + IN_DIM), dtype=jnp.float32, minval=-s2, maxval=s2)
    W_node2 = jax.random.uniform(ks[7], (OUT_DIM, OUT_DIM + IN_DIM), dtype=jnp.float32, minval=-s2, maxval=s2)
    return {"nf": nf, "edge_index": edge_index, "init_ef": init_ef, "node_type": node_type,
            "W_edge": W_edge, "W_node0": W_node0, "W_node1": W_node1, "W_node2": W_node2}


def reference(nf, edge_index, init_ef, node_type, W_edge, W_node0, W_node1, W_node2):
    src = edge_index[0]
    dst = edge_index[1]
    # message_func: msg = ReLU(Linear([src_nf, dst_nf, init_ef]))
    ef_in = jnp.concatenate([nf[src], nf[dst], init_ef], axis=-1)
    msg = jax.nn.relu(ef_in @ W_edge.T)
    # reduce_func: per-dst-node inverse-edge-feature weighted mean (weights normalized over in-edges)
    w = 1.0 / (init_ef + 1e-05)  # [E,1]
    wsum = jax.ops.segment_sum(w, dst, num_segments=N)  # [N,1]
    norm_w = w / wsum[dst]
    agg = jax.ops.segment_sum(msg * norm_w, dst, num_segments=N)  # [N,OUT_DIM]; zero for 0-in-degree nodes (DGL semantics)
    # apply_func: per-node-type MLP on [nf, agg]
    nf_in = jnp.concatenate([nf, agg], axis=-1)
    out0 = jax.nn.relu(nf_in @ W_node0.T)
    out1 = jax.nn.relu(nf_in @ W_node1.T)
    out2 = jax.nn.relu(nf_in @ W_node2.T)
    outs = jnp.stack([out0, out1, out2], axis=0)  # [3,N,OUT_DIM]
    oh = jax.nn.one_hot(node_type, 3, dtype=nf.dtype)  # [N,3]
    nf_out = jnp.einsum('tnd,nt->nd', outs, oh)
    return nf_out

if __name__ == "__main__":
    import jax
    _d = setup_inputs()
    print(jax.jit(kernel)(*tuple(_d.values())))

</pallas_src>

<mosaic_0001>
#map = affine_map<(d0, d1) -> (0, 0)>
#map1 = affine_map<(d0, d1) -> (0)>
#map2 = affine_map<(d0, d1) -> (0, 0, 0)>
module attributes {stable_mosaic.version = 14 : i64} {
  func.func @_agg_body(%arg0: i32, %arg1: i32, %arg2: memref<100000x32xf32, #tpu.memory_space<hbm>>, %arg3: memref<100000x32xf32, #tpu.memory_space<hbm>>, %arg4: memref<3200000xi32, #tpu.memory_space<hbm>>, %arg5: memref<3200000xi32, #tpu.memory_space<hbm>>, %arg6: memref<3200000xi32, #tpu.memory_space<hbm>>, %arg7: memref<32xf32, #tpu.memory_space<hbm>>, %arg8: memref<2x50176x32xf32, #tpu.memory_space<hbm>>, %arg9: memref<50176x32xf32, #tpu.memory_space<vmem_shared>>, %arg10: memref<1200xi32, #tpu.memory_space<vmem>>, %arg11: memref<400xi32, #tpu.memory_space<vmem>>, %arg12: memref<400x32xf32, #tpu.memory_space<vmem>>, %arg13: memref<1200xi32, #tpu.memory_space<vmem>>, %arg14: memref<400xi32, #tpu.memory_space<vmem>>, %arg15: memref<400x32xf32, #tpu.memory_space<vmem>>, %arg16: memref<32xf32, #tpu.memory_space<vmem>>, %arg17: memref<!tpu.dma_semaphore, #tpu.memory_space<semaphore_mem>>, %arg18: memref<!tpu.dma_semaphore, #tpu.memory_space<semaphore_mem>>, %arg19: memref<!tpu.dma_semaphore, #tpu.memory_space<semaphore_mem>>, %arg20: memref<!tpu.dma_semaphore, #tpu.memory_space<semaphore_mem>>) attributes {dimension_semantics = [#tpu.dimension_semantics<core_parallel>, #tpu.dimension_semantics<subcore_parallel>], iteration_bounds = array<i64: 2, 16>, scalar_prefetch = 0 : i64, scratch_operands = 12 : i64, tpu.core_type = #tpu.core_type<sc_vector_subcore>, window_params = [{transform_indices = #map}, {transform_indices = #map}, {transform_indices = #map1}, {transform_indices = #map1}, {transform_indices = #map1}, {transform_indices = #map1}, {transform_indices = #map2}]} {
    %mul3A = arith.constant 50000 : i32
    %mul3A_0 = arith.muli %arg0, %mul3A : i32
    %broadcast_in_dim3A = arith.constant 0.000000e+00 : f32
    %broadcast_in_dim3A_1 = vector.broadcast %broadcast_in_dim3A : f32 to vector<16xf32>
    %scan3A = arith.constant 0 : i32
    %scan3A_2 = arith.constant 0 : i32
    %scan3A_3 = arith.constant 400 : i32
    %scan3A_4 = arith.addi %scan3A_2, %scan3A_3 : i32
    %scan3A_5 = arith.constant 1 : i32
    scf.for %scan3A_65 = %scan3A_2 to %scan3A_4 step %scan3A_5  : i32 {
      %swap3A = arith.index_cast %scan3A_65 : i32 to index
      %swap3A_66 = arith.constant 0 : index
      %swap3A_67 = tpu.vector_load %arg12[%swap3A, %swap3A_66] {strides = array<i32>} : memref<400x32xf32, #tpu.memory_space<vmem>>, vector<16xf32>,
      tpu.vector_store %arg12[%swap3A, %swap3A_66], %broadcast_in_dim3A_1 {strides = array<i32>} : memref<400x32xf32, #tpu.memory_space<vmem>>, vector<16xf32>,
      %swap3A_68 = arith.index_cast %scan3A_65 : i32 to index
      %swap3A_69 = arith.constant 16 : index
      %swap3A_70 = tpu.vector_load %arg12[%swap3A_68, %swap3A_69] {strides = array<i32>} : memref<400x32xf32, #tpu.memory_space<vmem>>, vector<16xf32>,
      tpu.vector_store %arg12[%swap3A_68, %swap3A_69], %broadcast_in_dim3A_1 {strides = array<i32>} : memref<400x32xf32, #tpu.memory_space<vmem>>, vector<16xf32>,
    }
    %scan3A_6 = arith.constant 400 : i32
    %mul3A_7 = arith.constant 3136 : i32
    %mul3A_8 = arith.muli %arg1, %mul3A_7 : i32
    %add3A = arith.constant 0 : i32
    %add3A_9 = arith.addi %mul3A_8, %add3A : i32
    "tpu.region"() ({
      %run_scoped3A = tpu.sem_alloc : memref<!tpu.dma_semaphore, #tpu.memory_space<semaphore_mem>>
      %dma_start3A_65 = arith.constant 0 : i32
      %dma_start3A_66 = arith.constant 0 : i32
      %dma_start3A_67 = tpu.memref_slice %arg12[%dma_start3A_65, %dma_start3A_66] : memref<400x32xf32, #tpu.memory_space<vmem>> -> memref<392x32xf32, #tpu.memory_space<vmem>>
      %dma_start3A_68 = arith.constant 0 : i32
      %dma_start3A_69 = tpu.memref_slice %arg9[%add3A_9, %dma_start3A_68] : memref<50176x32xf32, #tpu.memory_space<vmem_shared>> -> memref<392x32xf32, #tpu.memory_space<vmem_shared>>
      %dma_start3A_70 = arith.constant 0 : i32
      %dma_start3A_71 = tpu.memref_slice %arg9[%add3A_9, %dma_start3A_70] : memref<50176x32xf32, #tpu.memory_space<vmem_shared>> -> memref<392x32xf32, #tpu.memory_space<vmem_shared>>
      %dma_start3A_72 = arith.constant 0 : i32
      %dma_start3A_73 = arith.constant 0 : i32
      %dma_start3A_74 = tpu.memref_slice %arg12[%dma_start3A_72, %dma_start3A_73] : memref<400x32xf32, #tpu.memory_space<vmem>> -> memref<392x32xf32, #tpu.memory_space<vmem>>
      tpu.enqueue_dma source(%dma_start3A_74 : memref<392x32xf32, #tpu.memory_space<vmem>>) target(%dma_start3A_71 : memref<392x32xf32, #tpu.memory_space<vmem_shared>>) target_semaphore(%run_scoped3A : memref<!tpu.dma_semaphore, #tpu.memory_space<semaphore_mem>>)
      %dma_wait3A_75 = arith.constant 0 : i32
      %dma_wait3A_76 = arith.constant 0 : i32
      %dma_wait3A_77 = tpu.memref_slice %arg12[%dma_wait3A_75, %dma_wait3A_76] : memref<400x32xf32, #tpu.memory_space<vmem>> -> memref<392x32xf32, #tpu.memory_space<vmem>>
      %dma_wait3A_78 = arith.constant 0 : i32
      %dma_wait3A_79 = tpu.memref_slice %arg9[%add3A_9, %dma_wait3A_78] : memref<50176x32xf32, #tpu.memory_space<vmem_shared>> -> memref<392x32xf32, #tpu.memory_space<vmem_shared>>
      %dma_wait3A_80 = arith.constant 0 : i32
      %dma_wait3A_81 = tpu.memref_slice %arg9[%add3A_9, %dma_wait3A_80] : memref<50176x32xf32, #tpu.memory_space<vmem_shared>> -> memref<392x32xf32, #tpu.memory_space<vmem_shared>>
      %dma_wait3A_82 = arith.constant 0 : i32
      %dma_wait3A_83 = arith.constant 0 : i32
      %dma_wait3A_84 = tpu.memref_slice %arg12[%dma_wait3A_82, %dma_wait3A_83] : memref<400x32xf32, #tpu.memory_space<vmem>> -> memref<392x32xf32, #tpu.memory_space<vmem>>
      tpu.wait_dma2 semaphore(%run_scoped3A : memref<!tpu.dma_semaphore, #tpu.memory_space<semaphore_mem>>) src(%dma_wait3A_84 : memref<392x32xf32, #tpu.memory_space<vmem>>) dst(%dma_wait3A_81 : memref<392x32xf32, #tpu.memory_space<vmem_shared>>)
      tpu.yield
    }) : () -> ()
    %mul3A_10 = arith.constant 3136 : i32
    %mul3A_11 = arith.muli %arg1, %mul3A_10 : i32
    %add3A_12 = arith.constant 392 : i32
    %add3A_13 = arith.addi %mul3A_11, %add3A_12 : i32
    "tpu.region"() ({
      %run_scoped3A = tpu.sem_alloc : memref<!tpu.dma_semaphore, #tpu.memory_space<semaphore_mem>>
      %dma_start3A_65 = arith.constant 0 : i32
      %dma_start3A_66 = arith.constant 0 : i32
      %dma_start3A_67 = tpu.memref_slice %arg12[%dma_start3A_65, %dma_start3A_66] : memref<400x32xf32, #tpu.memory_space<vmem>> -> memref<392x32xf32, #tpu.memory_space<vmem>>
      %dma_start3A_68 = arith.constant 0 : i32
      %dma_start3A_69 = tpu.memref_slice %arg9[%add3A_13, %dma_start3A_68] : memref<50176x32xf32, #tpu.memory_space<vmem_shared>> -> memref<392x32xf32, #tpu.memory_space<vmem_shared>>
      %dma_start3A_70 = arith.constant 0 : i32
      %dma_start3A_71 = tpu.memref_slice %arg9[%add3A_13, %dma_start3A_70] : memref<50176x32xf32, #tpu.memory_space<vmem_shared>> -> memref<392x32xf32, #tpu.memory_space<vmem_shared>>
      %dma_start3A_72 = arith.constant 0 : i32
      %dma_start3A_73 = arith.constant 0 : i32
      %dma_start3A_74 = tpu.memref_slice %arg12[%dma_start3A_72, %dma_start3A_73] : memref<400x32xf32, #tpu.memory_space<vmem>> -> memref<392x32xf32, #tpu.memory_space<vmem>>
      tpu.enqueue_dma source(%dma_start3A_74 : memref<392x32xf32, #tpu.memory_space<vmem>>) target(%dma_start3A_71 : memref<392x32xf32, #tpu.memory_space<vmem_shared>>) target_semaphore(%run_scoped3A : memref<!tpu.dma_semaphore, #tpu.memory_space<semaphore_mem>>)
      %dma_wait3A_75 = arith.constant 0 : i32
      %dma_wait3A_76 = arith.constant 0 : i32
      %dma_wait3A_77 = tpu.memref_slice %arg12[%dma_wait3A_75, %dma_wait3A_76] : memref<400x32xf32, #tpu.memory_space<vmem>> -> memref<392x32xf32, #tpu.memory_space<vmem>>
      %dma_wait3A_78 = arith.constant 0 : i32
      %dma_wait3A_79 = tpu.memref_slice %arg9[%add3A_13, %dma_wait3A_78] : memref<50176x32xf32, #tpu.memory_space<vmem_shared>> -> memref<392x32xf32, #tpu.memory_space<vmem_shared>>
      %dma_wait3A_80 = arith.constant 0 : i32
      %dma_wait3A_81 = tpu.memref_slice %arg9[%add3A_13, %dma_wait3A_80] : memref<50176x32xf32, #tpu.memory_space<vmem_shared>> -> memref<392x32xf32, #tpu.memory_space<vmem_shared>>
      %dma_wait3A_82 = arith.constant 0 : i32
      %dma_wait3A_83 = arith.constant 0 : i32
      %dma_wait3A_84 = tpu.memref_slice %arg12[%dma_wait3A_82, %dma_wait3A_83] : memref<400x32xf32, #tpu.memory_space<vmem>> -> memref<392x32xf32, #tpu.memory_space<vmem>>
      tpu.wait_dma2 semaphore(%run_scoped3A : memref<!tpu.dma_semaphore, #tpu.memory_space<semaphore_mem>>) src(%dma_wait3A_84 : memref<392x32xf32, #tpu.memory_space<vmem>>) dst(%dma_wait3A_81 : memref<392x32xf32, #tpu.memory_space<vmem_shared>>)
      tpu.yield
    }) : () -> ()
    %mul3A_14 = arith.constant 3136 : i32
    %mul3A_15 = arith.muli %arg1, %mul3A_14 : i32
    %add3A_16 = arith.constant 784 : i32
    %add3A_17 = arith.addi %mul3A_15, %add3A_16 : i32
    "tpu.region"() ({
      %run_scoped3A = tpu.sem_alloc : memref<!tpu.dma_semaphore, #tpu.memory_space<semaphore_mem>>
      %dma_start3A_65 = arith.constant 0 : i32
      %dma_start3A_66 = arith.constant 0 : i32
      %dma_start3A_67 = tpu.memref_slice %arg12[%dma_start3A_65, %dma_start3A_66] : memref<400x32xf32, #tpu.memory_space<vmem>> -> memref<392x32xf32, #tpu.memory_space<vmem>>
      %dma_start3A_68 = arith.constant 0 : i32
      %dma_start3A_69 = tpu.memref_slice %arg9[%add3A_17, %dma_start3A_68] : memref<50176x32xf32, #tpu.memory_space<vmem_shared>> -> memref<392x32xf32, #tpu.memory_space<vmem_shared>>
      %dma_start3A_70 = arith.constant 0 : i32
      %dma_start3A_71 = tpu.memref_slice %arg9[%add3A_17, %dma_start3A_70] : memref<50176x32xf32, #tpu.memory_space<vmem_shared>> -> memref<392x32xf32, #tpu.memory_space<vmem_shared>>
      %dma_start3A_72 = arith.constant 0 : i32
      %dma_start3A_73 = arith.constant 0 : i32
      %dma_start3A_74 = tpu.memref_slice %arg12[%dma_start3A_72, %dma_start3A_73] : memref<400x32xf32, #tpu.memory_space<vmem>> -> memref<392x32xf32, #tpu.memory_space<vmem>>
      tpu.enqueue_dma source(%dma_start3A_74 : memref<392x32xf32, #tpu.memory_space<vmem>>) target(%dma_start3A_71 : memref<392x32xf32, #tpu.memory_space<vmem_shared>>) target_semaphore(%run_scoped3A : memref<!tpu.dma_semaphore, #tpu.memory_space<semaphore_mem>>)
      %dma_wait3A_75 = arith.constant 0 : i32
      %dma_wait3A_76 = arith.constant 0 : i32
      %dma_wait3A_77 = tpu.memref_slice %arg12[%dma_wait3A_75, %dma_wait3A_76] : memref<400x32xf32, #tpu.memory_space<vmem>> -> memref<392x32xf32, #tpu.memory_space<vmem>>
      %dma_wait3A_78 = arith.constant 0 : i32
      %dma_wait3A_79 = tpu.memref_slice %arg9[%add3A_17, %dma_wait3A_78] : memref<50176x32xf32, #tpu.memory_space<vmem_shared>> -> memref<392x32xf32, #tpu.memory_space<vmem_shared>>
      %dma_wait3A_80 = arith.constant 0 : i32
      %dma_wait3A_81 = tpu.memref_slice %arg9[%add3A_17, %dma_wait3A_80] : memref<50176x32xf32, #tpu.memory_space<vmem_shared>> -> memref<392x32xf32, #tpu.memory_space<vmem_shared>>
      %dma_wait3A_82 = arith.constant 0 : i32
      %dma_wait3A_83 = arith.constant 0 : i32
      %dma_wait3A_84 = tpu.memref_slice %arg12[%dma_wait3A_82, %dma_wait3A_83] : memref<400x32xf32, #tpu.memory_space<vmem>> -> memref<392x32xf32, #tpu.memory_space<vmem>>
      tpu.wait_dma2 semaphore(%run_scoped3A : memref<!tpu.dma_semaphore, #tpu.memory_space<semaphore_mem>>) src(%dma_wait3A_84 : memref<392x32xf32, #tpu.memory_space<vmem>>) dst(%dma_wait3A_81 : memref<392x32xf32, #tpu.memory_space<vmem_shared>>)
      tpu.yield
    }) : () -> ()
    %mul3A_18 = arith.constant 3136 : i32
    %mul3A_19 = arith.muli %arg1, %mul3A_18 : i32
    %add3A_20 = arith.constant 1176 : i32
    %add3A_21 = arith.addi %mul3A_19, %add3A_20 : i32
    "tpu.region"() ({
      %run_scoped3A = tpu.sem_alloc : memref<!tpu.dma_semaphore, #tpu.memory_space<semaphore_mem>>
      %dma_start3A_65 = arith.constant 0 : i32
      %dma_start3A_66 = arith.constant 0 : i32
      %dma_start3A_67 = tpu.memref_slice %arg12[%dma_start3A_65, %dma_start3A_66] : memref<400x32xf32, #tpu.memory_space<vmem>> -> memref<392x32xf32, #tpu.memory_space<vmem>>
      %dma_start3A_68 = arith.constant 0 : i32
      %dma_start3A_69 = tpu.memref_slice %arg9[%add3A_21, %dma_start3A_68] : memref<50176x32xf32, #tpu.memory_space<vmem_shared>> -> memref<392x32xf32, #tpu.memory_space<vmem_shared>>
      %dma_start3A_70 = arith.constant 0 : i32
      %dma_start3A_71 = tpu.memref_slice %arg9[%add3A_21, %dma_start3A_70] : memref<50176x32xf32, #tpu.memory_space<vmem_shared>> -> memref<392x32xf32, #tpu.memory_space<vmem_shared>>
      %dma_start3A_72 = arith.constant 0 : i32
      %dma_start3A_73 = arith.constant 0 : i32
      %dma_start3A_74 = tpu.memref_slice %arg12[%dma_start3A_72, %dma_start3A_73] : memref<400x32xf32, #tpu.memory_space<vmem>> -> memref<392x32xf32, #tpu.memory_space<vmem>>
      tpu.enqueue_dma source(%dma_start3A_74 : memref<392x32xf32, #tpu.memory_space<vmem>>) target(%dma_start3A_71 : memref<392x32xf32, #tpu.memory_space<vmem_shared>>) target_semaphore(%run_scoped3A : memref<!tpu.dma_semaphore, #tpu.memory_space<semaphore_mem>>)
      %dma_wait3A_75 = arith.constant 0 : i32
      %dma_wait3A_76 = arith.constant 0 : i32
      %dma_wait3A_77 = tpu.memref_slice %arg12[%dma_wait3A_75, %dma_wait3A_76] : memref<400x32xf32, #tpu.memory_space<vmem>> -> memref<392x32xf32, #tpu.memory_space<vmem>>
      %dma_wait3A_78 = arith.constant 0 : i32
      %dma_wait3A_79 = tpu.memref_slice %arg9[%add3A_21, %dma_wait3A_78] : memref<50176x32xf32, #tpu.memory_space<vmem_shared>> -> memref<392x32xf32, #tpu.memory_space<vmem_shared>>
      %dma_wait3A_80 = arith.constant 0 : i32
      %dma_wait3A_81 = tpu.memref_slice %arg9[%add3A_21, %dma_wait3A_80] : memref<50176x32xf32, #tpu.memory_space<vmem_shared>> -> memref<392x32xf32, #tpu.memory_space<vmem_shared>>
      %dma_wait3A_82 = arith.constant 0 : i32
      %dma_wait3A_83 = arith.constant 0 : i32
      %dma_wait3A_84 = tpu.memref_slice %arg12[%dma_wait3A_82, %dma_wait3A_83] : memref<400x32xf32, #tpu.memory_space<vmem>> -> memref<392x32xf32, #tpu.memory_space<vmem>>
      tpu.wait_dma2 semaphore(%run_scoped3A : memref<!tpu.dma_semaphore, #tpu.memory_space<semaphore_mem>>) src(%dma_wait3A_84 : memref<392x32xf32, #tpu.memory_space<vmem>>) dst(%dma_wait3A_81 : memref<392x32xf32, #tpu.memory_space<vmem_shared>>)
      tpu.yield
    }) : () -> ()
    %mul3A_22 = arith.constant 3136 : i32
    %mul3A_23 = arith.muli %arg1, %mul3A_22 : i32
    %add3A_24 = arith.constant 1568 : i32
    %add3A_25 = arith.addi %mul3A_23, %add3A_24 : i32
    "tpu.region"() ({
      %run_scoped3A = tpu.sem_alloc : memref<!tpu.dma_semaphore, #tpu.memory_space<semaphore_mem>>
      %dma_start3A_65 = arith.constant 0 : i32
      %dma_start3A_66 = arith.constant 0 : i32
      %dma_start3A_67 = tpu.memref_slice %arg12[%dma_start3A_65, %dma_start3A_66] : memref<400x32xf32, #tpu.memory_space<vmem>> -> memref<392x32xf32, #tpu.memory_space<vmem>>
      %dma_start3A_68 = arith.constant 0 : i32
      %dma_start3A_69 = tpu.memref_slice %arg9[%add3A_25, %dma_start3A_68] : memref<50176x32xf32, #tpu.memory_space<vmem_shared>> -> memref<392x32xf32, #tpu.memory_space<vmem_shared>>
      %dma_start3A_70 = arith.constant 0 : i32
      %dma_start3A_71 = tpu.memref_slice %arg9[%add3A_25, %dma_start3A_70] : memref<50176x32xf32, #tpu.memory_space<vmem_shared>> -> memref<392x32xf32, #tpu.memory_space<vmem_shared>>
      %dma_start3A_72 = arith.constant 0 : i32
      %dma_start3A_73 = arith.constant 0 : i32
      %dma_start3A_74 = tpu.memref_slice %arg12[%dma_start3A_72, %dma_start3A_73] : memref<400x32xf32, #tpu.memory_space<vmem>> -> memref<392x32xf32, #tpu.memory_space<vmem>>
      tpu.enqueue_dma source(%dma_start3A_74 : memref<392x32xf32, #tpu.memory_space<vmem>>) target(%dma_start3A_71 : memref<392x32xf32, #tpu.memory_space<vmem_shared>>) target_semaphore(%run_scoped3A : memref<!tpu.dma_semaphore, #tpu.memory_space<semaphore_mem>>)
      %dma_wait3A_75 = arith.constant 0 : i32
      %dma_wait3A_76 = arith.constant 0 : i32
      %dma_wait3A_77 = tpu.memref_slice %arg12[%dma_wait3A_75, %dma_wait3A_76] : memref<400x32xf32, #tpu.memory_space<vmem>> -> memref<392x32xf32, #tpu.memory_space<vmem>>
      %dma_wait3A_78 = arith.constant 0 : i32
      %dma_wait3A_79 = tpu.memref_slice %arg9[%add3A_25, %dma_wait3A_78] : memref<50176x32xf32, #tpu.memory_space<vmem_shared>> -> memref<392x32xf32, #tpu.memory_space<vmem_shared>>
      %dma_wait3A_80 = arith.constant 0 : i32
      %dma_wait3A_81 = tpu.memref_slice %arg9[%add3A_25, %dma_wait3A_80] : memref<50176x32xf32, #tpu.memory_space<vmem_shared>> -> memref<392x32xf32, #tpu.memory_space<vmem_shared>>
      %dma_wait3A_82 = arith.constant 0 : i32
      %dma_wait3A_83 = arith.constant 0 : i32
      %dma_wait3A_84 = tpu.memref_slice %arg12[%dma_wait3A_82, %dma_wait3A_83] : memref<400x32xf32, #tpu.memory_space<vmem>> -> memref<392x32xf32, #tpu.memory_space<vmem>>
      tpu.wait_dma2 semaphore(%run_scoped3A : memref<!tpu.dma_semaphore, #tpu.memory_space<semaphore_mem>>) src(%dma_wait3A_84 : memref<392x32xf32, #tpu.memory_space<vmem>>) dst(%dma_wait3A_81 : memref<392x32xf32, #tpu.memory_space<vmem_shared>>)
      tpu.yield
    }) : () -> ()
    %mul3A_26 = arith.constant 3136 : i32
    %mul3A_27 = arith.muli %arg1, %mul3A_26 : i32
    %add3A_28 = arith.constant 1960 : i32
    %add3A_29 = arith.addi %mul3A_27, %add3A_28 : i32
    "tpu.region"() ({
      %run_scoped3A = tpu.sem_alloc : memref<!tpu.dma_semaphore, #tpu.memory_space<semaphore_mem>>
      %dma_start3A_65 = arith.constant 0 : i32
      %dma_start3A_66 = arith.constant 0 : i32
      %dma_start3A_67 = tpu.memref_slice %arg12[%dma_start3A_65, %dma_start3A_66] : memref<400x32xf32, #tpu.memory_space<vmem>> -> memref<392x32xf32, #tpu.memory_space<vmem>>
      %dma_start3A_68 = arith.constant 0 : i32
      %dma_start3A_69 = tpu.memref_slice %arg9[%add3A_29, %dma_start3A_68] : memref<50176x32xf32, #tpu.memory_space<vmem_shared>> -> memref<392x32xf32, #tpu.memory_space<vmem_shared>>
      %dma_start3A_70 = arith.constant 0 : i32
      %dma_start3A_71 = tpu.memref_slice %arg9[%add3A_29, %dma_start3A_70] : memref<50176x32xf32, #tpu.memory_space<vmem_shared>> -> memref<392x32xf32, #tpu.memory_space<vmem_shared>>
      %dma_start3A_72 = arith.constant 0 : i32
      %dma_start3A_73 = arith.constant 0 : i32
      %dma_start3A_74 = tpu.memref_slice %arg12[%dma_start3A_72, %dma_start3A_73] : memref<400x32xf32, #tpu.memory_space<vmem>> -> memref<392x32xf32, #tpu.memory_space<vmem>>
      tpu.enqueue_dma source(%dma_start3A_74 : memref<392x32xf32, #tpu.memory_space<vmem>>) target(%dma_start3A_71 : memref<392x32xf32, #tpu.memory_space<vmem_shared>>) target_semaphore(%run_scoped3A : memref<!tpu.dma_semaphore, #tpu.memory_space<semaphore_mem>>)
      %dma_wait3A_75 = arith.constant 0 : i32
      %dma_wait3A_76 = arith.constant 0 : i32
      %dma_wait3A_77 = tpu.memref_slice %arg12[%dma_wait3A_75, %dma_wait3A_76] : memref<400x32xf32, #tpu.memory_space<vmem>> -> memref<392x32xf32, #tpu.memory_space<vmem>>
      %dma_wait3A_78 = arith.constant 0 : i32
      %dma_wait3A_79 = tpu.memref_slice %arg9[%add3A_29, %dma_wait3A_78] : memref<50176x32xf32, #tpu.memory_space<vmem_shared>> -> memref<392x32xf32, #tpu.memory_space<vmem_shared>>
      %dma_wait3A_80 = arith.constant 0 : i32
      %dma_wait3A_81 = tpu.memref_slice %arg9[%add3A_29, %dma_wait3A_80] : memref<50176x32xf32, #tpu.memory_space<vmem_shared>> -> memref<392x32xf32, #tpu.memory_space<vmem_shared>>
      %dma_wait3A_82 = arith.constant 0 : i32
      %dma_wait3A_83 = arith.constant 0 : i32
      %dma_wait3A_84 = tpu.memref_slice %arg12[%dma_wait3A_82, %dma_wait3A_83] : memref<400x32xf32, #tpu.memory_space<vmem>> -> memref<392x32xf32, #tpu.memory_space<vmem>>
      tpu.wait_dma2 semaphore(%run_scoped3A : memref<!tpu.dma_semaphore, #tpu.memory_space<semaphore_mem>>) src(%dma_wait3A_84 : memref<392x32xf32, #tpu.memory_space<vmem>>) dst(%dma_wait3A_81 : memref<392x32xf32, #tpu.memory_space<vmem_shared>>)
      tpu.yield
    }) : () -> ()
    %mul3A_30 = arith.constant 3136 : i32
    %mul3A_31 = arith.muli %arg1, %mul3A_30 : i32
    %add3A_32 = arith.constant 2352 : i32
    %add3A_33 = arith.addi %mul3A_31, %add3A_32 : i32
    "tpu.region"() ({
      %run_scoped3A = tpu.sem_alloc : memref<!tpu.dma_semaphore, #tpu.memory_space<semaphore_mem>>
      %dma_start3A_65 = arith.constant 0 : i32
      %dma_start3A_66 = arith.constant 0 : i32
      %dma_start3A_67 = tpu.memref_slice %arg12[%dma_start3A_65, %dma_start3A_66] : memref<400x32xf32, #tpu.memory_space<vmem>> -> memref<392x32xf32, #tpu.memory_space<vmem>>
      %dma_start3A_68 = arith.constant 0 : i32
      %dma_start3A_69 = tpu.memref_slice %arg9[%add3A_33, %dma_start3A_68] : memref<50176x32xf32, #tpu.memory_space<vmem_shared>> -> memref<392x32xf32, #tpu.memory_space<vmem_shared>>
      %dma_start3A_70 = arith.constant 0 : i32
      %dma_start3A_71 = tpu.memref_slice %arg9[%add3A_33, %dma_start3A_70] : memref<50176x32xf32, #tpu.memory_space<vmem_shared>> -> memref<392x32xf32, #tpu.memory_space<vmem_shared>>
      %dma_start3A_72 = arith.constant 0 : i32
      %dma_start3A_73 = arith.constant 0 : i32
      %dma_start3A_74 = tpu.memref_slice %arg12[%dma_start3A_72, %dma_start3A_73] : memref<400x32xf32, #tpu.memory_space<vmem>> -> memref<392x32xf32, #tpu.memory_space<vmem>>
      tpu.enqueue_dma source(%dma_start3A_74 : memref<392x32xf32, #tpu.memory_space<vmem>>) target(%dma_start3A_71 : memref<392x32xf32, #tpu.memory_space<vmem_shared>>) target_semaphore(%run_scoped3A : memref<!tpu.dma_semaphore, #tpu.memory_space<semaphore_mem>>)
      %dma_wait3A_75 = arith.constant 0 : i32
      %dma_wait3A_76 = arith.constant 0 : i32
      %dma_wait3A_77 = tpu.memref_slice %arg12[%dma_wait3A_75, %dma_wait3A_76] : memref<400x32xf32, #tpu.memory_space<vmem>> -> memref<392x32xf32, #tpu.memory_space<vmem>>
      %dma_wait3A_78 = arith.constant 0 : i32
      %dma_wait3A_79 = tpu.memref_slice %arg9[%add3A_33, %dma_wait3A_78] : memref<50176x32xf32, #tpu.memory_space<vmem_shared>> -> memref<392x32xf32, #tpu.memory_space<vmem_shared>>
      %dma_wait3A_80 = arith.constant 0 : i32
      %dma_wait3A_81 = tpu.memref_slice %arg9[%add3A_33, %dma_wait3A_80] : memref<50176x32xf32, #tpu.memory_space<vmem_shared>> -> memref<392x32xf32, #tpu.memory_space<vmem_shared>>
      %dma_wait3A_82 = arith.constant 0 : i32
      %dma_wait3A_83 = arith.constant 0 : i32
      %dma_wait3A_84 = tpu.memref_slice %arg12[%dma_wait3A_82, %dma_wait3A_83] : memref<400x32xf32, #tpu.memory_space<vmem>> -> memref<392x32xf32, #tpu.memory_space<vmem>>
      tpu.wait_dma2 semaphore(%run_scoped3A : memref<!tpu.dma_semaphore, #tpu.memory_space<semaphore_mem>>) src(%dma_wait3A_84 : memref<392x32xf32, #tpu.memory_space<vmem>>) dst(%dma_wait3A_81 : memref<392x32xf32, #tpu.memory_space<vmem_shared>>)
      tpu.yield
    }) : () -> ()
    %mul3A_34 = arith.constant 3136 : i32
    %mul3A_35 = arith.muli %arg1, %mul3A_34 : i32
    %add3A_36 = arith.constant 2744 : i32
    %add3A_37 = arith.addi %mul3A_35, %add3A_36 : i32
    "tpu.region"() ({
      %run_scoped3A = tpu.sem_alloc : memref<!tpu.dma_semaphore, #tpu.memory_space<semaphore_mem>>
      %dma_start3A_65 = arith.constant 0 : i32
      %dma_start3A_66 = arith.constant 0 : i32
      %dma_start3A_67 = tpu.memref_slice %arg12[%dma_start3A_65, %dma_start3A_66] : memref<400x32xf32, #tpu.memory_space<vmem>> -> memref<392x32xf32, #tpu.memory_space<vmem>>
      %dma_start3A_68 = arith.constant 0 : i32
      %dma_start3A_69 = tpu.memref_slice %arg9[%add3A_37, %dma_start3A_68] : memref<50176x32xf32, #tpu.memory_space<vmem_shared>> -> memref<392x32xf32, #tpu.memory_space<vmem_shared>>
      %dma_start3A_70 = arith.constant 0 : i32
      %dma_start3A_71 = tpu.memref_slice %arg9[%add3A_37, %dma_start3A_70] : memref<50176x32xf32, #tpu.memory_space<vmem_shared>> -> memref<392x32xf32, #tpu.memory_space<vmem_shared>>
      %dma_start3A_72 = arith.constant 0 : i32
      %dma_start3A_73 = arith.constant 0 : i32
      %dma_start3A_74 = tpu.memref_slice %arg12[%dma_start3A_72, %dma_start3A_73] : memref<400x32xf32, #tpu.memory_space<vmem>> -> memref<392x32xf32, #tpu.memory_space<vmem>>
      tpu.enqueue_dma source(%dma_start3A_74 : memref<392x32xf32, #tpu.memory_space<vmem>>) target(%dma_start3A_71 : memref<392x32xf32, #tpu.memory_space<vmem_shared>>) target_semaphore(%run_scoped3A : memref<!tpu.dma_semaphore, #tpu.memory_space<semaphore_mem>>)
      %dma_wait3A_75 = arith.constant 0 : i32
      %dma_wait3A_76 = arith.constant 0 : i32
      %dma_wait3A_77 = tpu.memref_slice %arg12[%dma_wait3A_75, %dma_wait3A_76] : memref<400x32xf32, #tpu.memory_space<vmem>> -> memref<392x32xf32, #tpu.memory_space<vmem>>
      %dma_wait3A_78 = arith.constant 0 : i32
      %dma_wait3A_79 = tpu.memref_slice %arg9[%add3A_37, %dma_wait3A_78] : memref<50176x32xf32, #tpu.memory_space<vmem_shared>> -> memref<392x32xf32, #tpu.memory_space<vmem_shared>>
      %dma_wait3A_80 = arith.constant 0 : i32
      %dma_wait3A_81 = tpu.memref_slice %arg9[%add3A_37, %dma_wait3A_80] : memref<50176x32xf32, #tpu.memory_space<vmem_shared>> -> memref<392x32xf32, #tpu.memory_space<vmem_shared>>
      %dma_wait3A_82 = arith.constant 0 : i32
      %dma_wait3A_83 = arith.constant 0 : i32
      %dma_wait3A_84 = tpu.memref_slice %arg12[%dma_wait3A_82, %dma_wait3A_83] : memref<400x32xf32, #tpu.memory_space<vmem>> -> memref<392x32xf32, #tpu.memory_space<vmem>>
      tpu.wait_dma2 semaphore(%run_scoped3A : memref<!tpu.dma_semaphore, #tpu.memory_space<semaphore_mem>>) src(%dma_wait3A_84 : memref<392x32xf32, #tpu.memory_space<vmem>>) dst(%dma_wait3A_81 : memref<392x32xf32, #tpu.memory_space<vmem_shared>>)
      tpu.yield
    }) : () -> ()
    "tpu.region"() ({
      %run_scoped3A = tpu.sem_alloc : memref<!tpu.dma_semaphore, #tpu.memory_space<semaphore_mem>>
      tpu.enqueue_dma source(%arg7 : memref<32xf32, #tpu.memory_space<hbm>>) target(%arg16 : memref<32xf32, #tpu.memory_space<vmem>>) target_semaphore(%run_scoped3A : memref<!tpu.dma_semaphore, #tpu.memory_space<semaphore_mem>>)
      tpu.wait_dma2 semaphore(%run_scoped3A : memref<!tpu.dma_semaphore, #tpu.memory_space<semaphore_mem>>) src(%arg7 : memref<32xf32, #tpu.memory_space<hbm>>) dst(%arg16 : memref<32xf32, #tpu.memory_space<vmem>>)
      tpu.yield
    }) : () -> ()
    %get3A = arith.constant 0 : index
    %get3A_38 = tpu.vector_load %arg16[%get3A] {strides = array<i32>} : memref<32xf32, #tpu.memory_space<vmem>>, vector<16xf32>,
    %get3A_39 = arith.constant 16 : index
    %get3A_40 = tpu.vector_load %arg16[%get3A_39] {strides = array<i32>} : memref<32xf32, #tpu.memory_space<vmem>>, vector<16xf32>,
    %barrier3A = arith.constant 0 : index
    tpu.barrier barrier_id(%barrier3A)
    %mul3A_41 = arith.constant 200000 : i32
    %mul3A_42 = arith.muli %arg1, %mul3A_41 : i32
    %add3A_43 = arith.constant 0 : i32
    %add3A_44 = arith.addi %mul3A_42, %add3A_43 : i32
    "tpu.region"() ({
      %run_scoped3A = tpu.sem_alloc : memref<!tpu.dma_semaphore, #tpu.memory_space<semaphore_mem>>
      %dma_start3A_65 = arith.constant 0 : i32
      %dma_start3A_66 = tpu.memref_slice %arg10[%dma_start3A_65] : memref<1200xi32, #tpu.memory_space<vmem>> -> memref<400xi32, #tpu.memory_space<vmem>>
      %dma_start3A_67 = tpu.memref_slice %arg4[%add3A_44] : memref<3200000xi32, #tpu.memory_space<hbm>> -> memref<400xi32, #tpu.memory_space<hbm>>
      %dma_start3A_68 = arith.constant 0 : i32
      %dma_start3A_69 = tpu.memref_slice %arg10[%dma_start3A_68] : memref<1200xi32, #tpu.memory_space<vmem>> -> memref<400xi32, #tpu.memory_space<vmem>>
      %dma_start3A_70 = tpu.memref_slice %arg4[%add3A_44] : memref<3200000xi32, #tpu.memory_space<hbm>> -> memref<400xi32, #tpu.memory_space<hbm>>
      tpu.enqueue_dma source(%dma_start3A_70 : memref<400xi32, #tpu.memory_space<hbm>>) target(%dma_start3A_69 : memref<400xi32, #tpu.memory_space<vmem>>) target_semaphore(%run_scoped3A : memref<!tpu.dma_semaphore, #tpu.memory_space<semaphore_mem>>)
      %dma_wait3A_71 = arith.constant 0 : i32
      %dma_wait3A_72 = tpu.memref_slice %arg10[%dma_wait3A_71] : memref<1200xi32, #tpu.memory_space<vmem>> -> memref<400xi32, #tpu.memory_space<vmem>>
      %dma_wait3A_73 = tpu.memref_slice %arg4[%add3A_44] : memref<3200000xi32, #tpu.memory_space<hbm>> -> memref<400xi32, #tpu.memory_space<hbm>>
      %dma_wait3A_74 = arith.constant 0 : i32
      %dma_wait3A_75 = tpu.memref_slice %arg10[%dma_wait3A_74] : memref<1200xi32, #tpu.memory_space<vmem>> -> memref<400xi32, #tpu.memory_space<vmem>>
      %dma_wait3A_76 = tpu.memref_slice %arg4[%add3A_44] : memref<3200000xi32, #tpu.memory_space<hbm>> -> memref<400xi32, #tpu.memory_space<hbm>>
      tpu.wait_dma2 semaphore(%run_scoped3A : memref<!tpu.dma_semaphore, #tpu.memory_space<semaphore_mem>>) src(%dma_wait3A_76 : memref<400xi32, #tpu.memory_space<hbm>>) dst(%dma_wait3A_75 : memref<400xi32, #tpu.memory_space<vmem>>)
      tpu.yield
    }) : () -> ()
    "tpu.region"() ({
      %run_scoped3A = tpu.sem_alloc : memref<!tpu.dma_semaphore, #tpu.memory_space<semaphore_mem>>
      %dma_start3A_65 = arith.constant 400 : i32
      %dma_start3A_66 = tpu.memref_slice %arg10[%dma_start3A_65] : memref<1200xi32, #tpu.memory_space<vmem>> -> memref<400xi32, #tpu.memory_space<vmem>>
      %dma_start3A_67 = tpu.memref_slice %arg5[%add3A_44] : memref<3200000xi32, #tpu.memory_space<hbm>> -> memref<400xi32, #tpu.memory_space<hbm>>
      %dma_start3A_68 = arith.constant 400 : i32
      %dma_start3A_69 = tpu.memref_slice %arg10[%dma_start3A_68] : memref<1200xi32, #tpu.memory_space<vmem>> -> memref<400xi32, #tpu.memory_space<vmem>>
      %dma_start3A_70 = tpu.memref_slice %arg5[%add3A_44] : memref<3200000xi32, #tpu.memory_space<hbm>> -> memref<400xi32, #tpu.memory_space<hbm>>
      tpu.enqueue_dma source(%dma_start3A_70 : memref<400xi32, #tpu.memory_space<hbm>>) target(%dma_start3A_69 : memref<400xi32, #tpu.memory_space<vmem>>) target_semaphore(%run_scoped3A : memref<!tpu.dma_semaphore, #tpu.memory_space<semaphore_mem>>)
      %dma_wait3A_71 = arith.constant 400 : i32
      %dma_wait3A_72 = tpu.memref_slice %arg10[%dma_wait3A_71] : memref<1200xi32, #tpu.memory_space<vmem>> -> memref<400xi32, #tpu.memory_space<vmem>>
      %dma_wait3A_73 = tpu.memref_slice %arg5[%add3A_44] : memref<3200000xi32, #tpu.memory_space<hbm>> -> memref<400xi32, #tpu.memory_space<hbm>>
      %dma_wait3A_74 = arith.constant 400 : i32
      %dma_wait3A_75 = tpu.memref_slice %arg10[%dma_wait3A_74] : memref<1200xi32, #tpu.memory_space<vmem>> -> memref<400xi32, #tpu.memory_space<vmem>>
      %dma_wait3A_76 = tpu.memref_slice %arg5[%add3A_44] : memref<3200000xi32, #tpu.memory_space<hbm>> -> memref<400xi32, #tpu.memory_space<hbm>>
      tpu.wait_dma2 semaphore(%run_scoped3A : memref<!tpu.dma_semaphore, #tpu.memory_space<semaphore_mem>>) src(%dma_wait3A_76 : memref<400xi32, #tpu.memory_space<hbm>>) dst(%dma_wait3A_75 : memref<400xi32, #tpu.memory_space<vmem>>)
      tpu.yield
    }) : () -> ()
    "tpu.region"() ({
      %run_scoped3A = tpu.sem_alloc : memref<!tpu.dma_semaphore, #tpu.memory_space<semaphore_mem>>
      %dma_start3A_65 = arith.constant 800 : i32
      %dma_start3A_66 = tpu.memref_slice %arg10[%dma_start3A_65] : memref<1200xi32, #tpu.memory_space<vmem>> -> memref<400xi32, #tpu.memory_space<vmem>>
      %dma_start3A_67 = tpu.memref_slice %arg6[%add3A_44] : memref<3200000xi32, #tpu.memory_space<hbm>> -> memref<400xi32, #tpu.memory_space<hbm>>
      %dma_start3A_68 = arith.constant 800 : i32
      %dma_start3A_69 = tpu.memref_slice %arg10[%dma_start3A_68] : memref<1200xi32, #tpu.memory_space<vmem>> -> memref<400xi32, #tpu.memory_space<vmem>>
      %dma_start3A_70 = tpu.memref_slice %arg6[%add3A_44] : memref<3200000xi32, #tpu.memory_space<hbm>> -> memref<400xi32, #tpu.memory_space<hbm>>
      tpu.enqueue_dma source(%dma_start3A_70 : memref<400xi32, #tpu.memory_space<hbm>>) target(%dma_start3A_69 : memref<400xi32, #tpu.memory_space<vmem>>) target_semaphore(%run_scoped3A : memref<!tpu.dma_semaphore, #tpu.memory_space<semaphore_mem>>)
      %dma_wait3A_71 = arith.constant 800 : i32
      %dma_wait3A_72 = tpu.memref_slice %arg10[%dma_wait3A_71] : memref<1200xi32, #tpu.memory_space<vmem>> -> memref<400xi32, #tpu.memory_space<vmem>>
      %dma_wait3A_73 = tpu.memref_slice %arg6[%add3A_44] : memref<3200000xi32, #tpu.memory_space<hbm>> -> memref<400xi32, #tpu.memory_space<hbm>>
      %dma_wait3A_74 = arith.constant 800 : i32
      %dma_wait3A_75 = tpu.memref_slice %arg10[%dma_wait3A_74] : memref<1200xi32, #tpu.memory_space<vmem>> -> memref<400xi32, #tpu.memory_space<vmem>>
      %dma_wait3A_76 = tpu.memref_slice %arg6[%add3A_44] : memref<3200000xi32, #tpu.memory_space<hbm>> -> memref<400xi32, #tpu.memory_space<hbm>>
      tpu.wait_dma2 semaphore(%run_scoped3A : memref<!tpu.dma_semaphore, #tpu.memory_space<semaphore_mem>>) src(%dma_wait3A_76 : memref<400xi32, #tpu.memory_space<hbm>>) dst(%dma_wait3A_75 : memref<400xi32, #tpu.memory_space<vmem>>)
      tpu.yield
    }) : () -> ()
    %dma_start3A = arith.constant 0 : i32
    %dma_start3A_45 = tpu.memref_slice %arg10[%dma_start3A] : memref<1200xi32, #tpu.memory_space<vmem>> -> memref<400xi32, #tpu.memory_space<vmem>>
    %dma_start3A_46 = arith.constant 0 : i32
    %dma_start3A_47 = arith.constant 0 : i32
    %dma_start3A_48 = tpu.memref_slice %arg2[%dma_start3A_46, %dma_start3A_47] : memref<100000x32xf32, #tpu.memory_space<hbm>> -> memref<100000x32xf32, #tpu.memory_space<hbm>>
    tpu.enqueue_indirect_dma source(%dma_start3A_48 : memref<100000x32xf32, #tpu.memory_space<hbm>>) target(%arg12 : memref<400x32xf32, #tpu.memory_space<vmem>>) offsets(%dma_start3A_45 : memref<400xi32, #tpu.memory_space<vmem>>) semaphore(%arg17 : memref<!tpu.dma_semaphore, #tpu.memory_space<semaphore_mem>>)
    %scan3A_49 = arith.constant 0 : i32
    %scan3A_50 = arith.constant 0 : i32
    %scan3A_51 = arith.constant 250 : i32
    %scan3A_52 = arith.addi %scan3A_50, %scan3A_51 : i32
    %scan3A_53 = arith.constant 1 : i32
    scf.for %scan3A_65 = %scan3A_50 to %scan3A_52 step %scan3A_53  : i32 {
      %mul3A_66 = arith.constant 2 : i32
      %mul3A_67 = arith.muli %mul3A_66, %scan3A_65 : i32
      %dma_wait3A_68 = arith.constant 0 : i32
      %dma_wait3A_69 = tpu.memref_slice %arg10[%dma_wait3A_68] : memref<1200xi32, #tpu.memory_space<vmem>> -> memref<400xi32, #tpu.memory_space<vmem>>
      %dma_wait3A_70 = arith.constant 0 : i32
      %dma_wait3A_71 = arith.constant 0 : i32
      %dma_wait3A_72 = tpu.memref_slice %arg2[%dma_wait3A_70, %dma_wait3A_71] : memref<100000x32xf32, #tpu.memory_space<hbm>> -> memref<100000x32xf32, #tpu.memory_space<hbm>>
      tpu.wait_indirect_dma semaphore(%arg17 : memref<!tpu.dma_semaphore, #tpu.memory_space<semaphore_mem>>) src(%dma_wait3A_72 : memref<100000x32xf32, #tpu.memory_space<hbm>>) dst(%arg12 : memref<400x32xf32, #tpu.memory_space<vmem>>)
      %dma_start3A_73 = arith.constant 400 : i32
      %dma_start3A_74 = tpu.memref_slice %arg10[%dma_start3A_73] : memref<1200xi32, #tpu.memory_space<vmem>> -> memref<400xi32, #tpu.memory_space<vmem>>
      %dma_start3A_75 = arith.constant 0 : i32
      %dma_start3A_76 = arith.constant 0 : i32
      %dma_start3A_77 = tpu.memref_slice %arg3[%dma_start3A_75, %dma_start3A_76] : memref<100000x32xf32, #tpu.memory_space<hbm>> -> memref<100000x32xf32, #tpu.memory_space<hbm>>
      tpu.enqueue_indirect_dma source(%dma_start3A_77 : memref<100000x32xf32, #tpu.memory_space<hbm>>) target(%arg12 : memref<400x32xf32, #tpu.memory_space<vmem>>) offsets(%dma_start3A_74 : memref<400xi32, #tpu.memory_space<vmem>>) semaphore(%arg17 : memref<!tpu.dma_semaphore, #tpu.memory_space<semaphore_mem>>) {add = true}
      %gt3A = arith.constant 0 : i32
      %gt3A_78 = arith.cmpi sgt, %scan3A_65, %gt3A : i32
      %convert_element_type3A = arith.extui %gt3A_78 : i1 to i32
      %cond3A = arith.constant 0 : i32
      %cond3A_79 = arith.cmpi ne, %convert_element_type3A, %cond3A : i32
      scf.if %cond3A_79 {
        %dma_wait3A_127 = arith.constant 0 : i32
        %dma_wait3A_128 = arith.constant 0 : i32
        %dma_wait3A_129 = tpu.memref_slice %arg9[%dma_wait3A_127, %dma_wait3A_128] : memref<50176x32xf32, #tpu.memory_space<vmem_shared>> -> memref<50176x32xf32, #tpu.memory_space<vmem_shared>>
        tpu.wait_indirect_dma semaphore(%arg20 : memref<!tpu.dma_semaphore, #tpu.memory_space<semaphore_mem>>) src(%arg15 : memref<400x32xf32, #tpu.memory_space<vmem>>) dst(%dma_wait3A_129 : memref<50176x32xf32, #tpu.memory_space<vmem_shared>>)
      } else {
      }
      %add3A_80 = arith.constant 1 : i32
      %add3A_81 = arith.addi %mul3A_67, %add3A_80 : i32
      %mul3A_82 = arith.constant 200000 : i32
      %mul3A_83 = arith.muli %arg1, %mul3A_82 : i32
      %mul3A_84 = arith.constant 400 : i32
      %mul3A_85 = arith.muli %add3A_81, %mul3A_84 : i32
      %add3A_86 = arith.addi %mul3A_83, %mul3A_85 : i32
      "tpu.region"() ({
        %run_scoped3A = tpu.sem_alloc : memref<!tpu.dma_semaphore, #tpu.memory_space<semaphore_mem>>
        %dma_start3A_127 = arith.constant 0 : i32
        %dma_start3A_128 = tpu.memref_slice %arg13[%dma_start3A_127] : memref<1200xi32, #tpu.memory_space<vmem>> -> memref<400xi32, #tpu.memory_space<vmem>>
        %dma_start3A_129 = tpu.memref_slice %arg4[%add3A_86] : memref<3200000xi32, #tpu.memory_space<hbm>> -> memref<400xi32, #tpu.memory_space<hbm>>
        %dma_start3A_130 = arith.constant 0 : i32
        %dma_start3A_131 = tpu.memref_slice %arg13[%dma_start3A_130] : memref<1200xi32, #tpu.memory_space<vmem>> -> memref<400xi32, #tpu.memory_space<vmem>>
        %dma_start3A_132 = tpu.memref_slice %arg4[%add3A_86] : memref<3200000xi32, #tpu.memory_space<hbm>> -> memref<400xi32, #tpu.memory_space<hbm>>
        tpu.enqueue_dma source(%dma_start3A_132 : memref<400xi32, #tpu.memory_space<hbm>>) target(%dma_start3A_131 : memref<400xi32, #tpu.memory_space<vmem>>) target_semaphore(%run_scoped3A : memref<!tpu.dma_semaphore, #tpu.memory_space<semaphore_mem>>)
        %dma_wait3A_133 = arith.constant 0 : i32
        %dma_wait3A_134 = tpu.memref_slice %arg13[%dma_wait3A_133] : memref<1200xi32, #tpu.memory_space<vmem>> -> memref<400xi32, #tpu.memory_space<vmem>>
        %dma_wait3A_135 = tpu.memref_slice %arg4[%add3A_86] : memref<3200000xi32, #tpu.memory_space<hbm>> -> memref<400xi32, #tpu.memory_space<hbm>>
        %dma_wait3A_136 = arith.constant 0 : i32
        %dma_wait3A_137 = tpu.memref_slice %arg13[%dma_wait3A_136] : memref<1200xi32, #tpu.memory_space<vmem>> -> memref<400xi32, #tpu.memory_space<vmem>>
        %dma_wait3A_138 = tpu.memref_slice %arg4[%add3A_86] : memref<3200000xi32, #tpu.memory_space<hbm>> -> memref<400xi32, #tpu.memory_space<hbm>>
        tpu.wait_dma2 semaphore(%run_scoped3A : memref<!tpu.dma_semaphore, #tpu.memory_space<semaphore_mem>>) src(%dma_wait3A_138 : memref<400xi32, #tpu.memory_space<hbm>>) dst(%dma_wait3A_137 : memref<400xi32, #tpu.memory_space<vmem>>)
        tpu.yield
      }) : () -> ()
      "tpu.region"() ({
        %run_scoped3A = tpu.sem_alloc : memref<!tpu.dma_semaphore, #tpu.memory_space<semaphore_mem>>
        %dma_start3A_127 = arith.constant 400 : i32
        %dma_start3A_128 = tpu.memref_slice %arg13[%dma_start3A_127] : memref<1200xi32, #tpu.memory_space<vmem>> -> memref<400xi32, #tpu.memory_space<vmem>>
        %dma_start3A_129 = tpu.memref_slice %arg5[%add3A_86] : memref<3200000xi32, #tpu.memory_space<hbm>> -> memref<400xi32, #tpu.memory_space<hbm>>
        %dma_start3A_130 = arith.constant 400 : i32
        %dma_start3A_131 = tpu.memref_slice %arg13[%dma_start3A_130] : memref<1200xi32, #tpu.memory_space<vmem>> -> memref<400xi32, #tpu.memory_space<vmem>>
        %dma_start3A_132 = tpu.memref_slice %arg5[%add3A_86] : memref<3200000xi32, #tpu.memory_space<hbm>> -> memref<400xi32, #tpu.memory_space<hbm>>
        tpu.enqueue_dma source(%dma_start3A_132 : memref<400xi32, #tpu.memory_space<hbm>>) target(%dma_start3A_131 : memref<400xi32, #tpu.memory_space<vmem>>) target_semaphore(%run_scoped3A : memref<!tpu.dma_semaphore, #tpu.memory_space<semaphore_mem>>)
        %dma_wait3A_133 = arith.constant 400 : i32
        %dma_wait3A_134 = tpu.memref_slice %arg13[%dma_wait3A_133] : memref<1200xi32, #tpu.memory_space<vmem>> -> memref<400xi32, #tpu.memory_space<vmem>>
        %dma_wait3A_135 = tpu.memref_slice %arg5[%add3A_86] : memref<3200000xi32, #tpu.memory_space<hbm>> -> memref<400xi32, #tpu.memory_space<hbm>>
        %dma_wait3A_136 = arith.constant 400 : i32
        %dma_wait3A_137 = tpu.memref_slice %arg13[%dma_wait3A_136] : memref<1200xi32, #tpu.memory_space<vmem>> -> memref<400xi32, #tpu.memory_space<vmem>>
        %dma_wait3A_138 = tpu.memref_slice %arg5[%add3A_86] : memref<3200000xi32, #tpu.memory_space<hbm>> -> memref<400xi32, #tpu.memory_space<hbm>>
        tpu.wait_dma2 semaphore(%run_scoped3A : memref<!tpu.dma_semaphore, #tpu.memory_space<semaphore_mem>>) src(%dma_wait3A_138 : memref<400xi32, #tpu.memory_space<hbm>>) dst(%dma_wait3A_137 : memref<400xi32, #tpu.memory_space<vmem>>)
        tpu.yield
      }) : () -> ()
      "tpu.region"() ({
        %run_scoped3A = tpu.sem_alloc : memref<!tpu.dma_semaphore, #tpu.memory_space<semaphore_mem>>
        %dma_start3A_127 = arith.constant 800 : i32
        %dma_start3A_128 = tpu.memref_slice %arg13[%dma_start3A_127] : memref<1200xi32, #tpu.memory_space<vmem>> -> memref<400xi32, #tpu.memory_space<vmem>>
        %dma_start3A_129 = tpu.memref_slice %arg6[%add3A_86] : memref<3200000xi32, #tpu.memory_space<hbm>> -> memref<400xi32, #tpu.memory_space<hbm>>
        %dma_start3A_130 = arith.constant 800 : i32
        %dma_start3A_131 = tpu.memref_slice %arg13[%dma_start3A_130] : memref<1200xi32, #tpu.memory_space<vmem>> -> memref<400xi32, #tpu.memory_space<vmem>>
        %dma_start3A_132 = tpu.memref_slice %arg6[%add3A_86] : memref<3200000xi32, #tpu.memory_space<hbm>> -> memref<400xi32, #tpu.memory_space<hbm>>
        tpu.enqueue_dma source(%dma_start3A_132 : memref<400xi32, #tpu.memory_space<hbm>>) target(%dma_start3A_131 : memref<400xi32, #tpu.memory_space<vmem>>) target_semaphore(%run_scoped3A : memref<!tpu.dma_semaphore, #tpu.memory_space<semaphore_mem>>)
        %dma_wait3A_133 = arith.constant 800 : i32
        %dma_wait3A_134 = tpu.memref_slice %arg13[%dma_wait3A_133] : memref<1200xi32, #tpu.memory_space<vmem>> -> memref<400xi32, #tpu.memory_space<vmem>>
        %dma_wait3A_135 = tpu.memref_slice %arg6[%add3A_86] : memref<3200000xi32, #tpu.memory_space<hbm>> -> memref<400xi32, #tpu.memory_space<hbm>>
        %dma_wait3A_136 = arith.constant 800 : i32
        %dma_wait3A_137 = tpu.memref_slice %arg13[%dma_wait3A_136] : memref<1200xi32, #tpu.memory_space<vmem>> -> memref<400xi32, #tpu.memory_space<vmem>>
        %dma_wait3A_138 = tpu.memref_slice %arg6[%add3A_86] : memref<3200000xi32, #tpu.memory_space<hbm>> -> memref<400xi32, #tpu.memory_space<hbm>>
        tpu.wait_dma2 semaphore(%run_scoped3A : memref<!tpu.dma_semaphore, #tpu.memory_space<semaphore_mem>>) src(%dma_wait3A_138 : memref<400xi32, #tpu.memory_space<hbm>>) dst(%dma_wait3A_137 : memref<400xi32, #tpu.memory_space<vmem>>)
        tpu.yield
      }) : () -> ()
      %dma_start3A_87 = arith.constant 0 : i32
      %dma_start3A_88 = tpu.memref_slice %arg13[%dma_start3A_87] : memref<1200xi32, #tpu.memory_space<vmem>> -> memref<400xi32, #tpu.memory_space<vmem>>
      %dma_start3A_89 = arith.constant 0 : i32
      %dma_start3A_90 = arith.constant 0 : i32
      %dma_start3A_91 = tpu.memref_slice %arg2[%dma_start3A_89, %dma_start3A_90] : memref<100000x32xf32, #tpu.memory_space<hbm>> -> memref<100000x32xf32, #tpu.memory_space<hbm>>
      tpu.enqueue_indirect_dma source(%dma_start3A_91 : memref<100000x32xf32, #tpu.memory_space<hbm>>) target(%arg15 : memref<400x32xf32, #tpu.memory_space<vmem>>) offsets(%dma_start3A_88 : memref<400xi32, #tpu.memory_space<vmem>>) semaphore(%arg18 : memref<!tpu.dma_semaphore, #tpu.memory_space<semaphore_mem>>)
      %dma_wait3A_92 = arith.constant 0 : i32
      %dma_wait3A_93 = tpu.memref_slice %arg10[%dma_wait3A_92] : memref<1200xi32, #tpu.memory_space<vmem>> -> memref<400xi32, #tpu.memory_space<vmem>>
      %dma_wait3A_94 = arith.constant 0 : i32
      %dma_wait3A_95 = arith.constant 0 : i32
      %dma_wait3A_96 = tpu.memref_slice %arg2[%dma_wait3A_94, %dma_wait3A_95] : memref<100000x32xf32, #tpu.memory_space<hbm>> -> memref<100000x32xf32, #tpu.memory_space<hbm>>
      tpu.wait_indirect_dma semaphore(%arg17 : memref<!tpu.dma_semaphore, #tpu.memory_space<semaphore_mem>>) src(%dma_wait3A_96 : memref<100000x32xf32, #tpu.memory_space<hbm>>) dst(%arg12 : memref<400x32xf32, #tpu.memory_space<vmem>>)
      %parallel_loop3A = arith.constant 0 : i32
      %parallel_loop3A_97 = arith.constant 25 : i32
      %parallel_loop3A_98 = arith.constant 1 : i32
      scf.for %parallel_loop3A_127 = %parallel_loop3A to %parallel_loop3A_97 step %parallel_loop3A_98  : i32 {
        %parallel_loop3A_128 = arith.constant 16 : i32
        %parallel_loop3A_129 = arith.muli %parallel_loop3A_127, %parallel_loop3A_128 : i32
        %parallel_loop3A_130 = arith.constant 800 : i32
        %parallel_loop3A_131 = arith.addi %parallel_loop3A_130, %parallel_loop3A_129 : i32
        %parallel_loop3A_132 = arith.index_cast %parallel_loop3A_131 : i32 to index
        %parallel_loop3A_133 = tpu.vector_load %arg10[%parallel_loop3A_132] {strides = array<i32>} : memref<1200xi32, #tpu.memory_space<vmem>>, vector<16xi32>,
        %parallel_loop3A_134 = vector.bitcast %parallel_loop3A_133 : vector<16xi32> to vector<16xf32>
        %parallel_loop3A_135 = arith.constant 9.99999974E-6 : f32
        %parallel_loop3A_136 = vector.broadcast %parallel_loop3A_135 : f32 to vector<16xf32>
        %parallel_loop3A_137 = arith.addf %parallel_loop3A_134, %parallel_loop3A_136 : vector<16xf32>
        %parallel_loop3A_138 = arith.constant 1.000000e+00 : f32
        %parallel_loop3A_139 = vector.broadcast %parallel_loop3A_138 : f32 to vector<16xf32>
        %parallel_loop3A_140 = arith.divf %parallel_loop3A_139, %parallel_loop3A_137 : vector<16xf32>
        %parallel_loop3A_141 = arith.constant 16 : i32
        %parallel_loop3A_142 = arith.muli %parallel_loop3A_127, %parallel_loop3A_141 : i32
        %parallel_loop3A_143 = arith.constant 400 : i32
        %parallel_loop3A_144 = arith.addi %parallel_loop3A_143, %parallel_loop3A_142 : i32
        %parallel_loop3A_145 = arith.index_cast %parallel_loop3A_144 : i32 to index
        %parallel_loop3A_146 = tpu.vector_load %arg10[%parallel_loop3A_145] {strides = array<i32>} : memref<1200xi32, #tpu.memory_space<vmem>>, vector<16xi32>,
        %parallel_loop3A_147 = vector.broadcast %mul3A_0 : i32 to vector<16xi32>
        %parallel_loop3A_148 = arith.subi %parallel_loop3A_146, %parallel_loop3A_147 : vector<16xi32>
        %parallel_loop3A_149 = arith.constant 0 : i32
        %parallel_loop3A_150 = vector.broadcast %parallel_loop3A_149 : i32 to vector<16xi32>
        %parallel_loop3A_151 = arith.cmpi sge, %parallel_loop3A_148, %parallel_loop3A_150 : vector<16xi32>
        %parallel_loop3A_152 = arith.constant 50000 : i32
        %parallel_loop3A_153 = vector.broadcast %parallel_loop3A_152 : i32 to vector<16xi32>
        %parallel_loop3A_154 = arith.cmpi slt, %parallel_loop3A_148, %parallel_loop3A_153 : vector<16xi32>
        %parallel_loop3A_155 = arith.andi %parallel_loop3A_151, %parallel_loop3A_154 : vector<16xi1>
        %parallel_loop3A_156 = arith.constant 50000 : i32
        %parallel_loop3A_157 = vector.broadcast %parallel_loop3A_156 : i32 to vector<16xi32>
        %parallel_loop3A_158 = arith.select %parallel_loop3A_155, %parallel_loop3A_148, %parallel_loop3A_157 : vector<16xi1>, vector<16xi32>
        %parallel_loop3A_159 = arith.constant 16 : i32
        %parallel_loop3A_160 = arith.muli %parallel_loop3A_127, %parallel_loop3A_159 : i32
        %parallel_loop3A_161 = arith.index_cast %parallel_loop3A_160 : i32 to index
        %parallel_loop3A_162 = tpu.vector_load %arg11[%parallel_loop3A_161] {strides = array<i32>} : memref<400xi32, #tpu.memory_space<vmem>>, vector<16xi32>,
        tpu.vector_store %arg11[%parallel_loop3A_161], %parallel_loop3A_158 {strides = array<i32>} : memref<400xi32, #tpu.memory_space<vmem>>, vector<16xi32>,
        %parallel_loop3A_163 = arith.constant 16 : i32
        %parallel_loop3A_164 = arith.muli %parallel_loop3A_127, %parallel_loop3A_163 : i32
        %parallel_loop3A_165 = arith.constant 0 : i32
        %parallel_loop3A_166 = arith.addi %parallel_loop3A_164, %parallel_loop3A_165 : i32
        %parallel_loop3A_167 = vector.extract_strided_slice %parallel_loop3A_134 {offsets = [0], sizes = [1], strides = [1]} : vector<16xf32> to vector<1xf32>
        %parallel_loop3A_168 = vector.extract %parallel_loop3A_167[0] : f32 from vector<1xf32>
        %parallel_loop3A_169 = vector.extract_strided_slice %parallel_loop3A_140 {offsets = [0], sizes = [1], strides = [1]} : vector<16xf32> to vector<1xf32>
        %parallel_loop3A_170 = vector.extract %parallel_loop3A_169[0] : f32 from vector<1xf32>
        %parallel_loop3A_171 = arith.index_cast %parallel_loop3A_166 : i32 to index
        %parallel_loop3A_172 = arith.constant 0 : index
        %parallel_loop3A_173 = tpu.vector_load %arg12[%parallel_loop3A_171, %parallel_loop3A_172] {strides = array<i32>} : memref<400x32xf32, #tpu.memory_space<vmem>>, vector<16xf32>,
        %parallel_loop3A_174 = arith.index_cast %parallel_loop3A_166 : i32 to index
        %parallel_loop3A_175 = arith.constant 16 : index
        %parallel_loop3A_176 = tpu.vector_load %arg12[%parallel_loop3A_174, %parallel_loop3A_175] {strides = array<i32>} : memref<400x32xf32, #tpu.memory_space<vmem>>, vector<16xf32>,
        %parallel_loop3A_177 = vector.broadcast %parallel_loop3A_168 : f32 to vector<16xf32>
        %parallel_loop3A_178 = arith.mulf %get3A_38, %parallel_loop3A_177 : vector<16xf32>
        %parallel_loop3A_179 = arith.addf %parallel_loop3A_173, %parallel_loop3A_178 : vector<16xf32>
        %parallel_loop3A_180 = arith.constant 0.000000e+00 : f32
        %parallel_loop3A_181 = vector.broadcast %parallel_loop3A_180 : f32 to vector<16xf32>
        %parallel_loop3A_182 = arith.maximumf %parallel_loop3A_179, %parallel_loop3A_181 : vector<16xf32>
        %parallel_loop3A_183 = vector.broadcast %parallel_loop3A_170 : f32 to vector<16xf32>
        %parallel_loop3A_184 = arith.mulf %parallel_loop3A_182, %parallel_loop3A_183 : vector<16xf32>
        %parallel_loop3A_185 = arith.index_cast %parallel_loop3A_166 : i32 to index
        %parallel_loop3A_186 = arith.constant 0 : index
        %parallel_loop3A_187 = tpu.vector_load %arg12[%parallel_loop3A_185, %parallel_loop3A_186] {strides = array<i32>} : memref<400x32xf32, #tpu.memory_space<vmem>>, vector<16xf32>,
        tpu.vector_store %arg12[%parallel_loop3A_185, %parallel_loop3A_186], %parallel_loop3A_184 {strides = array<i32>} : memref<400x32xf32, #tpu.memory_space<vmem>>, vector<16xf32>,
        %parallel_loop3A_188 = vector.broadcast %parallel_loop3A_168 : f32 to vector<16xf32>
        %parallel_loop3A_189 = arith.mulf %get3A_40, %parallel_loop3A_188 : vector<16xf32>
        %parallel_loop3A_190 = arith.addf %parallel_loop3A_176, %parallel_loop3A_189 : vector<16xf32>
        %parallel_loop3A_191 = arith.constant 0.000000e+00 : f32
        %parallel_loop3A_192 = vector.broadcast %parallel_loop3A_191 : f32 to vector<16xf32>
        %parallel_loop3A_193 = arith.maximumf %parallel_loop3A_190, %parallel_loop3A_192 : vector<16xf32>
        %parallel_loop3A_194 = vector.broadcast %parallel_loop3A_170 : f32 to vector<16xf32>
        %parallel_loop3A_195 = arith.mulf %parallel_loop3A_193, %parallel_loop3A_194 : vector<16xf32>
        %parallel_loop3A_196 = arith.index_cast %parallel_loop3A_166 : i32 to index
        %parallel_loop3A_197 = arith.constant 16 : index
        %parallel_loop3A_198 = tpu.vector_load %arg12[%parallel_loop3A_196, %parallel_loop3A_197] {strides = array<i32>} : memref<400x32xf32, #tpu.memory_space<vmem>>, vector<16xf32>,
        tpu.vector_store %arg12[%parallel_loop3A_196, %parallel_loop3A_197], %parallel_loop3A_195 {strides = array<i32>} : memref<400x32xf32, #tpu.memory_space<vmem>>, vector<16xf32>,
        %parallel_loop3A_199 = arith.constant 16 : i32
        %parallel_loop3A_200 = arith.muli %parallel_loop3A_127, %parallel_loop3A_199 : i32
        %parallel_loop3A_201 = arith.constant 1 : i32
        %parallel_loop3A_202 = arith.addi %parallel_loop3A_200, %parallel_loop3A_201 : i32
        %parallel_loop3A_203 = vector.extract_strided_slice %parallel_loop3A_134 {offsets = [1], sizes = [1], strides = [1]} : vector<16xf32> to vector<1xf32>
        %parallel_loop3A_204 = vector.extract %parallel_loop3A_203[0] : f32 from vector<1xf32>
        %parallel_loop3A_205 = vector.extract_strided_slice %parallel_loop3A_140 {offsets = [1], sizes = [1], strides = [1]} : vector<16xf32> to vector<1xf32>
        %parallel_loop3A_206 = vector.extract %parallel_loop3A_205[0] : f32 from vector<1xf32>
        %parallel_loop3A_207 = arith.index_cast %parallel_loop3A_202 : i32 to index
        %parallel_loop3A_208 = arith.constant 0 : index
        %parallel_loop3A_209 = tpu.vector_load %arg12[%parallel_loop3A_207, %parallel_loop3A_208] {strides = array<i32>} : memref<400x32xf32, #tpu.memory_space<vmem>>, vector<16xf32>,
        %parallel_loop3A_210 = arith.index_cast %parallel_loop3A_202 : i32 to index
        %parallel_loop3A_211 = arith.constant 16 : index
        %parallel_loop3A_212 = tpu.vector_load %arg12[%parallel_loop3A_210, %parallel_loop3A_211] {strides = array<i32>} : memref<400x32xf32, #tpu.memory_space<vmem>>, vector<16xf32>,
        %parallel_loop3A_213 = vector.broadcast %parallel_loop3A_204 : f32 to vector<16xf32>
        %parallel_loop3A_214 = arith.mulf %get3A_38, %parallel_loop3A_213 : vector<16xf32>
        %parallel_loop3A_215 = arith.addf %parallel_loop3A_209, %parallel_loop3A_214 : vector<16xf32>
        %parallel_loop3A_216 = arith.constant 0.000000e+00 : f32
        %parallel_loop3A_217 = vector.broadcast %parallel_loop3A_216 : f32 to vector<16xf32>
        %parallel_loop3A_218 = arith.maximumf %parallel_loop3A_215, %parallel_loop3A_217 : vector<16xf32>
        %parallel_loop3A_219 = vector.broadcast %parallel_loop3A_206 : f32 to vector<16xf32>
        %parallel_loop3A_220 = arith.mulf %parallel_loop3A_218, %parallel_loop3A_219 : vector<16xf32>
        %parallel_loop3A_221 = arith.index_cast %parallel_loop3A_202 : i32 to index
        %parallel_loop3A_222 = arith.constant 0 : index
        %parallel_loop3A_223 = tpu.vector_load %arg12[%parallel_loop3A_221, %parallel_loop3A_222] {strides = array<i32>} : memref<400x32xf32, #tpu.memory_space<vmem>>, vector<16xf32>,
        tpu.vector_store %arg12[%parallel_loop3A_221, %parallel_loop3A_222], %parallel_loop3A_220 {strides = array<i32>} : memref<400x32xf32, #tpu.memory_space<vmem>>, vector<16xf32>,
        %parallel_loop3A_224 = vector.broadcast %parallel_loop3A_204 : f32 to vector<16xf32>
        %parallel_loop3A_225 = arith.mulf %get3A_40, %parallel_loop3A_224 : vector<16xf32>
        %parallel_loop3A_226 = arith.addf %parallel_loop3A_212, %parallel_loop3A_225 : vector<16xf32>
        %parallel_loop3A_227 = arith.constant 0.000000e+00 : f32
        %parallel_loop3A_228 = vector.broadcast %parallel_loop3A_227 : f32 to vector<16xf32>
        %parallel_loop3A_229 = arith.maximumf %parallel_loop3A_226, %parallel_loop3A_228 : vector<16xf32>
        %parallel_loop3A_230 = vector.broadcast %parallel_loop3A_206 : f32 to vector<16xf32>
        %parallel_loop3A_231 = arith.mulf %parallel_loop3A_229, %parallel_loop3A_230 : vector<16xf32>
        %parallel_loop3A_232 = arith.index_cast %parallel_loop3A_202 : i32 to index
        %parallel_loop3A_233 = arith.constant 16 : index
        %parallel_loop3A_234 = tpu.vector_load %arg12[%parallel_loop3A_232, %parallel_loop3A_233] {strides = array<i32>} : memref<400x32xf32, #tpu.memory_space<vmem>>, vector<16xf32>,
        tpu.vector_store %arg12[%parallel_loop3A_232, %parallel_loop3A_233], %parallel_loop3A_231 {strides = array<i32>} : memref<400x32xf32, #tpu.memory_space<vmem>>, vector<16xf32>,
        %parallel_loop3A_235 = arith.constant 16 : i32
        %parallel_loop3A_236 = arith.muli %parallel_loop3A_127, %parallel_loop3A_235 : i32
        %parallel_loop3A_237 = arith.constant 2 : i32
        %parallel_loop3A_238 = arith.addi %parallel_loop3A_236, %parallel_loop3A_237 : i32
        %parallel_loop3A_239 = vector.extract_strided_slice %parallel_loop3A_134 {offsets = [2], sizes = [1], strides = [1]} : vector<16xf32> to vector<1xf32>
        %parallel_loop3A_240 = vector.extract %parallel_loop3A_239[0] : f32 from vector<1xf32>
        %parallel_loop3A_241 = vector.extract_strided_slice %parallel_loop3A_140 {offsets = [2], sizes = [1], strides = [1]} : vector<16xf32> to vector<1xf32>
        %parallel_loop3A_242 = vector.extract %parallel_loop3A_241[0] : f32 from vector<1xf32>
        %parallel_loop3A_243 = arith.index_cast %parallel_loop3A_238 : i32 to index
        %parallel_loop3A_244 = arith.constant 0 : index
        %parallel_loop3A_245 = tpu.vector_load %arg12[%parallel_loop3A_243, %parallel_loop3A_244] {strides = array<i32>} : memref<400x32xf32, #tpu.memory_space<vmem>>, vector<16xf32>,
        %parallel_loop3A_246 = arith.index_cast %parallel_loop3A_238 : i32 to index
        %parallel_loop3A_247 = arith.constant 16 : index
        %parallel_loop3A_248 = tpu.vector_load %arg12[%parallel_loop3A_246, %parallel_loop3A_247] {strides = array<i32>} : memref<400x32xf32, #tpu.memory_space<vmem>>, vector<16xf32>,
        %parallel_loop3A_249 = vector.broadcast %parallel_loop3A_240 : f32 to vector<16xf32>
        %parallel_loop3A_250 = arith.mulf %get3A_38, %parallel_loop3A_249 : vector<16xf32>
        %parallel_loop3A_251 = arith.addf %parallel_loop3A_245, %parallel_loop3A_250 : vector<16xf32>
        %parallel_loop3A_252 = arith.constant 0.000000e+00 : f32
        %parallel_loop3A_253 = vector.broadcast %parallel_loop3A_252 : f32 to vector<16xf32>
        %parallel_loop3A_254 = arith.maximumf %parallel_loop3A_251, %parallel_loop3A_253 : vector<16xf32>
        %parallel_loop3A_255 = vector.broadcast %parallel_loop3A_242 : f32 to vector<16xf32>
        %parallel_loop3A_256 = arith.mulf %parallel_loop3A_254, %parallel_loop3A_255 : vector<16xf32>
        %parallel_loop3A_257 = arith.index_cast %parallel_loop3A_238 : i32 to index
        %parallel_loop3A_258 = arith.constant 0 : index
        %parallel_loop3A_259 = tpu.vector_load %arg12[%parallel_loop3A_257, %parallel_loop3A_258] {strides = array<i32>} : memref<400x32xf32, #tpu.memory_space<vmem>>, vector<16xf32>,
        tpu.vector_store %arg12[%parallel_loop3A_257, %parallel_loop3A_258], %parallel_loop3A_256 {strides = array<i32>} : memref<400x32xf32, #tpu.memory_space<vmem>>, vector<16xf32>,
        %parallel_loop3A_260 = vector.broadcast %parallel_loop3A_240 : f32 to vector<16xf32>
        %parallel_loop3A_261 = arith.mulf %get3A_40, %parallel_loop3A_260 : vector<16xf32>
        %parallel_loop3A_262 = arith.addf %parallel_loop3A_248, %parallel_loop3A_261 : vector<16xf32>
        %parallel_loop3A_263 = arith.constant 0.000000e+00 : f32
        %parallel_loop3A_264 = vector.broadcast %parallel_loop3A_263 : f32 to vector<16xf32>
        %parallel_loop3A_265 = arith.maximumf %parallel_loop3A_262, %parallel_loop3A_264 : vector<16xf32>
        %parallel_loop3A_266 = vector.broadcast %parallel_loop3A_242 : f32 to vector<16xf32>
        %parallel_loop3A_267 = arith.mulf %parallel_loop3A_265, %parallel_loop3A_266 : vector<16xf32>
        %parallel_loop3A_268 = arith.index_cast %parallel_loop3A_238 : i32 to index
        %parallel_loop3A_269 = arith.constant 16 : index
        %parallel_loop3A_270 = tpu.vector_load %arg12[%parallel_loop3A_268, %parallel_loop3A_269] {strides = array<i32>} : memref<400x32xf32, #tpu.memory_space<vmem>>, vector<16xf32>,
        tpu.vector_store %arg12[%parallel_loop3A_268, %parallel_loop3A_269], %parallel_loop3A_267 {strides = array<i32>} : memref<400x32xf32, #tpu.memory_space<vmem>>, vector<16xf32>,
        %parallel_loop3A_271 = arith.constant 16 : i32
        %parallel_loop3A_272 = arith.muli %parallel_loop3A_127, %parallel_loop3A_271 : i32
        %parallel_loop3A_273 = arith.constant 3 : i32
        %parallel_loop3A_274 = arith.addi %parallel_loop3A_272, %parallel_loop3A_273 : i32
        %parallel_loop3A_275 = vector.extract_strided_slice %parallel_loop3A_134 {offsets = [3], sizes = [1], strides = [1]} : vector<16xf32> to vector<1xf32>
        %parallel_loop3A_276 = vector.extract %parallel_loop3A_275[0] : f32 from vector<1xf32>
        %parallel_loop3A_277 = vector.extract_strided_slice %parallel_loop3A_140 {offsets = [3], sizes = [1], strides = [1]} : vector<16xf32> to vector<1xf32>
        %parallel_loop3A_278 = vector.extract %parallel_loop3A_277[0] : f32 from vector<1xf32>
        %parallel_loop3A_279 = arith.index_cast %parallel_loop3A_274 : i32 to index
        %parallel_loop3A_280 = arith.constant 0 : index
        %parallel_loop3A_281 = tpu.vector_load %arg12[%parallel_loop3A_279, %parallel_loop3A_280] {strides = array<i32>} : memref<400x32xf32, #tpu.memory_space<vmem>>, vector<16xf32>,
        %parallel_loop3A_282 = arith.index_cast %parallel_loop3A_274 : i32 to index
        %parallel_loop3A_283 = arith.constant 16 : index
        %parallel_loop3A_284 = tpu.vector_load %arg12[%parallel_loop3A_282, %parallel_loop3A_283] {strides = array<i32>} : memref<400x32xf32, #tpu.memory_space<vmem>>, vector<16xf32>,
        %parallel_loop3A_285 = vector.broadcast %parallel_loop3A_276 : f32 to vector<16xf32>
        %parallel_loop3A_286 = arith.mulf %get3A_38, %parallel_loop3A_285 : vector<16xf32>
        %parallel_loop3A_287 = arith.addf %parallel_loop3A_281, %parallel_loop3A_286 : vector<16xf32>
        %parallel_loop3A_288 = arith.constant 0.000000e+00 : f32
        %parallel_loop3A_289 = vector.broadcast %parallel_loop3A_288 : f32 to vector<16xf32>
        %parallel_loop3A_290 = arith.maximumf %parallel_loop3A_287, %parallel_loop3A_289 : vector<16xf32>
        %parallel_loop3A_291 = vector.broadcast %parallel_loop3A_278 : f32 to vector<16xf32>
        %parallel_loop3A_292 = arith.mulf %parallel_loop3A_290, %parallel_loop3A_291 : vector<16xf32>
        %parallel_loop3A_293 = arith.index_cast %parallel_loop3A_274 : i32 to index
        %parallel_loop3A_294 = arith.constant 0 : index
        %parallel_loop3A_295 = tpu.vector_load %arg12[%parallel_loop3A_293, %parallel_loop3A_294] {strides = array<i32>} : memref<400x32xf32, #tpu.memory_space<vmem>>, vector<16xf32>,
        tpu.vector_store %arg12[%parallel_loop3A_293, %parallel_loop3A_294], %parallel_loop3A_292 {strides = array<i32>} : memref<400x32xf32, #tpu.memory_space<vmem>>, vector<16xf32>,
        %parallel_loop3A_296 = vector.broadcast %parallel_loop3A_276 : f32 to vector<16xf32>
        %parallel_loop3A_297 = arith.mulf %get3A_40, %parallel_loop3A_296 : vector<16xf32>
        %parallel_loop3A_298 = arith.addf %parallel_loop3A_284, %parallel_loop3A_297 : vector<16xf32>
        %parallel_loop3A_299 = arith.constant 0.000000e+00 : f32
        %parallel_loop3A_300 = vector.broadcast %parallel_loop3A_299 : f32 to vector<16xf32>
        %parallel_loop3A_301 = arith.maximumf %parallel_loop3A_298, %parallel_loop3A_300 : vector<16xf32>
        %parallel_loop3A_302 = vector.broadcast %parallel_loop3A_278 : f32 to vector<16xf32>
        %parallel_loop3A_303 = arith.mulf %parallel_loop3A_301, %parallel_loop3A_302 : vector<16xf32>
        %parallel_loop3A_304 = arith.index_cast %parallel_loop3A_274 : i32 to index
        %parallel_loop3A_305 = arith.constant 16 : index
        %parallel_loop3A_306 = tpu.vector_load %arg12[%parallel_loop3A_304, %parallel_loop3A_305] {strides = array<i32>} : memref<400x32xf32, #tpu.memory_space<vmem>>, vector<16xf32>,
        tpu.vector_store %arg12[%parallel_loop3A_304, %parallel_loop3A_305], %parallel_loop3A_303 {strides = array<i32>} : memref<400x32xf32, #tpu.memory_space<vmem>>, vector<16xf32>,
        %parallel_loop3A_307 = arith.constant 16 : i32
        %parallel_loop3A_308 = arith.muli %parallel_loop3A_127, %parallel_loop3A_307 : i32
        %parallel_loop3A_309 = arith.constant 4 : i32
        %parallel_loop3A_310 = arith.addi %parallel_loop3A_308, %parallel_loop3A_309 : i32
        %parallel_loop3A_311 = vector.extract_strided_slice %parallel_loop3A_134 {offsets = [4], sizes = [1], strides = [1]} : vector<16xf32> to vector<1xf32>
        %parallel_loop3A_312 = vector.extract %parallel_loop3A_311[0] : f32 from vector<1xf32>
        %parallel_loop3A_313 = vector.extract_strided_slice %parallel_loop3A_140 {offsets = [4], sizes = [1], strides = [1]} : vector<16xf32> to vector<1xf32>
        %parallel_loop3A_314 = vector.extract %parallel_loop3A_313[0] : f32 from vector<1xf32>
        %parallel_loop3A_315 = arith.index_cast %parallel_loop3A_310 : i32 to index
        %parallel_loop3A_316 = arith.constant 0 : index
        %parallel_loop3A_317 = tpu.vector_load %arg12[%parallel_loop3A_315, %parallel_loop3A_316] {strides = array<i32>} : memref<400x32xf32, #tpu.memory_space<vmem>>, vector<16xf32>,
        %parallel_loop3A_318 = arith.index_cast %parallel_loop3A_310 : i32 to index
        %parallel_loop3A_319 = arith.constant 16 : index
        %parallel_loop3A_320 = tpu.vector_load %arg12[%parallel_loop3A_318, %parallel_loop3A_319] {strides = array<i32>} : memref<400x32xf32, #tpu.memory_space<vmem>>, vector<16xf32>,
        %parallel_loop3A_321 = vector.broadcast %parallel_loop3A_312 : f32 to vector<16xf32>
        %parallel_loop3A_322 = arith.mulf %get3A_38, %parallel_loop3A_321 : vector<16xf32>
        %parallel_loop3A_323 = arith.addf %parallel_loop3A_317, %parallel_loop3A_322 : vector<16xf32>
        %parallel_loop3A_324 = arith.constant 0.000000e+00 : f32
        %parallel_loop3A_325 = vector.broadcast %parallel_loop3A_324 : f32 to vector<16xf32>
        %parallel_loop3A_326 = arith.maximumf %parallel_loop3A_323, %parallel_loop3A_325 : vector<16xf32>
        %parallel_loop3A_327 = vector.broadcast %parallel_loop3A_314 : f32 to vector<16xf32>
        %parallel_loop3A_328 = arith.mulf %parallel_loop3A_326, %parallel_loop3A_327 : vector<16xf32>
        %parallel_loop3A_329 = arith.index_cast %parallel_loop3A_310 : i32 to index
        %parallel_loop3A_330 = arith.constant 0 : index
        %parallel_loop3A_331 = tpu.vector_load %arg12[%parallel_loop3A_329, %parallel_loop3A_330] {strides = array<i32>} : memref<400x32xf32, #tpu.memory_space<vmem>>, vector<16xf32>,
        tpu.vector_store %arg12[%parallel_loop3A_329, %parallel_loop3A_330], %parallel_loop3A_328 {strides = array<i32>} : memref<400x32xf32, #tpu.memory_space<vmem>>, vector<16xf32>,
        %parallel_loop3A_332 = vector.broadcast %parallel_loop3A_312 : f32 to vector<16xf32>
        %parallel_loop3A_333 = arith.mulf %get3A_40, %parallel_loop3A_332 : vector<16xf32>
        %parallel_loop3A_334 = arith.addf %parallel_loop3A_320, %parallel_loop3A_333 : vector<16xf32>
        %parallel_loop3A_335 = arith.constant 0.000000e+00 : f32
        %parallel_loop3A_336 = vector.broadcast %parallel_loop3A_335 : f32 to vector<16xf32>
        %parallel_loop3A_337 = arith.maximumf %parallel_loop3A_334, %parallel_loop3A_336 : vector<16xf32>
        %parallel_loop3A_338 = vector.broadcast %parallel_loop3A_314 : f32 to vector<16xf32>
        %parallel_loop3A_339 = arith.mulf %parallel_loop3A_337, %parallel_loop3A_338 : vector<16xf32>
        %parallel_loop3A_340 = arith.index_cast %parallel_loop3A_310 : i32 to index
        %parallel_loop3A_341 = arith.constant 16 : index
        %parallel_loop3A_342 = tpu.vector_load %arg12[%parallel_loop3A_340, %parallel_loop3A_341] {strides = array<i32>} : memref<400x32xf32, #tpu.memory_space<vmem>>, vector<16xf32>,
        tpu.vector_store %arg12[%parallel_loop3A_340, %parallel_loop3A_341], %parallel_loop3A_339 {strides = array<i32>} : memref<400x32xf32, #tpu.memory_space<vmem>>, vector<16xf32>,
        %parallel_loop3A_343 = arith.constant 16 : i32
        %parallel_loop3A_344 = arith.muli %parallel_loop3A_127, %parallel_loop3A_343 : i32
        %parallel_loop3A_345 = arith.constant 5 : i32
        %parallel_loop3A_346 = arith.addi %parallel_loop3A_344, %parallel_loop3A_345 : i32
        %parallel_loop3A_347 = vector.extract_strided_slice %parallel_loop3A_134 {offsets = [5], sizes = [1], strides = [1]} : vector<16xf32> to vector<1xf32>
        %parallel_loop3A_348 = vector.extract %parallel_loop3A_347[0] : f32 from vector<1xf32>
        %parallel_loop3A_349 = vector.extract_strided_slice %parallel_loop3A_140 {offsets = [5], sizes = [1], strides = [1]} : vector<16xf32> to vector<1xf32>
        %parallel_loop3A_350 = vector.extract %parallel_loop3A_349[0] : f32 from vector<1xf32>
        %parallel_loop3A_351 = arith.index_cast %parallel_loop3A_346 : i32 to index
        %parallel_loop3A_352 = arith.constant 0 : index
        %parallel_loop3A_353 = tpu.vector_load %arg12[%parallel_loop3A_351, %parallel_loop3A_352] {strides = array<i32>} : memref<400x32xf32, #tpu.memory_space<vmem>>, vector<16xf32>,
        %parallel_loop3A_354 = arith.index_cast %parallel_loop3A_346 : i32 to index
        %parallel_loop3A_355 = arith.constant 16 : index
        %parallel_loop3A_356 = tpu.vector_load %arg12[%parallel_loop3A_354, %parallel_loop3A_355] {strides = array<i32>} : memref<400x32xf32, #tpu.memory_space<vmem>>, vector<16xf32>,
        %parallel_loop3A_357 = vector.broadcast %parallel_loop3A_348 : f32 to vector<16xf32>
        %parallel_loop3A_358 = arith.mulf %get3A_38, %parallel_loop3A_357 : vector<16xf32>
        %parallel_loop3A_359 = arith.addf %parallel_loop3A_353, %parallel_loop3A_358 : vector<16xf32>
        %parallel_loop3A_360 = arith.constant 0.000000e+00 : f32
        %parallel_loop3A_361 = vector.broadcast %parallel_loop3A_360 : f32 to vector<16xf32>
        %parallel_loop3A_362 = arith.maximumf %parallel_loop3A_359, %parallel_loop3A_361 : vector<16xf32>
        %parallel_loop3A_363 = vector.broadcast %parallel_loop3A_350 : f32 to vector<16xf32>
        %parallel_loop3A_364 = arith.mulf %parallel_loop3A_362, %parallel_loop3A_363 : vector<16xf32>
        %parallel_loop3A_365 = arith.index_cast %parallel_loop3A_346 : i32 to index
        %parallel_loop3A_366 = arith.constant 0 : index
        %parallel_loop3A_367 = tpu.vector_load %arg12[%parallel_loop3A_365, %parallel_loop3A_366] {strides = array<i32>} : memref<400x32xf32, #tpu.memory_space<vmem>>, vector<16xf32>,
        tpu.vector_store %arg12[%parallel_loop3A_365, %parallel_loop3A_366], %parallel_loop3A_364 {strides = array<i32>} : memref<400x32xf32, #tpu.memory_space<vmem>>, vector<16xf32>,
        %parallel_loop3A_368 = vector.broadcast %parallel_loop3A_348 : f32 to vector<16xf32>
        %parallel_loop3A_369 = arith.mulf %get3A_40, %parallel_loop3A_368 : vector<16xf32>
        %parallel_loop3A_370 = arith.addf %parallel_loop3A_356, %parallel_loop3A_369 : vector<16xf32>
        %parallel_loop3A_371 = arith.constant 0.000000e+00 : f32
        %parallel_loop3A_372 = vector.broadcast %parallel_loop3A_371 : f32 to vector<16xf32>
        %parallel_loop3A_373 = arith.maximumf %parallel_loop3A_370, %parallel_loop3A_372 : vector<16xf32>
        %parallel_loop3A_374 = vector.broadcast %parallel_loop3A_350 : f32 to vector<16xf32>
        %parallel_loop3A_375 = arith.mulf %parallel_loop3A_373, %parallel_loop3A_374 : vector<16xf32>
        %parallel_loop3A_376 = arith.index_cast %parallel_loop3A_346 : i32 to index
        %parallel_loop3A_377 = arith.constant 16 : index
        %parallel_loop3A_378 = tpu.vector_load %arg12[%parallel_loop3A_376, %parallel_loop3A_377] {strides = array<i32>} : memref<400x32xf32, #tpu.memory_space<vmem>>, vector<16xf32>,
        tpu.vector_store %arg12[%parallel_loop3A_376, %parallel_loop3A_377], %parallel_loop3A_375 {strides = array<i32>} : memref<400x32xf32, #tpu.memory_space<vmem>>, vector<16xf32>,
        %parallel_loop3A_379 = arith.constant 16 : i32
        %parallel_loop3A_380 = arith.muli %parallel_loop3A_127, %parallel_loop3A_379 : i32
        %parallel_loop3A_381 = arith.constant 6 : i32
        %parallel_loop3A_382 = arith.addi %parallel_loop3A_380, %parallel_loop3A_381 : i32
        %parallel_loop3A_383 = vector.extract_strided_slice %parallel_loop3A_134 {offsets = [6], sizes = [1], strides = [1]} : vector<16xf32> to vector<1xf32>
        %parallel_loop3A_384 = vector.extract %parallel_loop3A_383[0] : f32 from vector<1xf32>
        %parallel_loop3A_385 = vector.extract_strided_slice %parallel_loop3A_140 {offsets = [6], sizes = [1], strides = [1]} : vector<16xf32> to vector<1xf32>
        %parallel_loop3A_386 = vector.extract %parallel_loop3A_385[0] : f32 from vector<1xf32>
        %parallel_loop3A_387 = arith.index_cast %parallel_loop3A_382 : i32 to index
        %parallel_loop3A_388 = arith.constant 0 : index
        %parallel_loop3A_389 = tpu.vector_load %arg12[%parallel_loop3A_387, %parallel_loop3A_388] {strides = array<i32>} : memref<400x32xf32, #tpu.memory_space<vmem>>, vector<16xf32>,
        %parallel_loop3A_390 = arith.index_cast %parallel_loop3A_382 : i32 to index
        %parallel_loop3A_391 = arith.constant 16 : index
        %parallel_loop3A_392 = tpu.vector_load %arg12[%parallel_loop3A_390, %parallel_loop3A_391] {strides = array<i32>} : memref<400x32xf32, #tpu.memory_space<vmem>>, vector<16xf32>,
        %parallel_loop3A_393 = vector.broadcast %parallel_loop3A_384 : f32 to vector<16xf32>
        %parallel_loop3A_394 = arith.mulf %get3A_38, %parallel_loop3A_393 : vector<16xf32>
        %parallel_loop3A_395 = arith.addf %parallel_loop3A_389, %parallel_loop3A_394 : vector<16xf32>
        %parallel_loop3A_396 = arith.constant 0.000000e+00 : f32
        %parallel_loop3A_397 = vector.broadcast %parallel_loop3A_396 : f32 to vector<16xf32>
        %parallel_loop3A_398 = arith.maximumf %parallel_loop3A_395, %parallel_loop3A_397 : vector<16xf32>
        %parallel_loop3A_399 = vector.broadcast %parallel_loop3A_386 : f32 to vector<16xf32>
        %parallel_loop3A_400 = arith.mulf %parallel_loop3A_398, %parallel_loop3A_399 : vector<16xf32>
        %parallel_loop3A_401 = arith.index_cast %parallel_loop3A_382 : i32 to index
        %parallel_loop3A_402 = arith.constant 0 : index
        %parallel_loop3A_403 = tpu.vector_load %arg12[%parallel_loop3A_401, %parallel_loop3A_402] {strides = array<i32>} : memref<400x32xf32, #tpu.memory_space<vmem>>, vector<16xf32>,
        tpu.vector_store %arg12[%parallel_loop3A_401, %parallel_loop3A_402], %parallel_loop3A_400 {strides = array<i32>} : memref<400x32xf32, #tpu.memory_space<vmem>>, vector<16xf32>,
        %parallel_loop3A_404 = vector.broadcast %parallel_loop3A_384 : f32 to vector<16xf32>
        %parallel_loop3A_405 = arith.mulf %get3A_40, %parallel_loop3A_404 : vector<16xf32>
        %parallel_loop3A_406 = arith.addf %parallel_loop3A_392, %parallel_loop3A_405 : vector<16xf32>
        %parallel_loop3A_407 = arith.constant 0.000000e+00 : f32
        %parallel_loop3A_408 = vector.broadcast %parallel_loop3A_407 : f32 to vector<16xf32>
        %parallel_loop3A_409 = arith.maximumf %parallel_loop3A_406, %parallel_loop3A_408 : vector<16xf32>
        %parallel_loop3A_410 = vector.broadcast %parallel_loop3A_386 : f32 to vector<16xf32>
        %parallel_loop3A_411 = arith.mulf %parallel_loop3A_409, %parallel_loop3A_410 : vector<16xf32>
        %parallel_loop3A_412 = arith.index_cast %parallel_loop3A_382 : i32 to index
        %parallel_loop3A_413 = arith.constant 16 : index
        %parallel_loop3A_414 = tpu.vector_load %arg12[%parallel_loop3A_412, %parallel_loop3A_413] {strides = array<i32>} : memref<400x32xf32, #tpu.memory_space<vmem>>, vector<16xf32>,
        tpu.vector_store %arg12[%parallel_loop3A_412, %parallel_loop3A_413], %parallel_loop3A_411 {strides = array<i32>} : memref<400x32xf32, #tpu.memory_space<vmem>>, vector<16xf32>,
        %parallel_loop3A_415 = arith.constant 16 : i32
        %parallel_loop3A_416 = arith.muli %parallel_loop3A_127, %parallel_loop3A_415 : i32
        %parallel_loop3A_417 = arith.constant 7 : i32
        %parallel_loop3A_418 = arith.addi %parallel_loop3A_416, %parallel_loop3A_417 : i32
        %parallel_loop3A_419 = vector.extract_strided_slice %parallel_loop3A_134 {offsets = [7], sizes = [1], strides = [1]} : vector<16xf32> to vector<1xf32>
        %parallel_loop3A_420 = vector.extract %parallel_loop3A_419[0] : f32 from vector<1xf32>
        %parallel_loop3A_421 = vector.extract_strided_slice %parallel_loop3A_140 {offsets = [7], sizes = [1], strides = [1]} : vector<16xf32> to vector<1xf32>
        %parallel_loop3A_422 = vector.extract %parallel_loop3A_421[0] : f32 from vector<1xf32>
        %parallel_loop3A_423 = arith.index_cast %parallel_loop3A_418 : i32 to index
        %parallel_loop3A_424 = arith.constant 0 : index
        %parallel_loop3A_425 = tpu.vector_load %arg12[%parallel_loop3A_423, %parallel_loop3A_424] {strides = array<i32>} : memref<400x32xf32, #tpu.memory_space<vmem>>, vector<16xf32>,
        %parallel_loop3A_426 = arith.index_cast %parallel_loop3A_418 : i32 to index
        %parallel_loop3A_427 = arith.constant 16 : index
        %parallel_loop3A_428 = tpu.vector_load %arg12[%parallel_loop3A_426, %parallel_loop3A_427] {strides = array<i32>} : memref<400x32xf32, #tpu.memory_space<vmem>>, vector<16xf32>,
        %parallel_loop3A_429 = vector.broadcast %parallel_loop3A_420 : f32 to vector<16xf32>
        %parallel_loop3A_430 = arith.mulf %get3A_38, %parallel_loop3A_429 : vector<16xf32>
        %parallel_loop3A_431 = arith.addf %parallel_loop3A_425, %parallel_loop3A_430 : vector<16xf32>
        %parallel_loop3A_432 = arith.constant 0.000000e+00 : f32
        %parallel_loop3A_433 = vector.broadcast %parallel_loop3A_432 : f32 to vector<16xf32>
        %parallel_loop3A_434 = arith.maximumf %parallel_loop3A_431, %parallel_loop3A_433 : vector<16xf32>
        %parallel_loop3A_435 = vector.broadcast %parallel_loop3A_422 : f32 to vector<16xf32>
        %parallel_loop3A_436 = arith.mulf %parallel_loop3A_434, %parallel_loop3A_435 : vector<16xf32>
        %parallel_loop3A_437 = arith.index_cast %parallel_loop3A_418 : i32 to index
        %parallel_loop3A_438 = arith.constant 0 : index
        %parallel_loop3A_439 = tpu.vector_load %arg12[%parallel_loop3A_437, %parallel_loop3A_438] {strides = array<i32>} : memref<400x32xf32, #tpu.memory_space<vmem>>, vector<16xf32>,
        tpu.vector_store %arg12[%parallel_loop3A_437, %parallel_loop3A_438], %parallel_loop3A_436 {strides = array<i32>} : memref<400x32xf32, #tpu.memory_space<vmem>>, vector<16xf32>,
        %parallel_loop3A_440 = vector.broadcast %parallel_loop3A_420 : f32 to vector<16xf32>
        %parallel_loop3A_441 = arith.mulf %get3A_40, %parallel_loop3A_440 : vector<16xf32>
        %parallel_loop3A_442 = arith.addf %parallel_loop3A_428, %parallel_loop3A_441 : vector<16xf32>
        %parallel_loop3A_443 = arith.constant 0.000000e+00 : f32
        %parallel_loop3A_444 = vector.broadcast %parallel_loop3A_443 : f32 to vector<16xf32>
        %parallel_loop3A_445 = arith.maximumf %parallel_loop3A_442, %parallel_loop3A_444 : vector<16xf32>
        %parallel_loop3A_446 = vector.broadcast %parallel_loop3A_422 : f32 to vector<16xf32>
        %parallel_loop3A_447 = arith.mulf %parallel_loop3A_445, %parallel_loop3A_446 : vector<16xf32>
        %parallel_loop3A_448 = arith.index_cast %parallel_loop3A_418 : i32 to index
        %parallel_loop3A_449 = arith.constant 16 : index
        %parallel_loop3A_450 = tpu.vector_load %arg12[%parallel_loop3A_448, %parallel_loop3A_449] {strides = array<i32>} : memref<400x32xf32, #tpu.memory_space<vmem>>, vector<16xf32>,
        tpu.vector_store %arg12[%parallel_loop3A_448, %parallel_loop3A_449], %parallel_loop3A_447 {strides = array<i32>} : memref<400x32xf32, #tpu.memory_space<vmem>>, vector<16xf32>,
        %parallel_loop3A_451 = arith.constant 16 : i32
        %parallel_loop3A_452 = arith.muli %parallel_loop3A_127, %parallel_loop3A_451 : i32
        %parallel_loop3A_453 = arith.constant 8 : i32
        %parallel_loop3A_454 = arith.addi %parallel_loop3A_452, %parallel_loop3A_453 : i32
        %parallel_loop3A_455 = vector.extract_strided_slice %parallel_loop3A_134 {offsets = [8], sizes = [1], strides = [1]} : vector<16xf32> to vector<1xf32>
        %parallel_loop3A_456 = vector.extract %parallel_loop3A_455[0] : f32 from vector<1xf32>
        %parallel_loop3A_457 = vector.extract_strided_slice %parallel_loop3A_140 {offsets = [8], sizes = [1], strides = [1]} : vector<16xf32> to vector<1xf32>
        %parallel_loop3A_458 = vector.extract %parallel_loop3A_457[0] : f32 from vector<1xf32>
        %parallel_loop3A_459 = arith.index_cast %parallel_loop3A_454 : i32 to index
        %parallel_loop3A_460 = arith.constant 0 : index
        %parallel_loop3A_461 = tpu.vector_load %arg12[%parallel_loop3A_459, %parallel_loop3A_460] {strides = array<i32>} : memref<400x32xf32, #tpu.memory_space<vmem>>, vector<16xf32>,
        %parallel_loop3A_462 = arith.index_cast %parallel_loop3A_454 : i32 to index
        %parallel_loop3A_463 = arith.constant 16 : index
        %parallel_loop3A_464 = tpu.vector_load %arg12[%parallel_loop3A_462, %parallel_loop3A_463] {strides = array<i32>} : memref<400x32xf32, #tpu.memory_space<vmem>>, vector<16xf32>,
        %parallel_loop3A_465 = vector.broadcast %parallel_loop3A_456 : f32 to vector<16xf32>
        %parallel_loop3A_466 = arith.mulf %get3A_38, %parallel_loop3A_465 : vector<16xf32>
        %parallel_loop3A_467 = arith.addf %parallel_loop3A_461, %parallel_loop3A_466 : vector<16xf32>
        %parallel_loop3A_468 = arith.constant 0.000000e+00 : f32
        %parallel_loop3A_469 = vector.broadcast %parallel_loop3A_468 : f32 to vector<16xf32>
        %parallel_loop3A_470 = arith.maximumf %parallel_loop3A_467, %parallel_loop3A_469 : vector<16xf32>
        %parallel_loop3A_471 = vector.broadcast %parallel_loop3A_458 : f32 to vector<16xf32>
        %parallel_loop3A_472 = arith.mulf %parallel_loop3A_470, %parallel_loop3A_471 : vector<16xf32>
        %parallel_loop3A_473 = arith.index_cast %parallel_loop3A_454 : i32 to index
        %parallel_loop3A_474 = arith.constant 0 : index
        %parallel_loop3A_475 = tpu.vector_load %arg12[%parallel_loop3A_473, %parallel_loop3A_474] {strides = array<i32>} : memref<400x32xf32, #tpu.memory_space<vmem>>, vector<16xf32>,
        tpu.vector_store %arg12[%parallel_loop3A_473, %parallel_loop3A_474], %parallel_loop3A_472 {strides = array<i32>} : memref<400x32xf32, #tpu.memory_space<vmem>>, vector<16xf32>,
        %parallel_loop3A_476 = vector.broadcast %parallel_loop3A_456 : f32 to vector<16xf32>
        %parallel_loop3A_477 = arith.mulf %get3A_40, %parallel_loop3A_476 : vector<16xf32>
        %parallel_loop3A_478 = arith.addf %parallel_loop3A_464, %parallel_loop3A_477 : vector<16xf32>
        %parallel_loop3A_479 = arith.constant 0.000000e+00 : f32
        %parallel_loop3A_480 = vector.broadcast %parallel_loop3A_479 : f32 to vector<16xf32>
        %parallel_loop3A_481 = arith.maximumf %parallel_loop3A_478, %parallel_loop3A_480 : vector<16xf32>
        %parallel_loop3A_482 = vector.broadcast %parallel_loop3A_458 : f32 to vector<16xf32>
        %parallel_loop3A_483 = arith.mulf %parallel_loop3A_481, %parallel_loop3A_482 : vector<16xf32>
        %parallel_loop3A_484 = arith.index_cast %parallel_loop3A_454 : i32 to index
        %parallel_loop3A_485 = arith.constant 16 : index
        %parallel_loop3A_486 = tpu.vector_load %arg12[%parallel_loop3A_484, %parallel_loop3A_485] {strides = array<i32>} : memref<400x32xf32, #tpu.memory_space<vmem>>, vector<16xf32>,
        tpu.vector_store %arg12[%parallel_loop3A_484, %parallel_loop3A_485], %parallel_loop3A_483 {strides = array<i32>} : memref<400x32xf32, #tpu.memory_space<vmem>>, vector<16xf32>,
        %parallel_loop3A_487 = arith.constant 16 : i32
        %parallel_loop3A_488 = arith.muli %parallel_loop3A_127, %parallel_loop3A_487 : i32
        %parallel_loop3A_489 = arith.constant 9 : i32
        %parallel_loop3A_490 = arith.addi %parallel_loop3A_488, %parallel_loop3A_489 : i32
        %parallel_loop3A_491 = vector.extract_strided_slice %parallel_loop3A_134 {offsets = [9], sizes = [1], strides = [1]} : vector<16xf32> to vector<1xf32>
        %parallel_loop3A_492 = vector.extract %parallel_loop3A_491[0] : f32 from vector<1xf32>
        %parallel_loop3A_493 = vector.extract_strided_slice %parallel_loop3A_140 {offsets = [9], sizes = [1], strides = [1]} : vector<16xf32> to vector<1xf32>
        %parallel_loop3A_494 = vector.extract %parallel_loop3A_493[0] : f32 from vector<1xf32>
        %parallel_loop3A_495 = arith.index_cast %parallel_loop3A_490 : i32 to index
        %parallel_loop3A_496 = arith.constant 0 : index
        %parallel_loop3A_497 = tpu.vector_load %arg12[%parallel_loop3A_495, %parallel_loop3A_496] {strides = array<i32>} : memref<400x32xf32, #tpu.memory_space<vmem>>, vector<16xf32>,
        %parallel_loop3A_498 = arith.index_cast %parallel_loop3A_490 : i32 to index
        %parallel_loop3A_499 = arith.constant 16 : index
        %parallel_loop3A_500 = tpu.vector_load %arg12[%parallel_loop3A_498, %parallel_loop3A_499] {strides = array<i32>} : memref<400x32xf32, #tpu.memory_space<vmem>>, vector<16xf32>,
        %parallel_loop3A_501 = vector.broadcast %parallel_loop3A_492 : f32 to vector<16xf32>
        %parallel_loop3A_502 = arith.mulf %get3A_38, %parallel_loop3A_501 : vector<16xf32>
        %parallel_loop3A_503 = arith.addf %parallel_loop3A_497, %parallel_loop3A_502 : vector<16xf32>
        %parallel_loop3A_504 = arith.constant 0.000000e+00 : f32
        %parallel_loop3A_505 = vector.broadcast %parallel_loop3A_504 : f32 to vector<16xf32>
        %parallel_loop3A_506 = arith.maximumf %parallel_loop3A_503, %parallel_loop3A_505 : vector<16xf32>
        %parallel_loop3A_507 = vector.broadcast %parallel_loop3A_494 : f32 to vector<16xf32>
        %parallel_loop3A_508 = arith.mulf %parallel_loop3A_506, %parallel_loop3A_507 : vector<16xf32>
        %parallel_loop3A_509 = arith.index_cast %parallel_loop3A_490 : i32 to index
        %parallel_loop3A_510 = arith.constant 0 : index
        %parallel_loop3A_511 = tpu.vector_load %arg12[%parallel_loop3A_509, %parallel_loop3A_510] {strides = array<i32>} : memref<400x32xf32, #tpu.memory_space<vmem>>, vector<16xf32>,
        tpu.vector_store %arg12[%parallel_loop3A_509, %parallel_loop3A_510], %parallel_loop3A_508 {strides = array<i32>} : memref<400x32xf32, #tpu.memory_space<vmem>>, vector<16xf32>,
        %parallel_loop3A_512 = vector.broadcast %parallel_loop3A_492 : f32 to vector<16xf32>
        %parallel_loop3A_513 = arith.mulf %get3A_40, %parallel_loop3A_512 : vector<16xf32>
        %parallel_loop3A_514 = arith.addf %parallel_loop3A_500, %parallel_loop3A_513 : vector<16xf32>
        %parallel_loop3A_515 = arith.constant 0.000000e+00 : f32
        %parallel_loop3A_516 = vector.broadcast %parallel_loop3A_515 : f32 to vector<16xf32>
        %parallel_loop3A_517 = arith.maximumf %parallel_loop3A_514, %parallel_loop3A_516 : vector<16xf32>
        %parallel_loop3A_518 = vector.broadcast %parallel_loop3A_494 : f32 to vector<16xf32>
        %parallel_loop3A_519 = arith.mulf %parallel_loop3A_517, %parallel_loop3A_518 : vector<16xf32>
        %parallel_loop3A_520 = arith.index_cast %parallel_loop3A_490 : i32 to index
        %parallel_loop3A_521 = arith.constant 16 : index
        %parallel_loop3A_522 = tpu.vector_load %arg12[%parallel_loop3A_520, %parallel_loop3A_521] {strides = array<i32>} : memref<400x32xf32, #tpu.memory_space<vmem>>, vector<16xf32>,
        tpu.vector_store %arg12[%parallel_loop3A_520, %parallel_loop3A_521], %parallel_loop3A_519 {strides = array<i32>} : memref<400x32xf32, #tpu.memory_space<vmem>>, vector<16xf32>,
        %parallel_loop3A_523 = arith.constant 16 : i32
        %parallel_loop3A_524 = arith.muli %parallel_loop3A_127, %parallel_loop3A_523 : i32
        %parallel_loop3A_525 = arith.constant 10 : i32
        %parallel_loop3A_526 = arith.addi %parallel_loop3A_524, %parallel_loop3A_525 : i32
        %parallel_loop3A_527 = vector.extract_strided_slice %parallel_loop3A_134 {offsets = [10], sizes = [1], strides = [1]} : vector<16xf32> to vector<1xf32>
        %parallel_loop3A_528 = vector.extract %parallel_loop3A_527[0] : f32 from vector<1xf32>
        %parallel_loop3A_529 = vector.extract_strided_slice %parallel_loop3A_140 {offsets = [10], sizes = [1], strides = [1]} : vector<16xf32> to vector<1xf32>
        %parallel_loop3A_530 = vector.extract %parallel_loop3A_529[0] : f32 from vector<1xf32>
        %parallel_loop3A_531 = arith.index_cast %parallel_loop3A_526 : i32 to index
        %parallel_loop3A_532 = arith.constant 0 : index
        %parallel_loop3A_533 = tpu.vector_load %arg12[%parallel_loop3A_531, %parallel_loop3A_532] {strides = array<i32>} : memref<400x32xf32, #tpu.memory_space<vmem>>, vector<16xf32>,
        %parallel_loop3A_534 = arith.index_cast %parallel_loop3A_526 : i32 to index
        %parallel_loop3A_535 = arith.constant 16 : index
        %parallel_loop3A_536 = tpu.vector_load %arg12[%parallel_loop3A_534, %parallel_loop3A_535] {strides = array<i32>} : memref<400x32xf32, #tpu.memory_space<vmem>>, vector<16xf32>,
        %parallel_loop3A_537 = vector.broadcast %parallel_loop3A_528 : f32 to vector<16xf32>
        %parallel_loop3A_538 = arith.mulf %get3A_38, %parallel_loop3A_537 : vector<16xf32>
        %parallel_loop3A_539 = arith.addf %parallel_loop3A_533, %parallel_loop3A_538 : vector<16xf32>
        %parallel_loop3A_540 = arith.constant 0.000000e+00 : f32
        %parallel_loop3A_541 = vector.broadcast %parallel_loop3A_540 : f32 to vector<16xf32>
        %parallel_loop3A_542 = arith.maximumf %parallel_loop3A_539, %parallel_loop3A_541 : vector<16xf32>
        %parallel_loop3A_543 = vector.broadcast %parallel_loop3A_530 : f32 to vector<16xf32>
        %parallel_loop3A_544 = arith.mulf %parallel_loop3A_542, %parallel_loop3A_543 : vector<16xf32>
        %parallel_loop3A_545 = arith.index_cast %parallel_loop3A_526 : i32 to index
        %parallel_loop3A_546 = arith.constant 0 : index
        %parallel_loop3A_547 = tpu.vector_load %arg12[%parallel_loop3A_545, %parallel_loop3A_546] {strides = array<i32>} : memref<400x32xf32, #tpu.memory_space<vmem>>, vector<16xf32>,
        tpu.vector_store %arg12[%parallel_loop3A_545, %parallel_loop3A_546], %parallel_loop3A_544 {strides = array<i32>} : memref<400x32xf32, #tpu.memory_space<vmem>>, vector<16xf32>,
        %parallel_loop3A_548 = vector.broadcast %parallel_loop3A_528 : f32 to vector<16xf32>
        %parallel_loop3A_549 = arith.mulf %get3A_40, %parallel_loop3A_548 : vector<16xf32>
        %parallel_loop3A_550 = arith.addf %parallel_loop3A_536, %parallel_loop3A_549 : vector<16xf32>
        %parallel_loop3A_551 = arith.constant 0.000000e+00 : f32
        %parallel_loop3A_552 = vector.broadcast %parallel_loop3A_551 : f32 to vector<16xf32>
        %parallel_loop3A_553 = arith.maximumf %parallel_loop3A_550, %parallel_loop3A_552 : vector<16xf32>
        %parallel_loop3A_554 = vector.broadcast %parallel_loop3A_530 : f32 to vector<16xf32>
        %parallel_loop3A_555 = arith.mulf %parallel_loop3A_553, %parallel_loop3A_554 : vector<16xf32>
        %parallel_loop3A_556 = arith.index_cast %parallel_loop3A_526 : i32 to index
        %parallel_loop3A_557 = arith.constant 16 : index
        %parallel_loop3A_558 = tpu.vector_load %arg12[%parallel_loop3A_556, %parallel_loop3A_557] {strides = array<i32>} : memref<400x32xf32, #tpu.memory_space<vmem>>, vector<16xf32>,
        tpu.vector_store %arg12[%parallel_loop3A_556, %parallel_loop3A_557], %parallel_loop3A_555 {strides = array<i32>} : memref<400x32xf32, #tpu.memory_space<vmem>>, vector<16xf32>,
        %parallel_loop3A_559 = arith.constant 16 : i32
        %parallel_loop3A_560 = arith.muli %parallel_loop3A_127, %parallel_loop3A_559 : i32
        %parallel_loop3A_561 = arith.constant 11 : i32
        %parallel_loop3A_562 = arith.addi %parallel_loop3A_560, %parallel_loop3A_561 : i32
        %parallel_loop3A_563 = vector.extract_strided_slice %parallel_loop3A_134 {offsets = [11], sizes = [1], strides = [1]} : vector<16xf32> to vector<1xf32>
        %parallel_loop3A_564 = vector.extract %parallel_loop3A_563[0] : f32 from vector<1xf32>
        %parallel_loop3A_565 = vector.extract_strided_slice %parallel_loop3A_140 {offsets = [11], sizes = [1], strides = [1]} : vector<16xf32> to vector<1xf32>
        %parallel_loop3A_566 = vector.extract %parallel_loop3A_565[0] : f32 from vector<1xf32>
        %parallel_loop3A_567 = arith.index_cast %parallel_loop3A_562 : i32 to index
        %parallel_loop3A_568 = arith.constant 0 : index
        %parallel_loop3A_569 = tpu.vector_load %arg12[%parallel_loop3A_567, %parallel_loop3A_568] {strides = array<i32>} : memref<400x32xf32, #tpu.memory_space<vmem>>, vector<16xf32>,
        %parallel_loop3A_570 = arith.index_cast %parallel_loop3A_562 : i32 to index
        %parallel_loop3A_571 = arith.constant 16 : index
        %parallel_loop3A_572 = tpu.vector_load %arg12[%parallel_loop3A_570, %parallel_loop3A_571] {strides = array<i32>} : memref<400x32xf32, #tpu.memory_space<vmem>>, vector<16xf32>,
        %parallel_loop3A_573 = vector.broadcast %parallel_loop3A_564 : f32 to vector<16xf32>
        %parallel_loop3A_574 = arith.mulf %get3A_38, %parallel_loop3A_573 : vector<16xf32>
        %parallel_loop3A_575 = arith.addf %parallel_loop3A_569, %parallel_loop3A_574 : vector<16xf32>
        %parallel_loop3A_576 = arith.constant 0.000000e+00 : f32
        %parallel_loop3A_577 = vector.broadcast %parallel_loop3A_576 : f32 to vector<16xf32>
        %parallel_loop3A_578 = arith.maximumf %parallel_loop3A_575, %parallel_loop3A_577 : vector<16xf32>
        %parallel_loop3A_579 = vector.broadcast %parallel_loop3A_566 : f32 to vector<16xf32>
        %parallel_loop3A_580 = arith.mulf %parallel_loop3A_578, %parallel_loop3A_579 : vector<16xf32>
        %parallel_loop3A_581 = arith.index_cast %parallel_loop3A_562 : i32 to index
        %parallel_loop3A_582 = arith.constant 0 : index
        %parallel_loop3A_583 = tpu.vector_load %arg12[%parallel_loop3A_581, %parallel_loop3A_582] {strides = array<i32>} : memref<400x32xf32, #tpu.memory_space<vmem>>, vector<16xf32>,
        tpu.vector_store %arg12[%parallel_loop3A_581, %parallel_loop3A_582], %parallel_loop3A_580 {strides = array<i32>} : memref<400x32xf32, #tpu.memory_space<vmem>>, vector<16xf32>,
        %parallel_loop3A_584 = vector.broadcast %parallel_loop3A_564 : f32 to vector<16xf32>
        %parallel_loop3A_585 = arith.mulf %get3A_40, %parallel_loop3A_584 : vector<16xf32>
        %parallel_loop3A_586 = arith.addf %parallel_loop3A_572, %parallel_loop3A_585 : vector<16xf32>
        %parallel_loop3A_587 = arith.constant 0.000000e+00 : f32
        %parallel_loop3A_588 = vector.broadcast %parallel_loop3A_587 : f32 to vector<16xf32>
        %parallel_loop3A_589 = arith.maximumf %parallel_loop3A_586, %parallel_loop3A_588 : vector<16xf32>
        %parallel_loop3A_590 = vector.broadcast %parallel_loop3A_566 : f32 to vector<16xf32>
        %parallel_loop3A_591 = arith.mulf %parallel_loop3A_589, %parallel_loop3A_590 : vector<16xf32>
        %parallel_loop3A_592 = arith.index_cast %parallel_loop3A_562 : i32 to index
        %parallel_loop3A_593 = arith.constant 16 : index
        %parallel_loop3A_594 = tpu.vector_load %arg12[%parallel_loop3A_592, %parallel_loop3A_593] {strides = array<i32>} : memref<400x32xf32, #tpu.memory_space<vmem>>, vector<16xf32>,
        tpu.vector_store %arg12[%parallel_loop3A_592, %parallel_loop3A_593], %parallel_loop3A_591 {strides = array<i32>} : memref<400x32xf32, #tpu.memory_space<vmem>>, vector<16xf32>,
        %parallel_loop3A_595 = arith.constant 16 : i32
        %parallel_loop3A_596 = arith.muli %parallel_loop3A_127, %parallel_loop3A_595 : i32
        %parallel_loop3A_597 = arith.constant 12 : i32
        %parallel_loop3A_598 = arith.addi %parallel_loop3A_596, %parallel_loop3A_597 : i32
        %parallel_loop3A_599 = vector.extract_strided_slice %parallel_loop3A_134 {offsets = [12], sizes = [1], strides = [1]} : vector<16xf32> to vector<1xf32>
        %parallel_loop3A_600 = vector.extract %parallel_loop3A_599[0] : f32 from vector<1xf32>
        %parallel_loop3A_601 = vector.extract_strided_slice %parallel_loop3A_140 {offsets = [12], sizes = [1], strides = [1]} : vector<16xf32> to vector<1xf32>
        %parallel_loop3A_602 = vector.extract %parallel_loop3A_601[0] : f32 from vector<1xf32>
        %parallel_loop3A_603 = arith.index_cast %parallel_loop3A_598 : i32 to index
        %parallel_loop3A_604 = arith.constant 0 : index
        %parallel_loop3A_605 = tpu.vector_load %arg12[%parallel_loop3A_603, %parallel_loop3A_604] {strides = array<i32>} : memref<400x32xf32, #tpu.memory_space<vmem>>, vector<16xf32>,
        %parallel_loop3A_606 = arith.index_cast %parallel_loop3A_598 : i32 to index
        %parallel_loop3A_607 = arith.constant 16 : index
        %parallel_loop3A_608 = tpu.vector_load %arg12[%parallel_loop3A_606, %parallel_loop3A_607] {strides = array<i32>} : memref<400x32xf32, #tpu.memory_space<vmem>>, vector<16xf32>,
        %parallel_loop3A_609 = vector.broadcast %parallel_loop3A_600 : f32 to vector<16xf32>
        %parallel_loop3A_610 = arith.mulf %get3A_38, %parallel_loop3A_609 : vector<16xf32>
        %parallel_loop3A_611 = arith.addf %parallel_loop3A_605, %parallel_loop3A_610 : vector<16xf32>
        %parallel_loop3A_612 = arith.constant 0.000000e+00 : f32
        %parallel_loop3A_613 = vector.broadcast %parallel_loop3A_612 : f32 to vector<16xf32>
        %parallel_loop3A_614 = arith.maximumf %parallel_loop3A_611, %parallel_loop3A_613 : vector<16xf32>
        %parallel_loop3A_615 = vector.broadcast %parallel_loop3A_602 : f32 to vector<16xf32>
        %parallel_loop3A_616 = arith.mulf %parallel_loop3A_614, %parallel_loop3A_615 : vector<16xf32>
        %parallel_loop3A_617 = arith.index_cast %parallel_loop3A_598 : i32 to index
        %parallel_loop3A_618 = arith.constant 0 : index
        %parallel_loop3A_619 = tpu.vector_load %arg12[%parallel_loop3A_617, %parallel_loop3A_618] {strides = array<i32>} : memref<400x32xf32, #tpu.memory_space<vmem>>, vector<16xf32>,
        tpu.vector_store %arg12[%parallel_loop3A_617, %parallel_loop3A_618], %parallel_loop3A_616 {strides = array<i32>} : memref<400x32xf32, #tpu.memory_space<vmem>>, vector<16xf32>,
        %parallel_loop3A_620 = vector.broadcast %parallel_loop3A_600 : f32 to vector<16xf32>
        %parallel_loop3A_621 = arith.mulf %get3A_40, %parallel_loop3A_620 : vector<16xf32>
        %parallel_loop3A_622 = arith.addf %parallel_loop3A_608, %parallel_loop3A_621 : vector<16xf32>
        %parallel_loop3A_623 = arith.constant 0.000000e+00 : f32
        %parallel_loop3A_624 = vector.broadcast %parallel_loop3A_623 : f32 to vector<16xf32>
        %parallel_loop3A_625 = arith.maximumf %parallel_loop3A_622, %parallel_loop3A_624 : vector<16xf32>
        %parallel_loop3A_626 = vector.broadcast %parallel_loop3A_602 : f32 to vector<16xf32>
        %parallel_loop3A_627 = arith.mulf %parallel_loop3A_625, %parallel_loop3A_626 : vector<16xf32>
        %parallel_loop3A_628 = arith.index_cast %parallel_loop3A_598 : i32 to index
        %parallel_loop3A_629 = arith.constant 16 : index
        %parallel_loop3A_630 = tpu.vector_load %arg12[%parallel_loop3A_628, %parallel_loop3A_629] {strides = array<i32>} : memref<400x32xf32, #tpu.memory_space<vmem>>, vector<16xf32>,
        tpu.vector_store %arg12[%parallel_loop3A_628, %parallel_loop3A_629], %parallel_loop3A_627 {strides = array<i32>} : memref<400x32xf32, #tpu.memory_space<vmem>>, vector<16xf32>,
        %parallel_loop3A_631 = arith.constant 16 : i32
        %parallel_loop3A_632 = arith.muli %parallel_loop3A_127, %parallel_loop3A_631 : i32
        %parallel_loop3A_633 = arith.constant 13 : i32
        %parallel_loop3A_634 = arith.addi %parallel_loop3A_632, %parallel_loop3A_633 : i32
        %parallel_loop3A_635 = vector.extract_strided_slice %parallel_loop3A_134 {offsets = [13], sizes = [1], strides = [1]} : vector<16xf32> to vector<1xf32>
        %parallel_loop3A_636 = vector.extract %parallel_loop3A_635[0] : f32 from vector<1xf32>
        %parallel_loop3A_637 = vector.extract_strided_slice %parallel_loop3A_140 {offsets = [13], sizes = [1], strides = [1]} : vector<16xf32> to vector<1xf32>
        %parallel_loop3A_638 = vector.extract %parallel_loop3A_637[0] : f32 from vector<1xf32>
        %parallel_loop3A_639 = arith.index_cast %parallel_loop3A_634 : i32 to index
        %parallel_loop3A_640 = arith.constant 0 : index
        %parallel_loop3A_641 = tpu.vector_load %arg12[%parallel_loop3A_639, %parallel_loop3A_640] {strides = array<i32>} : memref<400x32xf32, #tpu.memory_space<vmem>>, vector<16xf32>,
        %parallel_loop3A_642 = arith.index_cast %parallel_loop3A_634 : i32 to index
        %parallel_loop3A_643 = arith.constant 16 : index
        %parallel_loop3A_644 = tpu.vector_load %arg12[%parallel_loop3A_642, %parallel_loop3A_643] {strides = array<i32>} : memref<400x32xf32, #tpu.memory_space<vmem>>, vector<16xf32>,
        %parallel_loop3A_645 = vector.broadcast %parallel_loop3A_636 : f32 to vector<16xf32>
        %parallel_loop3A_646 = arith.mulf %get3A_38, %parallel_loop3A_645 : vector<16xf32>
        %parallel_loop3A_647 = arith.addf %parallel_loop3A_641, %parallel_loop3A_646 : vector<16xf32>
        %parallel_loop3A_648 = arith.constant 0.000000e+00 : f32
        %parallel_loop3A_649 = vector.broadcast %parallel_loop3A_648 : f32 to vector<16xf32>
        %parallel_loop3A_650 = arith.maximumf %parallel_loop3A_647, %parallel_loop3A_649 : vector<16xf32>
        %parallel_loop3A_651 = vector.broadcast %parallel_loop3A_638 : f32 to vector<16xf32>
        %parallel_loop3A_652 = arith.mulf %parallel_loop3A_650, %parallel_loop3A_651 : vector<16xf32>
        %parallel_loop3A_653 = arith.index_cast %parallel_loop3A_634 : i32 to index
        %parallel_loop3A_654 = arith.constant 0 : index
        %parallel_loop3A_655 = tpu.vector_load %arg12[%parallel_loop3A_653, %parallel_loop3A_654] {strides = array<i32>} : memref<400x32xf32, #tpu.memory_space<vmem>>, vector<16xf32>,
        tpu.vector_store %arg12[%parallel_loop3A_653, %parallel_loop3A_654], %parallel_loop3A_652 {strides = array<i32>} : memref<400x32xf32, #tpu.memory_space<vmem>>, vector<16xf32>,
        %parallel_loop3A_656 = vector.broadcast %parallel_loop3A_636 : f32 to vector<16xf32>
        %parallel_loop3A_657 = arith.mulf %get3A_40, %parallel_loop3A_656 : vector<16xf32>
        %parallel_loop3A_658 = arith.addf %parallel_loop3A_644, %parallel_loop3A_657 : vector<16xf32>
        %parallel_loop3A_659 = arith.constant 0.000000e+00 : f32
        %parallel_loop3A_660 = vector.broadcast %parallel_loop3A_659 : f32 to vector<16xf32>
        %parallel_loop3A_661 = arith.maximumf %parallel_loop3A_658, %parallel_loop3A_660 : vector<16xf32>
        %parallel_loop3A_662 = vector.broadcast %parallel_loop3A_638 : f32 to vector<16xf32>
        %parallel_loop3A_663 = arith.mulf %parallel_loop3A_661, %parallel_loop3A_662 : vector<16xf32>
        %parallel_loop3A_664 = arith.index_cast %parallel_loop3A_634 : i32 to index
        %parallel_loop3A_665 = arith.constant 16 : index
        %parallel_loop3A_666 = tpu.vector_load %arg12[%parallel_loop3A_664, %parallel_loop3A_665] {strides = array<i32>} : memref<400x32xf32, #tpu.memory_space<vmem>>, vector<16xf32>,
        tpu.vector_store %arg12[%parallel_loop3A_664, %parallel_loop3A_665], %parallel_loop3A_663 {strides = array<i32>} : memref<400x32xf32, #tpu.memory_space<vmem>>, vector<16xf32>,
        %parallel_loop3A_667 = arith.constant 16 : i32
        %parallel_loop3A_668 = arith.muli %parallel_loop3A_127, %parallel_loop3A_667 : i32
        %parallel_loop3A_669 = arith.constant 14 : i32
        %parallel_loop3A_670 = arith.addi %parallel_loop3A_668, %parallel_loop3A_669 : i32
        %parallel_loop3A_671 = vector.extract_strided_slice %parallel_loop3A_134 {offsets = [14], sizes = [1], strides = [1]} : vector<16xf32> to vector<1xf32>
        %parallel_loop3A_672 = vector.extract %parallel_loop3A_671[0] : f32 from vector<1xf32>
        %parallel_loop3A_673 = vector.extract_strided_slice %parallel_loop3A_140 {offsets = [14], sizes = [1], strides = [1]} : vector<16xf32> to vector<1xf32>
        %parallel_loop3A_674 = vector.extract %parallel_loop3A_673[0] : f32 from vector<1xf32>
        %parallel_loop3A_675 = arith.index_cast %parallel_loop3A_670 : i32 to index
        %parallel_loop3A_676 = arith.constant 0 : index
        %parallel_loop3A_677 = tpu.vector_load %arg12[%parallel_loop3A_675, %parallel_loop3A_676] {strides = array<i32>} : memref<400x32xf32, #tpu.memory_space<vmem>>, vector<16xf32>,
        %parallel_loop3A_678 = arith.index_cast %parallel_loop3A_670 : i32 to index
        %parallel_loop3A_679 = arith.constant 16 : index
        %parallel_loop3A_680 = tpu.vector_load %arg12[%parallel_loop3A_678, %parallel_loop3A_679] {strides = array<i32>} : memref<400x32xf32, #tpu.memory_space<vmem>>, vector<16xf32>,
        %parallel_loop3A_681 = vector.broadcast %parallel_loop3A_672 : f32 to vector<16xf32>
        %parallel_loop3A_682 = arith.mulf %get3A_38, %parallel_loop3A_681 : vector<16xf32>
        %parallel_loop3A_683 = arith.addf %parallel_loop3A_677, %parallel_loop3A_682 : vector<16xf32>
        %parallel_loop3A_684 = arith.constant 0.000000e+00 : f32
        %parallel_loop3A_685 = vector.broadcast %parallel_loop3A_684 : f32 to vector<16xf32>
        %parallel_loop3A_686 = arith.maximumf %parallel_loop3A_683, %parallel_loop3A_685 : vector<16xf32>
        %parallel_loop3A_687 = vector.broadcast %parallel_loop3A_674 : f32 to vector<16xf32>
        %parallel_loop3A_688 = arith.mulf %parallel_loop3A_686, %parallel_loop3A_687 : vector<16xf32>
        %parallel_loop3A_689 = arith.index_cast %parallel_loop3A_670 : i32 to index
        %parallel_loop3A_690 = arith.constant 0 : index
        %parallel_loop3A_691 = tpu.vector_load %arg12[%parallel_loop3A_689, %parallel_loop3A_690] {strides = array<i32>} : memref<400x32xf32, #tpu.memory_space<vmem>>, vector<16xf32>,
        tpu.vector_store %arg12[%parallel_loop3A_689, %parallel_loop3A_690], %parallel_loop3A_688 {strides = array<i32>} : memref<400x32xf32, #tpu.memory_space<vmem>>, vector<16xf32>,
        %parallel_loop3A_692 = vector.broadcast %parallel_loop3A_672 : f32 to vector<16xf32>
        %parallel_loop3A_693 = arith.mulf %get3A_40, %parallel_loop3A_692 : vector<16xf32>
        %parallel_loop3A_694 = arith.addf %parallel_loop3A_680, %parallel_loop3A_693 : vector<16xf32>
        %parallel_loop3A_695 = arith.constant 0.000000e+00 : f32
        %parallel_loop3A_696 = vector.broadcast %parallel_loop3A_695 : f32 to vector<16xf32>
        %parallel_loop3A_697 = arith.maximumf %parallel_loop3A_694, %parallel_loop3A_696 : vector<16xf32>
        %parallel_loop3A_698 = vector.broadcast %parallel_loop3A_674 : f32 to vector<16xf32>
        %parallel_loop3A_699 = arith.mulf %parallel_loop3A_697, %parallel_loop3A_698 : vector<16xf32>
        %parallel_loop3A_700 = arith.index_cast %parallel_loop3A_670 : i32 to index
        %parallel_loop3A_701 = arith.constant 16 : index
        %parallel_loop3A_702 = tpu.vector_load %arg12[%parallel_loop3A_700, %parallel_loop3A_701] {strides = array<i32>} : memref<400x32xf32, #tpu.memory_space<vmem>>, vector<16xf32>,
        tpu.vector_store %arg12[%parallel_loop3A_700, %parallel_loop3A_701], %parallel_loop3A_699 {strides = array<i32>} : memref<400x32xf32, #tpu.memory_space<vmem>>, vector<16xf32>,
        %parallel_loop3A_703 = arith.constant 16 : i32
        %parallel_loop3A_704 = arith.muli %parallel_loop3A_127, %parallel_loop3A_703 : i32
        %parallel_loop3A_705 = arith.constant 15 : i32
        %parallel_loop3A_706 = arith.addi %parallel_loop3A_704, %parallel_loop3A_705 : i32
        %parallel_loop3A_707 = vector.extract_strided_slice %parallel_loop3A_134 {offsets = [15], sizes = [1], strides = [1]} : vector<16xf32> to vector<1xf32>
        %parallel_loop3A_708 = vector.extract %parallel_loop3A_707[0] : f32 from vector<1xf32>
        %parallel_loop3A_709 = vector.extract_strided_slice %parallel_loop3A_140 {offsets = [15], sizes = [1], strides = [1]} : vector<16xf32> to vector<1xf32>
        %parallel_loop3A_710 = vector.extract %parallel_loop3A_709[0] : f32 from vector<1xf32>
        %parallel_loop3A_711 = arith.index_cast %parallel_loop3A_706 : i32 to index
        %parallel_loop3A_712 = arith.constant 0 : index
        %parallel_loop3A_713 = tpu.vector_load %arg12[%parallel_loop3A_711, %parallel_loop3A_712] {strides = array<i32>} : memref<400x32xf32, #tpu.memory_space<vmem>>, vector<16xf32>,
        %parallel_loop3A_714 = arith.index_cast %parallel_loop3A_706 : i32 to index
        %parallel_loop3A_715 = arith.constant 16 : index
        %parallel_loop3A_716 = tpu.vector_load %arg12[%parallel_loop3A_714, %parallel_loop3A_715] {strides = array<i32>} : memref<400x32xf32, #tpu.memory_space<vmem>>, vector<16xf32>,
        %parallel_loop3A_717 = vector.broadcast %parallel_loop3A_708 : f32 to vector<16xf32>
        %parallel_loop3A_718 = arith.mulf %get3A_38, %parallel_loop3A_717 : vector<16xf32>
        %parallel_loop3A_719 = arith.addf %parallel_loop3A_713, %parallel_loop3A_718 : vector<16xf32>
        %parallel_loop3A_720 = arith.constant 0.000000e+00 : f32
        %parallel_loop3A_721 = vector.broadcast %parallel_loop3A_720 : f32 to vector<16xf32>
        %parallel_loop3A_722 = arith.maximumf %parallel_loop3A_719, %parallel_loop3A_721 : vector<16xf32>
        %parallel_loop3A_723 = vector.broadcast %parallel_loop3A_710 : f32 to vector<16xf32>
        %parallel_loop3A_724 = arith.mulf %parallel_loop3A_722, %parallel_loop3A_723 : vector<16xf32>
        %parallel_loop3A_725 = arith.index_cast %parallel_loop3A_706 : i32 to index
        %parallel_loop3A_726 = arith.constant 0 : index
        %parallel_loop3A_727 = tpu.vector_load %arg12[%parallel_loop3A_725, %parallel_loop3A_726] {strides = array<i32>} : memref<400x32xf32, #tpu.memory_space<vmem>>, vector<16xf32>,
        tpu.vector_store %arg12[%parallel_loop3A_725, %parallel_loop3A_726], %parallel_loop3A_724 {strides = array<i32>} : memref<400x32xf32, #tpu.memory_space<vmem>>, vector<16xf32>,
        %parallel_loop3A_728 = vector.broadcast %parallel_loop3A_708 : f32 to vector<16xf32>
        %parallel_loop3A_729 = arith.mulf %get3A_40, %parallel_loop3A_728 : vector<16xf32>
        %parallel_loop3A_730 = arith.addf %parallel_loop3A_716, %parallel_loop3A_729 : vector<16xf32>
        %parallel_loop3A_731 = arith.constant 0.000000e+00 : f32
        %parallel_loop3A_732 = vector.broadcast %parallel_loop3A_731 : f32 to vector<16xf32>
        %parallel_loop3A_733 = arith.maximumf %parallel_loop3A_730, %parallel_loop3A_732 : vector<16xf32>
        %parallel_loop3A_734 = vector.broadcast %parallel_loop3A_710 : f32 to vector<16xf32>
        %parallel_loop3A_735 = arith.mulf %parallel_loop3A_733, %parallel_loop3A_734 : vector<16xf32>
        %parallel_loop3A_736 = arith.index_cast %parallel_loop3A_706 : i32 to index
        %parallel_loop3A_737 = arith.constant 16 : index
        %parallel_loop3A_738 = tpu.vector_load %arg12[%parallel_loop3A_736, %parallel_loop3A_737] {strides = array<i32>} : memref<400x32xf32, #tpu.memory_space<vmem>>, vector<16xf32>,
        tpu.vector_store %arg12[%parallel_loop3A_736, %parallel_loop3A_737], %parallel_loop3A_735 {strides = array<i32>} : memref<400x32xf32, #tpu.memory_space<vmem>>, vector<16xf32>,
      } {sc.loop_unroll_factor = 1 : i64, sc.parallel_access}
      %dma_start3A_99 = arith.constant 0 : i32
      %dma_start3A_100 = arith.constant 0 : i32
      %dma_start3A_101 = tpu.memref_slice %arg9[%dma_start3A_99, %dma_start3A_100] : memref<50176x32xf32, #tpu.memory_space<vmem_shared>> -> memref<50176x32xf32, #tpu.memory_space<vmem_shared>>
      tpu.enqueue_indirect_dma source(%arg12 : memref<400x32xf32, #tpu.memory_space<vmem>>) target(%dma_start3A_101 : memref<50176x32xf32, #tpu.memory_space<vmem_shared>>) offsets(%arg11 : memref<400xi32, #tpu.memory_space<vmem>>) semaphore(%arg19 : memref<!tpu.dma_semaphore, #tpu.memory_space<semaphore_mem>>) {add = true}
      %dma_wait3A_102 = arith.constant 0 : i32
      %dma_wait3A_103 = tpu.memref_slice %arg13[%dma_wait3A_102] : memref<1200xi32, #tpu.memory_space<vmem>> -> memref<400xi32, #tpu.memory_space<vmem>>
      %dma_wait3A_104 = arith.constant 0 : i32
      %dma_wait3A_105 = arith.constant 0 : i32
      %dma_wait3A_106 = tpu.memref_slice %arg2[%dma_wait3A_104, %dma_wait3A_105] : memref<100000x32xf32, #tpu.memory_space<hbm>> -> memref<100000x32xf32, #tpu.memory_space<hbm>>
      tpu.wait_indirect_dma semaphore(%arg18 : memref<!tpu.dma_semaphore, #tpu.memory_space<semaphore_mem>>) src(%dma_wait3A_106 : memref<100000x32xf32, #tpu.memory_space<hbm>>) dst(%arg15 : memref<400x32xf32, #tpu.memory_space<vmem>>)
      %dma_start3A_107 = arith.constant 400 : i32
      %dma_start3A_108 = tpu.memref_slice %arg13[%dma_start3A_107] : memref<1200xi32, #tpu.memory_space<vmem>> -> memref<400xi32, #tpu.memory_space<vmem>>
      %dma_start3A_109 = arith.constant 0 : i32
      %dma_start3A_110 = arith.constant 0 : i32
      %dma_start3A_111 = tpu.memref_slice %arg3[%dma_start3A_109, %dma_start3A_110] : memref<100000x32xf32, #tpu.memory_space<hbm>> -> memref<100000x32xf32, #tpu.memory_space<hbm>>
      tpu.enqueue_indirect_dma source(%dma_start3A_111 : memref<100000x32xf32, #tpu.memory_space<hbm>>) target(%arg15 : memref<400x32xf32, #tpu.memory_space<vmem>>) offsets(%dma_start3A_108 : memref<400xi32, #tpu.memory_space<vmem>>) semaphore(%arg18 : memref<!tpu.dma_semaphore, #tpu.memory_space<semaphore_mem>>) {add = true}
      %lt3A = arith.constant 249 : i32
      %lt3A_112 = arith.cmpi slt, %scan3A_65, %lt3A : i32
      %convert_element_type3A_113 = arith.extui %lt3A_112 : i1 to i32
      %cond3A_114 = arith.constant 0 : i32
      %cond3A_115 = arith.cmpi ne, %convert_element_type3A_113, %cond3A_114 : i32
      scf.if %cond3A_115 {
        %dma_wait3A_127 = arith.constant 0 : i32
        %dma_wait3A_128 = arith.constant 0 : i32
        %dma_wait3A_129 = tpu.memref_slice %arg9[%dma_wait3A_127, %dma_wait3A_128] : memref<50176x32xf32, #tpu.memory_space<vmem_shared>> -> memref<50176x32xf32, #tpu.memory_space<vmem_shared>>
        tpu.wait_indirect_dma semaphore(%arg19 : memref<!tpu.dma_semaphore, #tpu.memory_space<semaphore_mem>>) src(%arg12 : memref<400x32xf32, #tpu.memory_space<vmem>>) dst(%dma_wait3A_129 : memref<50176x32xf32, #tpu.memory_space<vmem_shared>>)
        %add3A_130 = arith.constant 2 : i32
        %add3A_131 = arith.addi %mul3A_67, %add3A_130 : i32
        %mul3A_132 = arith.constant 200000 : i32
        %mul3A_133 = arith.muli %arg1, %mul3A_132 : i32
        %mul3A_134 = arith.constant 400 : i32
        %mul3A_135 = arith.muli %add3A_131, %mul3A_134 : i32
        %add3A_136 = arith.addi %mul3A_133, %mul3A_135 : i32
        "tpu.region"() ({
          %run_scoped3A = tpu.sem_alloc : memref<!tpu.dma_semaphore, #tpu.memory_space<semaphore_mem>>
          %dma_start3A_142 = arith.constant 0 : i32
          %dma_start3A_143 = tpu.memref_slice %arg10[%dma_start3A_142] : memref<1200xi32, #tpu.memory_space<vmem>> -> memref<400xi32, #tpu.memory_space<vmem>>
          %dma_start3A_144 = tpu.memref_slice %arg4[%add3A_136] : memref<3200000xi32, #tpu.memory_space<hbm>> -> memref<400xi32, #tpu.memory_space<hbm>>
          %dma_start3A_145 = arith.constant 0 : i32
          %dma_start3A_146 = tpu.memref_slice %arg10[%dma_start3A_145] : memref<1200xi32, #tpu.memory_space<vmem>> -> memref<400xi32, #tpu.memory_space<vmem>>
          %dma_start3A_147 = tpu.memref_slice %arg4[%add3A_136] : memref<3200000xi32, #tpu.memory_space<hbm>> -> memref<400xi32, #tpu.memory_space<hbm>>
          tpu.enqueue_dma source(%dma_start3A_147 : memref<400xi32, #tpu.memory_space<hbm>>) target(%dma_start3A_146 : memref<400xi32, #tpu.memory_space<vmem>>) target_semaphore(%run_scoped3A : memref<!tpu.dma_semaphore, #tpu.memory_space<semaphore_mem>>)
          %dma_wait3A_148 = arith.constant 0 : i32
          %dma_wait3A_149 = tpu.memref_slice %arg10[%dma_wait3A_148] : memref<1200xi32, #tpu.memory_space<vmem>> -> memref<400xi32, #tpu.memory_space<vmem>>
          %dma_wait3A_150 = tpu.memref_slice %arg4[%add3A_136] : memref<3200000xi32, #tpu.memory_space<hbm>> -> memref<400xi32, #tpu.memory_space<hbm>>
          %dma_wait3A_151 = arith.constant 0 : i32
          %dma_wait3A_152 = tpu.memref_slice %arg10[%dma_wait3A_151] : memref<1200xi32, #tpu.memory_space<vmem>> -> memref<400xi32, #tpu.memory_space<vmem>>
          %dma_wait3A_153 = tpu.memref_slice %arg4[%add3A_136] : memref<3200000xi32, #tpu.memory_space<hbm>> -> memref<400xi32, #tpu.memory_space<hbm>>
          tpu.wait_dma2 semaphore(%run_scoped3A : memref<!tpu.dma_semaphore, #tpu.memory_space<semaphore_mem>>) src(%dma_wait3A_153 : memref<400xi32, #tpu.memory_space<hbm>>) dst(%dma_wait3A_152 : memref<400xi32, #tpu.memory_space<vmem>>)
          tpu.yield
        }) : () -> ()
        "tpu.region"() ({
          %run_scoped3A = tpu.sem_alloc : memref<!tpu.dma_semaphore, #tpu.memory_space<semaphore_mem>>
          %dma_start3A_142 = arith.constant 400 : i32
          %dma_start3A_143 = tpu.memref_slice %arg10[%dma_start3A_142] : memref<1200xi32, #tpu.memory_space<vmem>> -> memref<400xi32, #tpu.memory_space<vmem>>
          %dma_start3A_144 = tpu.memref_slice %arg5[%add3A_136] : memref<3200000xi32, #tpu.memory_space<hbm>> -> memref<400xi32, #tpu.memory_space<hbm>>
          %dma_start3A_145 = arith.constant 400 : i32
          %dma_start3A_146 = tpu.memref_slice %arg10[%dma_start3A_145] : memref<1200xi32, #tpu.memory_space<vmem>> -> memref<400xi32, #tpu.memory_space<vmem>>
          %dma_start3A_147 = tpu.memref_slice %arg5[%add3A_136] : memref<3200000xi32, #tpu.memory_space<hbm>> -> memref<400xi32, #tpu.memory_space<hbm>>
          tpu.enqueue_dma source(%dma_start3A_147 : memref<400xi32, #tpu.memory_space<hbm>>) target(%dma_start3A_146 : memref<400xi32, #tpu.memory_space<vmem>>) target_semaphore(%run_scoped3A : memref<!tpu.dma_semaphore, #tpu.memory_space<semaphore_mem>>)
          %dma_wait3A_148 = arith.constant 400 : i32
          %dma_wait3A_149 = tpu.memref_slice %arg10[%dma_wait3A_148] : memref<1200xi32, #tpu.memory_space<vmem>> -> memref<400xi32, #tpu.memory_space<vmem>>
          %dma_wait3A_150 = tpu.memref_slice %arg5[%add3A_136] : memref<3200000xi32, #tpu.memory_space<hbm>> -> memref<400xi32, #tpu.memory_space<hbm>>
          %dma_wait3A_151 = arith.constant 400 : i32
          %dma_wait3A_152 = tpu.memref_slice %arg10[%dma_wait3A_151] : memref<1200xi32, #tpu.memory_space<vmem>> -> memref<400xi32, #tpu.memory_space<vmem>>
          %dma_wait3A_153 = tpu.memref_slice %arg5[%add3A_136] : memref<3200000xi32, #tpu.memory_space<hbm>> -> memref<400xi32, #tpu.memory_space<hbm>>
          tpu.wait_dma2 semaphore(%run_scoped3A : memref<!tpu.dma_semaphore, #tpu.memory_space<semaphore_mem>>) src(%dma_wait3A_153 : memref<400xi32, #tpu.memory_space<hbm>>) dst(%dma_wait3A_152 : memref<400xi32, #tpu.memory_space<vmem>>)
          tpu.yield
        }) : () -> ()
        "tpu.region"() ({
          %run_scoped3A = tpu.sem_alloc : memref<!tpu.dma_semaphore, #tpu.memory_space<semaphore_mem>>
          %dma_start3A_142 = arith.constant 800 : i32
          %dma_start3A_143 = tpu.memref_slice %arg10[%dma_start3A_142] : memref<1200xi32, #tpu.memory_space<vmem>> -> memref<400xi32, #tpu.memory_space<vmem>>
          %dma_start3A_144 = tpu.memref_slice %arg6[%add3A_136] : memref<3200000xi32, #tpu.memory_space<hbm>> -> memref<400xi32, #tpu.memory_space<hbm>>
          %dma_start3A_145 = arith.constant 800 : i32
          %dma_start3A_146 = tpu.memref_slice %arg10[%dma_start3A_145] : memref<1200xi32, #tpu.memory_space<vmem>> -> memref<400xi32, #tpu.memory_space<vmem>>
          %dma_start3A_147 = tpu.memref_slice %arg6[%add3A_136] : memref<3200000xi32, #tpu.memory_space<hbm>> -> memref<400xi32, #tpu.memory_space<hbm>>
          tpu.enqueue_dma source(%dma_start3A_147 : memref<400xi32, #tpu.memory_space<hbm>>) target(%dma_start3A_146 : memref<400xi32, #tpu.memory_space<vmem>>) target_semaphore(%run_scoped3A : memref<!tpu.dma_semaphore, #tpu.memory_space<semaphore_mem>>)
          %dma_wait3A_148 = arith.constant 800 : i32
          %dma_wait3A_149 = tpu.memref_slice %arg10[%dma_wait3A_148] : memref<1200xi32, #tpu.memory_space<vmem>> -> memref<400xi32, #tpu.memory_space<vmem>>
          %dma_wait3A_150 = tpu.memref_slice %arg6[%add3A_136] : memref<3200000xi32, #tpu.memory_space<hbm>> -> memref<400xi32, #tpu.memory_space<hbm>>
          %dma_wait3A_151 = arith.constant 800 : i32
          %dma_wait3A_152 = tpu.memref_slice %arg10[%dma_wait3A_151] : memref<1200xi32, #tpu.memory_space<vmem>> -> memref<400xi32, #tpu.memory_space<vmem>>
          %dma_wait3A_153 = tpu.memref_slice %arg6[%add3A_136] : memref<3200000xi32, #tpu.memory_space<hbm>> -> memref<400xi32, #tpu.memory_space<hbm>>
          tpu.wait_dma2 semaphore(%run_scoped3A : memref<!tpu.dma_semaphore, #tpu.memory_space<semaphore_mem>>) src(%dma_wait3A_153 : memref<400xi32, #tpu.memory_space<hbm>>) dst(%dma_wait3A_152 : memref<400xi32, #tpu.memory_space<vmem>>)
          tpu.yield
        }) : () -> ()
        %dma_start3A_137 = arith.constant 0 : i32
        %dma_start3A_138 = tpu.memref_slice %arg10[%dma_start3A_137] : memref<1200xi32, #tpu.memory_space<vmem>> -> memref<400xi32, #tpu.memory_space<vmem>>
        %dma_start3A_139 = arith.constant 0 : i32
        %dma_start3A_140 = arith.constant 0 : i32
        %dma_start3A_141 = tpu.memref_slice %arg2[%dma_start3A_139, %dma_start3A_140] : memref<100000x32xf32, #tpu.memory_space<hbm>> -> memref<100000x32xf32, #tpu.memory_space<hbm>>
        tpu.enqueue_indirect_dma source(%dma_start3A_141 : memref<100000x32xf32, #tpu.memory_space<hbm>>) target(%arg12 : memref<400x32xf32, #tpu.memory_space<vmem>>) offsets(%dma_start3A_138 : memref<400xi32, #tpu.memory_space<vmem>>) semaphore(%arg17 : memref<!tpu.dma_semaphore, #tpu.memory_space<semaphore_mem>>)
      } else {
      }
      %dma_wait3A_116 = arith.constant 0 : i32
      %dma_wait3A_117 = tpu.memref_slice %arg13[%dma_wait3A_116] : memref<1200xi32, #tpu.memory_space<vmem>> -> memref<400xi32, #tpu.memory_space<vmem>>
      %dma_wait3A_118 = arith.constant 0 : i32
      %dma_wait3A_119 = arith.constant 0 : i32
      %dma_wait3A_120 = tpu.memref_slice %arg2[%dma_wait3A_118, %dma_wait3A_119] : memref<100000x32xf32, #tpu.memory_space<hbm>> -> memref<100000x32xf32, #tpu.memory_space<hbm>>
      tpu.wait_indirect_dma semaphore(%arg18 : memref<!tpu.dma_semaphore, #tpu.memory_space<semaphore_mem>>) src(%dma_wait3A_120 : memref<100000x32xf32, #tpu.memory_space<hbm>>) dst(%arg15 : memref<400x32xf32, #tpu.memory_space<vmem>>)
      %parallel_loop3A_121 = arith.constant 0 : i32
      %parallel_loop3A_122 = arith.constant 25 : i32
      %parallel_loop3A_123 = arith.constant 1 : i32
      scf.for %parallel_loop3A_127 = %parallel_loop3A_121 to %parallel_loop3A_122 step %parallel_loop3A_123  : i32 {
        %parallel_loop3A_128 = arith.constant 16 : i32
        %parallel_loop3A_129 = arith.muli %parallel_loop3A_127, %parallel_loop3A_128 : i32
        %parallel_loop3A_130 = arith.constant 800 : i32
        %parallel_loop3A_131 = arith.addi %parallel_loop3A_130, %parallel_loop3A_129 : i32
        %parallel_loop3A_132 = arith.index_cast %parallel_loop3A_131 : i32 to index
        %parallel_loop3A_133 = tpu.vector_load %arg13[%parallel_loop3A_132] {strides = array<i32>} : memref<1200xi32, #tpu.memory_space<vmem>>, vector<16xi32>,
        %parallel_loop3A_134 = vector.bitcast %parallel_loop3A_133 : vector<16xi32> to vector<16xf32>
        %parallel_loop3A_135 = arith.constant 9.99999974E-6 : f32
        %parallel_loop3A_136 = vector.broadcast %parallel_loop3A_135 : f32 to vector<16xf32>
        %parallel_loop3A_137 = arith.addf %parallel_loop3A_134, %parallel_loop3A_136 : vector<16xf32>
        %parallel_loop3A_138 = arith.constant 1.000000e+00 : f32
        %parallel_loop3A_139 = vector.broadcast %parallel_loop3A_138 : f32 to vector<16xf32>
        %parallel_loop3A_140 = arith.divf %parallel_loop3A_139, %parallel_loop3A_137 : vector<16xf32>
        %parallel_loop3A_141 = arith.constant 16 : i32
        %parallel_loop3A_142 = arith.muli %parallel_loop3A_127, %parallel_loop3A_141 : i32
        %parallel_loop3A_143 = arith.constant 400 : i32
        %parallel_loop3A_144 = arith.addi %parallel_loop3A_143, %parallel_loop3A_142 : i32
        %parallel_loop3A_145 = arith.index_cast %parallel_loop3A_144 : i32 to index
        %parallel_loop3A_146 = tpu.vector_load %arg13[%parallel_loop3A_145] {strides = array<i32>} : memref<1200xi32, #tpu.memory_space<vmem>>, vector<16xi32>,
        %parallel_loop3A_147 = vector.broadcast %mul3A_0 : i32 to vector<16xi32>
        %parallel_loop3A_148 = arith.subi %parallel_loop3A_146, %parallel_loop3A_147 : vector<16xi32>
        %parallel_loop3A_149 = arith.constant 0 : i32
        %parallel_loop3A_150 = vector.broadcast %parallel_loop3A_149 : i32 to vector<16xi32>
        %parallel_loop3A_151 = arith.cmpi sge, %parallel_loop3A_148, %parallel_loop3A_150 : vector<16xi32>
        %parallel_loop3A_152 = arith.constant 50000 : i32
        %parallel_loop3A_153 = vector.broadcast %parallel_loop3A_152 : i32 to vector<16xi32>
        %parallel_loop3A_154 = arith.cmpi slt, %parallel_loop3A_148, %parallel_loop3A_153 : vector<16xi32>
        %parallel_loop3A_155 = arith.andi %parallel_loop3A_151, %parallel_loop3A_154 : vector<16xi1>
        %parallel_loop3A_156 = arith.constant 50000 : i32
        %parallel_loop3A_157 = vector.broadcast %parallel_loop3A_156 : i32 to vector<16xi32>
        %parallel_loop3A_158 = arith.select %parallel_loop3A_155, %parallel_loop3A_148, %parallel_loop3A_157 : vector<16xi1>, vector<16xi32>
        %parallel_loop3A_159 = arith.constant 16 : i32
        %parallel_loop3A_160 = arith.muli %parallel_loop3A_127, %parallel_loop3A_159 : i32
        %parallel_loop3A_161 = arith.index_cast %parallel_loop3A_160 : i32 to index
        %parallel_loop3A_162 = tpu.vector_load %arg14[%parallel_loop3A_161] {strides = array<i32>} : memref<400xi32, #tpu.memory_space<vmem>>, vector<16xi32>,
        tpu.vector_store %arg14[%parallel_loop3A_161], %parallel_loop3A_158 {strides = array<i32>} : memref<400xi32, #tpu.memory_space<vmem>>, vector<16xi32>,
        %parallel_loop3A_163 = arith.constant 16 : i32
        %parallel_loop3A_164 = arith.muli %parallel_loop3A_127, %parallel_loop3A_163 : i32
        %parallel_loop3A_165 = arith.constant 0 : i32
        %parallel_loop3A_166 = arith.addi %parallel_loop3A_164, %parallel_loop3A_165 : i32
        %parallel_loop3A_167 = vector.extract_strided_slice %parallel_loop3A_134 {offsets = [0], sizes = [1], strides = [1]} : vector<16xf32> to vector<1xf32>
        %parallel_loop3A_168 = vector.extract %parallel_loop3A_167[0] : f32 from vector<1xf32>
        %parallel_loop3A_169 = vector.extract_strided_slice %parallel_loop3A_140 {offsets = [0], sizes = [1], strides = [1]} : vector<16xf32> to vector<1xf32>
        %parallel_loop3A_170 = vector.extract %parallel_loop3A_169[0] : f32 from vector<1xf32>
        %parallel_loop3A_171 = arith.index_cast %parallel_loop3A_166 : i32 to index
        %parallel_loop3A_172 = arith.constant 0 : index
        %parallel_loop3A_173 = tpu.vector_load %arg15[%parallel_loop3A_171, %parallel_loop3A_172] {strides = array<i32>} : memref<400x32xf32, #tpu.memory_space<vmem>>, vector<16xf32>,
        %parallel_loop3A_174 = arith.index_cast %parallel_loop3A_166 : i32 to index
        %parallel_loop3A_175 = arith.constant 16 : index
        %parallel_loop3A_176 = tpu.vector_load %arg15[%parallel_loop3A_174, %parallel_loop3A_175] {strides = array<i32>} : memref<400x32xf32, #tpu.memory_space<vmem>>, vector<16xf32>,
        %parallel_loop3A_177 = vector.broadcast %parallel_loop3A_168 : f32 to vector<16xf32>
        %parallel_loop3A_178 = arith.mulf %get3A_38, %parallel_loop3A_177 : vector<16xf32>
        %parallel_loop3A_179 = arith.addf %parallel_loop3A_173, %parallel_loop3A_178 : vector<16xf32>
        %parallel_loop3A_180 = arith.constant 0.000000e+00 : f32
        %parallel_loop3A_181 = vector.broadcast %parallel_loop3A_180 : f32 to vector<16xf32>
        %parallel_loop3A_182 = arith.maximumf %parallel_loop3A_179, %parallel_loop3A_181 : vector<16xf32>
        %parallel_loop3A_183 = vector.broadcast %parallel_loop3A_170 : f32 to vector<16xf32>
        %parallel_loop3A_184 = arith.mulf %parallel_loop3A_182, %parallel_loop3A_183 : vector<16xf32>
        %parallel_loop3A_185 = arith.index_cast %parallel_loop3A_166 : i32 to index
        %parallel_loop3A_186 = arith.constant 0 : index
        %parallel_loop3A_187 = tpu.vector_load %arg15[%parallel_loop3A_185, %parallel_loop3A_186] {strides = array<i32>} : memref<400x32xf32, #tpu.memory_space<vmem>>, vector<16xf32>,
        tpu.vector_store %arg15[%parallel_loop3A_185, %parallel_loop3A_186], %parallel_loop3A_184 {strides = array<i32>} : memref<400x32xf32, #tpu.memory_space<vmem>>, vector<16xf32>,
        %parallel_loop3A_188 = vector.broadcast %parallel_loop3A_168 : f32 to vector<16xf32>
        %parallel_loop3A_189 = arith.mulf %get3A_40, %parallel_loop3A_188 : vector<16xf32>
        %parallel_loop3A_190 = arith.addf %parallel_loop3A_176, %parallel_loop3A_189 : vector<16xf32>
        %parallel_loop3A_191 = arith.constant 0.000000e+00 : f32
        %parallel_loop3A_192 = vector.broadcast %parallel_loop3A_191 : f32 to vector<16xf32>
        %parallel_loop3A_193 = arith.maximumf %parallel_loop3A_190, %parallel_loop3A_192 : vector<16xf32>
        %parallel_loop3A_194 = vector.broadcast %parallel_loop3A_170 : f32 to vector<16xf32>
        %parallel_loop3A_195 = arith.mulf %parallel_loop3A_193, %parallel_loop3A_194 : vector<16xf32>
        %parallel_loop3A_196 = arith.index_cast %parallel_loop3A_166 : i32 to index
        %parallel_loop3A_197 = arith.constant 16 : index
        %parallel_loop3A_198 = tpu.vector_load %arg15[%parallel_loop3A_196, %parallel_loop3A_197] {strides = array<i32>} : memref<400x32xf32, #tpu.memory_space<vmem>>, vector<16xf32>,
        tpu.vector_store %arg15[%parallel_loop3A_196, %parallel_loop3A_197], %parallel_loop3A_195 {strides = array<i32>} : memref<400x32xf32, #tpu.memory_space<vmem>>, vector<16xf32>,
        %parallel_loop3A_199 = arith.constant 16 : i32
        %parallel_loop3A_200 = arith.muli %parallel_loop3A_127, %parallel_loop3A_199 : i32
        %parallel_loop3A_201 = arith.constant 1 : i32
        %parallel_loop3A_202 = arith.addi %parallel_loop3A_200, %parallel_loop3A_201 : i32
        %parallel_loop3A_203 = vector.extract_strided_slice %parallel_loop3A_134 {offsets = [1], sizes = [1], strides = [1]} : vector<16xf32> to vector<1xf32>
        %parallel_loop3A_204 = vector.extract %parallel_loop3A_203[0] : f32 from vector<1xf32>
        %parallel_loop3A_205 = vector.extract_strided_slice %parallel_loop3A_140 {offsets = [1], sizes = [1], strides = [1]} : vector<16xf32> to vector<1xf32>
        %parallel_loop3A_206 = vector.extract %parallel_loop3A_205[0] : f32 from vector<1xf32>
        %parallel_loop3A_207 = arith.index_cast %parallel_loop3A_202 : i32 to index
        %parallel_loop3A_208 = arith.constant 0 : index
        %parallel_loop3A_209 = tpu.vector_load %arg15[%parallel_loop3A_207, %parallel_loop3A_208] {strides = array<i32>} : memref<400x32xf32, #tpu.memory_space<vmem>>, vector<16xf32>,
        %parallel_loop3A_210 = arith.index_cast %parallel_loop3A_202 : i32 to index
        %parallel_loop3A_211 = arith.constant 16 : index
        %parallel_loop3A_212 = tpu.vector_load %arg15[%parallel_loop3A_210, %parallel_loop3A_211] {strides = array<i32>} : memref<400x32xf32, #tpu.memory_space<vmem>>, vector<16xf32>,
        %parallel_loop3A_213 = vector.broadcast %parallel_loop3A_204 : f32 to vector<16xf32>
        %parallel_loop3A_214 = arith.mulf %get3A_38, %parallel_loop3A_213 : vector<16xf32>
        %parallel_loop3A_215 = arith.addf %parallel_loop3A_209, %parallel_loop3A_214 : vector<16xf32>
        %parallel_loop3A_216 = arith.constant 0.000000e+00 : f32
        %parallel_loop3A_217 = vector.broadcast %parallel_loop3A_216 : f32 to vector<16xf32>
        %parallel_loop3A_218 = arith.maximumf %parallel_loop3A_215, %parallel_loop3A_217 : vector<16xf32>
        %parallel_loop3A_219 = vector.broadcast %parallel_loop3A_206 : f32 to vector<16xf32>
        %parallel_loop3A_220 = arith.mulf %parallel_loop3A_218, %parallel_loop3A_219 : vector<16xf32>
        %parallel_loop3A_221 = arith.index_cast %parallel_loop3A_202 : i32 to index
        %parallel_loop3A_222 = arith.constant 0 : index
        %parallel_loop3A_223 = tpu.vector_load %arg15[%parallel_loop3A_221, %parallel_loop3A_222] {strides = array<i32>} : memref<400x32xf32, #tpu.memory_space<vmem>>, vector<16xf32>,
        tpu.vector_store %arg15[%parallel_loop3A_221, %parallel_loop3A_222], %parallel_loop3A_220 {strides = array<i32>} : memref<400x32xf32, #tpu.memory_space<vmem>>, vector<16xf32>,
        %parallel_loop3A_224 = vector.broadcast %parallel_loop3A_204 : f32 to vector<16xf32>
        %parallel_loop3A_225 = arith.mulf %get3A_40, %parallel_loop3A_224 : vector<16xf32>
        %parallel_loop3A_226 = arith.addf %parallel_loop3A_212, %parallel_loop3A_225 : vector<16xf32>
        %parallel_loop3A_227 = arith.constant 0.000000e+00 : f32
        %parallel_loop3A_228 = vector.broadcast %parallel_loop3A_227 : f32 to vector<16xf32>
        %parallel_loop3A_229 = arith.maximumf %parallel_loop3A_226, %parallel_loop3A_228 : vector<16xf32>
        %parallel_loop3A_230 = vector.broadcast %parallel_loop3A_206 : f32 to vector<16xf32>
        %parallel_loop3A_231 = arith.mulf %parallel_loop3A_229, %parallel_loop3A_230 : vector<16xf32>
        %parallel_loop3A_232 = arith.index_cast %parallel_loop3A_202 : i32 to index
        %parallel_loop3A_233 = arith.constant 16 : index
        %parallel_loop3A_234 = tpu.vector_load %arg15[%parallel_loop3A_232, %parallel_loop3A_233] {strides = array<i32>} : memref<400x32xf32, #tpu.memory_space<vmem>>, vector<16xf32>,
        tpu.vector_store %arg15[%parallel_loop3A_232, %parallel_loop3A_233], %parallel_loop3A_231 {strides = array<i32>} : memref<400x32xf32, #tpu.memory_space<vmem>>, vector<16xf32>,
        %parallel_loop3A_235 = arith.constant 16 : i32
        %parallel_loop3A_236 = arith.muli %parallel_loop3A_127, %parallel_loop3A_235 : i32
        %parallel_loop3A_237 = arith.constant 2 : i32
        %parallel_loop3A_238 = arith.addi %parallel_loop3A_236, %parallel_loop3A_237 : i32
        %parallel_loop3A_239 = vector.extract_strided_slice %parallel_loop3A_134 {offsets = [2], sizes = [1], strides = [1]} : vector<16xf32> to vector<1xf32>
        %parallel_loop3A_240 = vector.extract %parallel_loop3A_239[0] : f32 from vector<1xf32>
        %parallel_loop3A_241 = vector.extract_strided_slice %parallel_loop3A_140 {offsets = [2], sizes = [1], strides = [1]} : vector<16xf32> to vector<1xf32>
        %parallel_loop3A_242 = vector.extract %parallel_loop3A_241[0] : f32 from vector<1xf32>
        %parallel_loop3A_243 = arith.index_cast %parallel_loop3A_238 : i32 to index
        %parallel_loop3A_244 = arith.constant 0 : index
        %parallel_loop3A_245 = tpu.vector_load %arg15[%parallel_loop3A_243, %parallel_loop3A_244] {strides = array<i32>} : memref<400x32xf32, #tpu.memory_space<vmem>>, vector<16xf32>,
        %parallel_loop3A_246 = arith.index_cast %parallel_loop3A_238 : i32 to index
        %parallel_loop3A_247 = arith.constant 16 : index
        %parallel_loop3A_248 = tpu.vector_load %arg15[%parallel_loop3A_246, %parallel_loop3A_247] {strides = array<i32>} : memref<400x32xf32, #tpu.memory_space<vmem>>, vector<16xf32>,
        %parallel_loop3A_249 = vector.broadcast %parallel_loop3A_240 : f32 to vector<16xf32>
        %parallel_loop3A_250 = arith.mulf %get3A_38, %parallel_loop3A_249 : vector<16xf32>
        %parallel_loop3A_251 = arith.addf %parallel_loop3A_245, %parallel_loop3A_250 : vector<16xf32>
        %parallel_loop3A_252 = arith.constant 0.000000e+00 : f32
        %parallel_loop3A_253 = vector.broadcast %parallel_loop3A_252 : f32 to vector<16xf32>
        %parallel_loop3A_254 = arith.maximumf %parallel_loop3A_251, %parallel_loop3A_253 : vector<16xf32>
        %parallel_loop3A_255 = vector.broadcast %parallel_loop3A_242 : f32 to vector<16xf32>
        %parallel_loop3A_256 = arith.mulf %parallel_loop3A_254, %parallel_loop3A_255 : vector<16xf32>
        %parallel_loop3A_257 = arith.index_cast %parallel_loop3A_238 : i32 to index
        %parallel_loop3A_258 = arith.constant 0 : index
        %parallel_loop3A_259 = tpu.vector_load %arg15[%parallel_loop3A_257, %parallel_loop3A_258] {strides = array<i32>} : memref<400x32xf32, #tpu.memory_space<vmem>>, vector<16xf32>,
        tpu.vector_store %arg15[%parallel_loop3A_257, %parallel_loop3A_258], %parallel_loop3A_256 {strides = array<i32>} : memref<400x32xf32, #tpu.memory_space<vmem>>, vector<16xf32>,
        %parallel_loop3A_260 = vector.broadcast %parallel_loop3A_240 : f32 to vector<16xf32>
        %parallel_loop3A_261 = arith.mulf %get3A_40, %parallel_loop3A_260 : vector<16xf32>
        %parallel_loop3A_262 = arith.addf %parallel_loop3A_248, %parallel_loop3A_261 : vector<16xf32>
        %parallel_loop3A_263 = arith.constant 0.000000e+00 : f32
        %parallel_loop3A_264 = vector.broadcast %parallel_loop3A_263 : f32 to vector<16xf32>
        %parallel_loop3A_265 = arith.maximumf %parallel_loop3A_262, %parallel_loop3A_264 : vector<16xf32>
        %parallel_loop3A_266 = vector.broadcast %parallel_loop3A_242 : f32 to vector<16xf32>
        %parallel_loop3A_267 = arith.mulf %parallel_loop3A_265, %parallel_loop3A_266 : vector<16xf32>
        %parallel_loop3A_268 = arith.index_cast %parallel_loop3A_238 : i32 to index
        %parallel_loop3A_269 = arith.constant 16 : index
        %parallel_loop3A_270 = tpu.vector_load %arg15[%parallel_loop3A_268, %parallel_loop3A_269] {strides = array<i32>} : memref<400x32xf32, #tpu.memory_space<vmem>>, vector<16xf32>,
        tpu.vector_store %arg15[%parallel_loop3A_268, %parallel_loop3A_269], %parallel_loop3A_267 {strides = array<i32>} : memref<400x32xf32, #tpu.memory_space<vmem>>, vector<16xf32>,
        %parallel_loop3A_271 = arith.constant 16 : i32
        %parallel_loop3A_272 = arith.muli %parallel_loop3A_127, %parallel_loop3A_271 : i32
        %parallel_loop3A_273 = arith.constant 3 : i32
        %parallel_loop3A_274 = arith.addi %parallel_loop3A_272, %parallel_loop3A_273 : i32
        %parallel_loop3A_275 = vector.extract_strided_slice %parallel_loop3A_134 {offsets = [3], sizes = [1], strides = [1]} : vector<16xf32> to vector<1xf32>
        %parallel_loop3A_276 = vector.extract %parallel_loop3A_275[0] : f32 from vector<1xf32>
        %parallel_loop3A_277 = vector.extract_strided_slice %parallel_loop3A_140 {offsets = [3], sizes = [1], strides = [1]} : vector<16xf32> to vector<1xf32>
        %parallel_loop3A_278 = vector.extract %parallel_loop3A_277[0] : f32 from vector<1xf32>
        %parallel_loop3A_279 = arith.index_cast %parallel_loop3A_274 : i32 to index
        %parallel_loop3A_280 = arith.constant 0 : index
        %parallel_loop3A_281 = tpu.vector_load %arg15[%parallel_loop3A_279, %parallel_loop3A_280] {strides = array<i32>} : memref<400x32xf32, #tpu.memory_space<vmem>>, vector<16xf32>,
        %parallel_loop3A_282 = arith.index_cast %parallel_loop3A_274 : i32 to index
        %parallel_loop3A_283 = arith.constant 16 : index
        %parallel_loop3A_284 = tpu.vector_load %arg15[%parallel_loop3A_282, %parallel_loop3A_283] {strides = array<i32>} : memref<400x32xf32, #tpu.memory_space<vmem>>, vector<16xf32>,
        %parallel_loop3A_285 = vector.broadcast %parallel_loop3A_276 : f32 to vector<16xf32>
        %parallel_loop3A_286 = arith.mulf %get3A_38, %parallel_loop3A_285 : vector<16xf32>
        %parallel_loop3A_287 = arith.addf %parallel_loop3A_281, %parallel_loop3A_286 : vector<16xf32>
        %parallel_loop3A_288 = arith.constant 0.000000e+00 : f32
        %parallel_loop3A_289 = vector.broadcast %parallel_loop3A_288 : f32 to vector<16xf32>
        %parallel_loop3A_290 = arith.maximumf %parallel_loop3A_287, %parallel_loop3A_289 : vector<16xf32>
        %parallel_loop3A_291 = vector.broadcast %parallel_loop3A_278 : f32 to vector<16xf32>
        %parallel_loop3A_292 = arith.mulf %parallel_loop3A_290, %parallel_loop3A_291 : vector<16xf32>
        %parallel_loop3A_293 = arith.index_cast %parallel_loop3A_274 : i32 to index
        %parallel_loop3A_294 = arith.constant 0 : index
        %parallel_loop3A_295 = tpu.vector_load %arg15[%parallel_loop3A_293, %parallel_loop3A_294] {strides = array<i32>} : memref<400x32xf32, #tpu.memory_space<vmem>>, vector<16xf32>,
        tpu.vector_store %arg15[%parallel_loop3A_293, %parallel_loop3A_294], %parallel_loop3A_292 {strides = array<i32>} : memref<400x32xf32, #tpu.memory_space<vmem>>, vector<16xf32>,
        %parallel_loop3A_296 = vector.broadcast %parallel_loop3A_276 : f32 to vector<16xf32>
        %parallel_loop3A_297 = arith.mulf %get3A_40, %parallel_loop3A_296 : vector<16xf32>
        %parallel_loop3A_298 = arith.addf %parallel_loop3A_284, %parallel_loop3A_297 : vector<16xf32>
        %parallel_loop3A_299 = arith.constant 0.000000e+00 : f32
        %parallel_loop3A_300 = vector.broadcast %parallel_loop3A_299 : f32 to vector<16xf32>
        %parallel_loop3A_301 = arith.maximumf %parallel_loop3A_298, %parallel_loop3A_300 : vector<16xf32>
        %parallel_loop3A_302 = vector.broadcast %parallel_loop3A_278 : f32 to vector<16xf32>
        %parallel_loop3A_303 = arith.mulf %parallel_loop3A_301, %parallel_loop3A_302 : vector<16xf32>
        %parallel_loop3A_304 = arith.index_cast %parallel_loop3A_274 : i32 to index
        %parallel_loop3A_305 = arith.constant 16 : index
        %parallel_loop3A_306 = tpu.vector_load %arg15[%parallel_loop3A_304, %parallel_loop3A_305] {strides = array<i32>} : memref<400x32xf32, #tpu.memory_space<vmem>>, vector<16xf32>,
        tpu.vector_store %arg15[%parallel_loop3A_304, %parallel_loop3A_305], %parallel_loop3A_303 {strides = array<i32>} : memref<400x32xf32, #tpu.memory_space<vmem>>, vector<16xf32>,
        %parallel_loop3A_307 = arith.constant 16 : i32
        %parallel_loop3A_308 = arith.muli %parallel_loop3A_127, %parallel_loop3A_307 : i32
        %parallel_loop3A_309 = arith.constant 4 : i32
        %parallel_loop3A_310 = arith.addi %parallel_loop3A_308, %parallel_loop3A_309 : i32
        %parallel_loop3A_311 = vector.extract_strided_slice %parallel_loop3A_134 {offsets = [4], sizes = [1], strides = [1]} : vector<16xf32> to vector<1xf32>
        %parallel_loop3A_312 = vector.extract %parallel_loop3A_311[0] : f32 from vector<1xf32>
        %parallel_loop3A_313 = vector.extract_strided_slice %parallel_loop3A_140 {offsets = [4], sizes = [1], strides = [1]} : vector<16xf32> to vector<1xf32>
        %parallel_loop3A_314 = vector.extract %parallel_loop3A_313[0] : f32 from vector<1xf32>
        %parallel_loop3A_315 = arith.index_cast %parallel_loop3A_310 : i32 to index
        %parallel_loop3A_316 = arith.constant 0 : index
        %parallel_loop3A_317 = tpu.vector_load %arg15[%parallel_loop3A_315, %parallel_loop3A_316] {strides = array<i32>} : memref<400x32xf32, #tpu.memory_space<vmem>>, vector<16xf32>,
        %parallel_loop3A_318 = arith.index_cast %parallel_loop3A_310 : i32 to index
        %parallel_loop3A_319 = arith.constant 16 : index
        %parallel_loop3A_320 = tpu.vector_load %arg15[%parallel_loop3A_318, %parallel_loop3A_319] {strides = array<i32>} : memref<400x32xf32, #tpu.memory_space<vmem>>, vector<16xf32>,
        %parallel_loop3A_321 = vector.broadcast %parallel_loop3A_312 : f32 to vector<16xf32>
        %parallel_loop3A_322 = arith.mulf %get3A_38, %parallel_loop3A_321 : vector<16xf32>
        %parallel_loop3A_323 = arith.addf %parallel_loop3A_317, %parallel_loop3A_322 : vector<16xf32>
        %parallel_loop3A_324 = arith.constant 0.000000e+00 : f32
        %parallel_loop3A_325 = vector.broadcast %parallel_loop3A_324 : f32 to vector<16xf32>
        %parallel_loop3A_326 = arith.maximumf %parallel_loop3A_323, %parallel_loop3A_325 : vector<16xf32>
        %parallel_loop3A_327 = vector.broadcast %parallel_loop3A_314 : f32 to vector<16xf32>
        %parallel_loop3A_328 = arith.mulf %parallel_loop3A_326, %parallel_loop3A_327 : vector<16xf32>
        %parallel_loop3A_329 = arith.index_cast %parallel_loop3A_310 : i32 to index
        %parallel_loop3A_330 = arith.constant 0 : index
        %parallel_loop3A_331 = tpu.vector_load %arg15[%parallel_loop3A_329, %parallel_loop3A_330] {strides = array<i32>} : memref<400x32xf32, #tpu.memory_space<vmem>>, vector<16xf32>,
        tpu.vector_store %arg15[%parallel_loop3A_329, %parallel_loop3A_330], %parallel_loop3A_328 {strides = array<i32>} : memref<400x32xf32, #tpu.memory_space<vmem>>, vector<16xf32>,
        %parallel_loop3A_332 = vector.broadcast %parallel_loop3A_312 : f32 to vector<16xf32>
        %parallel_loop3A_333 = arith.mulf %get3A_40, %parallel_loop3A_332 : vector<16xf32>
        %parallel_loop3A_334 = arith.addf %parallel_loop3A_320, %parallel_loop3A_333 : vector<16xf32>
        %parallel_loop3A_335 = arith.constant 0.000000e+00 : f32
        %parallel_loop3A_336 = vector.broadcast %parallel_loop3A_335 : f32 to vector<16xf32>
        %parallel_loop3A_337 = arith.maximumf %parallel_loop3A_334, %parallel_loop3A_336 : vector<16xf32>
        %parallel_loop3A_338 = vector.broadcast %parallel_loop3A_314 : f32 to vector<16xf32>
        %parallel_loop3A_339 = arith.mulf %parallel_loop3A_337, %parallel_loop3A_338 : vector<16xf32>
        %parallel_loop3A_340 = arith.index_cast %parallel_loop3A_310 : i32 to index
        %parallel_loop3A_341 = arith.constant 16 : index
        %parallel_loop3A_342 = tpu.vector_load %arg15[%parallel_loop3A_340, %parallel_loop3A_341] {strides = array<i32>} : memref<400x32xf32, #tpu.memory_space<vmem>>, vector<16xf32>,
        tpu.vector_store %arg15[%parallel_loop3A_340, %parallel_loop3A_341], %parallel_loop3A_339 {strides = array<i32>} : memref<400x32xf32, #tpu.memory_space<vmem>>, vector<16xf32>,
        %parallel_loop3A_343 = arith.constant 16 : i32
        %parallel_loop3A_344 = arith.muli %parallel_loop3A_127, %parallel_loop3A_343 : i32
        %parallel_loop3A_345 = arith.constant 5 : i32
        %parallel_loop3A_346 = arith.addi %parallel_loop3A_344, %parallel_loop3A_345 : i32
        %parallel_loop3A_347 = vector.extract_strided_slice %parallel_loop3A_134 {offsets = [5], sizes = [1], strides = [1]} : vector<16xf32> to vector<1xf32>
        %parallel_loop3A_348 = vector.extract %parallel_loop3A_347[0] : f32 from vector<1xf32>
        %parallel_loop3A_349 = vector.extract_strided_slice %parallel_loop3A_140 {offsets = [5], sizes = [1], strides = [1]} : vector<16xf32> to vector<1xf32>
        %parallel_loop3A_350 = vector.extract %parallel_loop3A_349[0] : f32 from vector<1xf32>
        %parallel_loop3A_351 = arith.index_cast %parallel_loop3A_346 : i32 to index
        %parallel_loop3A_352 = arith.constant 0 : index
        %parallel_loop3A_353 = tpu.vector_load %arg15[%parallel_loop3A_351, %parallel_loop3A_352] {strides = array<i32>} : memref<400x32xf32, #tpu.memory_space<vmem>>, vector<16xf32>,
        %parallel_loop3A_354 = arith.index_cast %parallel_loop3A_346 : i32 to index
        %parallel_loop3A_355 = arith.constant 16 : index
        %parallel_loop3A_356 = tpu.vector_load %arg15[%parallel_loop3A_354, %parallel_loop3A_355] {strides = array<i32>} : memref<400x32xf32, #tpu.memory_space<vmem>>, vector<16xf32>,
        %parallel_loop3A_357 = vector.broadcast %parallel_loop3A_348 : f32 to vector<16xf32>
        %parallel_loop3A_358 = arith.mulf %get3A_38, %parallel_loop3A_357 : vector<16xf32>
        %parallel_loop3A_359 = arith.addf %parallel_loop3A_353, %parallel_loop3A_358 : vector<16xf32>
        %parallel_loop3A_360 = arith.constant 0.000000e+00 : f32
        %parallel_loop3A_361 = vector.broadcast %parallel_loop3A_360 : f32 to vector<16xf32>
        %parallel_loop3A_362 = arith.maximumf %parallel_loop3A_359, %parallel_loop3A_361 : vector<16xf32>
        %parallel_loop3A_363 = vector.broadcast %parallel_loop3A_350 : f32 to vector<16xf32>
        %parallel_loop3A_364 = arith.mulf %parallel_loop3A_362, %parallel_loop3A_363 : vector<16xf32>
        %parallel_loop3A_365 = arith.index_cast %parallel_loop3A_346 : i32 to index
        %parallel_loop3A_366 = arith.constant 0 : index
        %parallel_loop3A_367 = tpu.vector_load %arg15[%parallel_loop3A_365, %parallel_loop3A_366] {strides = array<i32>} : memref<400x32xf32, #tpu.memory_space<vmem>>, vector<16xf32>,
        tpu.vector_store %arg15[%parallel_loop3A_365, %parallel_loop3A_366], %parallel_loop3A_364 {strides = array<i32>} : memref<400x32xf32, #tpu.memory_space<vmem>>, vector<16xf32>,
        %parallel_loop3A_368 = vector.broadcast %parallel_loop3A_348 : f32 to vector<16xf32>
        %parallel_loop3A_369 = arith.mulf %get3A_40, %parallel_loop3A_368 : vector<16xf32>
        %parallel_loop3A_370 = arith.addf %parallel_loop3A_356, %parallel_loop3A_369 : vector<16xf32>
        %parallel_loop3A_371 = arith.constant 0.000000e+00 : f32
        %parallel_loop3A_372 = vector.broadcast %parallel_loop3A_371 : f32 to vector<16xf32>
        %parallel_loop3A_373 = arith.maximumf %parallel_loop3A_370, %parallel_loop3A_372 : vector<16xf32>
        %parallel_loop3A_374 = vector.broadcast %parallel_loop3A_350 : f32 to vector<16xf32>
        %parallel_loop3A_375 = arith.mulf %parallel_loop3A_373, %parallel_loop3A_374 : vector<16xf32>
        %parallel_loop3A_376 = arith.index_cast %parallel_loop3A_346 : i32 to index
        %parallel_loop3A_377 = arith.constant 16 : index
        %parallel_loop3A_378 = tpu.vector_load %arg15[%parallel_loop3A_376, %parallel_loop3A_377] {strides = array<i32>} : memref<400x32xf32, #tpu.memory_space<vmem>>, vector<16xf32>,
        tpu.vector_store %arg15[%parallel_loop3A_376, %parallel_loop3A_377], %parallel_loop3A_375 {strides = array<i32>} : memref<400x32xf32, #tpu.memory_space<vmem>>, vector<16xf32>,
        %parallel_loop3A_379 = arith.constant 16 : i32
        %parallel_loop3A_380 = arith.muli %parallel_loop3A_127, %parallel_loop3A_379 : i32
        %parallel_loop3A_381 = arith.constant 6 : i32
        %parallel_loop3A_382 = arith.addi %parallel_loop3A_380, %parallel_loop3A_381 : i32
        %parallel_loop3A_383 = vector.extract_strided_slice %parallel_loop3A_134 {offsets = [6], sizes = [1], strides = [1]} : vector<16xf32> to vector<1xf32>
        %parallel_loop3A_384 = vector.extract %parallel_loop3A_383[0] : f32 from vector<1xf32>
        %parallel_loop3A_385 = vector.extract_strided_slice %parallel_loop3A_140 {offsets = [6], sizes = [1], strides = [1]} : vector<16xf32> to vector<1xf32>
        %parallel_loop3A_386 = vector.extract %parallel_loop3A_385[0] : f32 from vector<1xf32>
        %parallel_loop3A_387 = arith.index_cast %parallel_loop3A_382 : i32 to index
        %parallel_loop3A_388 = arith.constant 0 : index
        %parallel_loop3A_389 = tpu.vector_load %arg15[%parallel_loop3A_387, %parallel_loop3A_388] {strides = array<i32>} : memref<400x32xf32, #tpu.memory_space<vmem>>, vector<16xf32>,
        %parallel_loop3A_390 = arith.index_cast %parallel_loop3A_382 : i32 to index
        %parallel_loop3A_391 = arith.constant 16 : index
        %parallel_loop3A_392 = tpu.vector_load %arg15[%parallel_loop3A_390, %parallel_loop3A_391] {strides = array<i32>} : memref<400x32xf32, #tpu.memory_space<vmem>>, vector<16xf32>,
        %parallel_loop3A_393 = vector.broadcast %parallel_loop3A_384 : f32 to vector<16xf32>
        %parallel_loop3A_394 = arith.mulf %get3A_38, %parallel_loop3A_393 : vector<16xf32>
        %parallel_loop3A_395 = arith.addf %parallel_loop3A_389, %parallel_loop3A_394 : vector<16xf32>
        %parallel_loop3A_396 = arith.constant 0.000000e+00 : f32
        %parallel_loop3A_397 = vector.broadcast %parallel_loop3A_396 : f32 to vector<16xf32>
        %parallel_loop3A_398 = arith.maximumf %parallel_loop3A_395, %parallel_loop3A_397 : vector<16xf32>
        %parallel_loop3A_399 = vector.broadcast %parallel_loop3A_386 : f32 to vector<16xf32>
        %parallel_loop3A_400 = arith.mulf %parallel_loop3A_398, %parallel_loop3A_399 : vector<16xf32>
        %parallel_loop3A_401 = arith.index_cast %parallel_loop3A_382 : i32 to index
        %parallel_loop3A_402 = arith.constant 0 : index
        %parallel_loop3A_403 = tpu.vector_load %arg15[%parallel_loop3A_401, %parallel_loop3A_402] {strides = array<i32>} : memref<400x32xf32, #tpu.memory_space<vmem>>, vector<16xf32>,
        tpu.vector_store %arg15[%parallel_loop3A_401, %parallel_loop3A_402], %parallel_loop3A_400 {strides = array<i32>} : memref<400x32xf32, #tpu.memory_space<vmem>>, vector<16xf32>,
        %parallel_loop3A_404 = vector.broadcast %parallel_loop3A_384 : f32 to vector<16xf32>
        %parallel_loop3A_405 = arith.mulf %get3A_40, %parallel_loop3A_404 : vector<16xf32>
        %parallel_loop3A_406 = arith.addf %parallel_loop3A_392, %parallel_loop3A_405 : vector<16xf32>
        %parallel_loop3A_407 = arith.constant 0.000000e+00 : f32
        %parallel_loop3A_408 = vector.broadcast %parallel_loop3A_407 : f32 to vector<16xf32>
        %parallel_loop3A_409 = arith.maximumf %parallel_loop3A_406, %parallel_loop3A_408 : vector<16xf32>
        %parallel_loop3A_410 = vector.broadcast %parallel_loop3A_386 : f32 to vector<16xf32>
        %parallel_loop3A_411 = arith.mulf %parallel_loop3A_409, %parallel_loop3A_410 : vector<16xf32>
        %parallel_loop3A_412 = arith.index_cast %parallel_loop3A_382 : i32 to index
        %parallel_loop3A_413 = arith.constant 16 : index
        %parallel_loop3A_414 = tpu.vector_load %arg15[%parallel_loop3A_412, %parallel_loop3A_413] {strides = array<i32>} : memref<400x32xf32, #tpu.memory_space<vmem>>, vector<16xf32>,
        tpu.vector_store %arg15[%parallel_loop3A_412, %parallel_loop3A_413], %parallel_loop3A_411 {strides = array<i32>} : memref<400x32xf32, #tpu.memory_space<vmem>>, vector<16xf32>,
        %parallel_loop3A_415 = arith.constant 16 : i32
        %parallel_loop3A_416 = arith.muli %parallel_loop3A_127, %parallel_loop3A_415 : i32
        %parallel_loop3A_417 = arith.constant 7 : i32
        %parallel_loop3A_418 = arith.addi %parallel_loop3A_416, %parallel_loop3A_417 : i32
        %parallel_loop3A_419 = vector.extract_strided_slice %parallel_loop3A_134 {offsets = [7], sizes = [1], strides = [1]} : vector<16xf32> to vector<1xf32>
        %parallel_loop3A_420 = vector.extract %parallel_loop3A_419[0] : f32 from vector<1xf32>
        %parallel_loop3A_421 = vector.extract_strided_slice %parallel_loop3A_140 {offsets = [7], sizes = [1], strides = [1]} : vector<16xf32> to vector<1xf32>
        %parallel_loop3A_422 = vector.extract %parallel_loop3A_421[0] : f32 from vector<1xf32>
        %parallel_loop3A_423 = arith.index_cast %parallel_loop3A_418 : i32 to index
        %parallel_loop3A_424 = arith.constant 0 : index
        %parallel_loop3A_425 = tpu.vector_load %arg15[%parallel_loop3A_423, %parallel_loop3A_424] {strides = array<i32>} : memref<400x32xf32, #tpu.memory_space<vmem>>, vector<16xf32>,
        %parallel_loop3A_426 = arith.index_cast %parallel_loop3A_418 : i32 to index
        %parallel_loop3A_427 = arith.constant 16 : index
        %parallel_loop3A_428 = tpu.vector_load %arg15[%parallel_loop3A_426, %parallel_loop3A_427] {strides = array<i32>} : memref<400x32xf32, #tpu.memory_space<vmem>>, vector<16xf32>,
        %parallel_loop3A_429 = vector.broadcast %parallel_loop3A_420 : f32 to vector<16xf32>
        %parallel_loop3A_430 = arith.mulf %get3A_38, %parallel_loop3A_429 : vector<16xf32>
        %parallel_loop3A_431 = arith.addf %parallel_loop3A_425, %parallel_loop3A_430 : vector<16xf32>
        %parallel_loop3A_432 = arith.constant 0.000000e+00 : f32
        %parallel_loop3A_433 = vector.broadcast %parallel_loop3A_432 : f32 to vector<16xf32>
        %parallel_loop3A_434 = arith.maximumf %parallel_loop3A_431, %parallel_loop3A_433 : vector<16xf32>
        %parallel_loop3A_435 = vector.broadcast %parallel_loop3A_422 : f32 to vector<16xf32>
        %parallel_loop3A_436 = arith.mulf %parallel_loop3A_434, %parallel_loop3A_435 : vector<16xf32>
        %parallel_loop3A_437 = arith.index_cast %parallel_loop3A_418 : i32 to index
        %parallel_loop3A_438 = arith.constant 0 : index
        %parallel_loop3A_439 = tpu.vector_load %arg15[%parallel_loop3A_437, %parallel_loop3A_438] {strides = array<i32>} : memref<400x32xf32, #tpu.memory_space<vmem>>, vector<16xf32>,
        tpu.vector_store %arg15[%parallel_loop3A_437, %parallel_loop3A_438], %parallel_loop3A_436 {strides = array<i32>} : memref<400x32xf32, #tpu.memory_space<vmem>>, vector<16xf32>,
        %parallel_loop3A_440 = vector.broadcast %parallel_loop3A_420 : f32 to vector<16xf32>
        %parallel_loop3A_441 = arith.mulf %get3A_40, %parallel_loop3A_440 : vector<16xf32>
        %parallel_loop3A_442 = arith.addf %parallel_loop3A_428, %parallel_loop3A_441 : vector<16xf32>
        %parallel_loop3A_443 = arith.constant 0.000000e+00 : f32
        %parallel_loop3A_444 = vector.broadcast %parallel_loop3A_443 : f32 to vector<16xf32>
        %parallel_loop3A_445 = arith.maximumf %parallel_loop3A_442, %parallel_loop3A_444 : vector<16xf32>
        %parallel_loop3A_446 = vector.broadcast %parallel_loop3A_422 : f32 to vector<16xf32>
        %parallel_loop3A_447 = arith.mulf %parallel_loop3A_445, %parallel_loop3A_446 : vector<16xf32>
        %parallel_loop3A_448 = arith.index_cast %parallel_loop3A_418 : i32 to index
        %parallel_loop3A_449 = arith.constant 16 : index
        %parallel_loop3A_450 = tpu.vector_load %arg15[%parallel_loop3A_448, %parallel_loop3A_449] {strides = array<i32>} : memref<400x32xf32, #tpu.memory_space<vmem>>, vector<16xf32>,
        tpu.vector_store %arg15[%parallel_loop3A_448, %parallel_loop3A_449], %parallel_loop3A_447 {strides = array<i32>} : memref<400x32xf32, #tpu.memory_space<vmem>>, vector<16xf32>,
        %parallel_loop3A_451 = arith.constant 16 : i32
        %parallel_loop3A_452 = arith.muli %parallel_loop3A_127, %parallel_loop3A_451 : i32
        %parallel_loop3A_453 = arith.constant 8 : i32
        %parallel_loop3A_454 = arith.addi %parallel_loop3A_452, %parallel_loop3A_453 : i32
        %parallel_loop3A_455 = vector.extract_strided_slice %parallel_loop3A_134 {offsets = [8], sizes = [1], strides = [1]} : vector<16xf32> to vector<1xf32>
        %parallel_loop3A_456 = vector.extract %parallel_loop3A_455[0] : f32 from vector<1xf32>
        %parallel_loop3A_457 = vector.extract_strided_slice %parallel_loop3A_140 {offsets = [8], sizes = [1], strides = [1]} : vector<16xf32> to vector<1xf32>
        %parallel_loop3A_458 = vector.extract %parallel_loop3A_457[0] : f32 from vector<1xf32>
        %parallel_loop3A_459 = arith.index_cast %parallel_loop3A_454 : i32 to index
        %parallel_loop3A_460 = arith.constant 0 : index
        %parallel_loop3A_461 = tpu.vector_load %arg15[%parallel_loop3A_459, %parallel_loop3A_460] {strides = array<i32>} : memref<400x32xf32, #tpu.memory_space<vmem>>, vector<16xf32>,
        %parallel_loop3A_462 = arith.index_cast %parallel_loop3A_454 : i32 to index
        %parallel_loop3A_463 = arith.constant 16 : index
        %parallel_loop3A_464 = tpu.vector_load %arg15[%parallel_loop3A_462, %parallel_loop3A_463] {strides = array<i32>} : memref<400x32xf32, #tpu.memory_space<vmem>>, vector<16xf32>,
        %parallel_loop3A_465 = vector.broadcast %parallel_loop3A_456 : f32 to vector<16xf32>
        %parallel_loop3A_466 = arith.mulf %get3A_38, %parallel_loop3A_465 : vector<16xf32>
        %parallel_loop3A_467 = arith.addf %parallel_loop3A_461, %parallel_loop3A_466 : vector<16xf32>
        %parallel_loop3A_468 = arith.constant 0.000000e+00 : f32
        %parallel_loop3A_469 = vector.broadcast %parallel_loop3A_468 : f32 to vector<16xf32>
        %parallel_loop3A_470 = arith.maximumf %parallel_loop3A_467, %parallel_loop3A_469 : vector<16xf32>
        %parallel_loop3A_471 = vector.broadcast %parallel_loop3A_458 : f32 to vector<16xf32>
        %parallel_loop3A_472 = arith.mulf %parallel_loop3A_470, %parallel_loop3A_471 : vector<16xf32>
        %parallel_loop3A_473 = arith.index_cast %parallel_loop3A_454 : i32 to index
        %parallel_loop3A_474 = arith.constant 0 : index
        %parallel_loop3A_475 = tpu.vector_load %arg15[%parallel_loop3A_473, %parallel_loop3A_474] {strides = array<i32>} : memref<400x32xf32, #tpu.memory_space<vmem>>, vector<16xf32>,
        tpu.vector_store %arg15[%parallel_loop3A_473, %parallel_loop3A_474], %parallel_loop3A_472 {strides = array<i32>} : memref<400x32xf32, #tpu.memory_space<vmem>>, vector<16xf32>,
        %parallel_loop3A_476 = vector.broadcast %parallel_loop3A_456 : f32 to vector<16xf32>
        %parallel_loop3A_477 = arith.mulf %get3A_40, %parallel_loop3A_476 : vector<16xf32>
        %parallel_loop3A_478 = arith.addf %parallel_loop3A_464, %parallel_loop3A_477 : vector<16xf32>
        %parallel_loop3A_479 = arith.constant 0.000000e+00 : f32
        %parallel_loop3A_480 = vector.broadcast %parallel_loop3A_479 : f32 to vector<16xf32>
        %parallel_loop3A_481 = arith.maximumf %parallel_loop3A_478, %parallel_loop3A_480 : vector<16xf32>
        %parallel_loop3A_482 = vector.broadcast %parallel_loop3A_458 : f32 to vector<16xf32>
        %parallel_loop3A_483 = arith.mulf %parallel_loop3A_481, %parallel_loop3A_482 : vector<16xf32>
        %parallel_loop3A_484 = arith.index_cast %parallel_loop3A_454 : i32 to index
        %parallel_loop3A_485 = arith.constant 16 : index
        %parallel_loop3A_486 = tpu.vector_load %arg15[%parallel_loop3A_484, %parallel_loop3A_485] {strides = array<i32>} : memref<400x32xf32, #tpu.memory_space<vmem>>, vector<16xf32>,
        tpu.vector_store %arg15[%parallel_loop3A_484, %parallel_loop3A_485], %parallel_loop3A_483 {strides = array<i32>} : memref<400x32xf32, #tpu.memory_space<vmem>>, vector<16xf32>,
        %parallel_loop3A_487 = arith.constant 16 : i32
        %parallel_loop3A_488 = arith.muli %parallel_loop3A_127, %parallel_loop3A_487 : i32
        %parallel_loop3A_489 = arith.constant 9 : i32
        %parallel_loop3A_490 = arith.addi %parallel_loop3A_488, %parallel_loop3A_489 : i32
        %parallel_loop3A_491 = vector.extract_strided_slice %parallel_loop3A_134 {offsets = [9], sizes = [1], strides = [1]} : vector<16xf32> to vector<1xf32>
        %parallel_loop3A_492 = vector.extract %parallel_loop3A_491[0] : f32 from vector<1xf32>
        %parallel_loop3A_493 = vector.extract_strided_slice %parallel_loop3A_140 {offsets = [9], sizes = [1], strides = [1]} : vector<16xf32> to vector<1xf32>
        %parallel_loop3A_494 = vector.extract %parallel_loop3A_493[0] : f32 from vector<1xf32>
        %parallel_loop3A_495 = arith.index_cast %parallel_loop3A_490 : i32 to index
        %parallel_loop3A_496 = arith.constant 0 : index
        %parallel_loop3A_497 = tpu.vector_load %arg15[%parallel_loop3A_495, %parallel_loop3A_496] {strides = array<i32>} : memref<400x32xf32, #tpu.memory_space<vmem>>, vector<16xf32>,
        %parallel_loop3A_498 = arith.index_cast %parallel_loop3A_490 : i32 to index
        %parallel_loop3A_499 = arith.constant 16 : index
        %parallel_loop3A_500 = tpu.vector_load %arg15[%parallel_loop3A_498, %parallel_loop3A_499] {strides = array<i32>} : memref<400x32xf32, #tpu.memory_space<vmem>>, vector<16xf32>,
        %parallel_loop3A_501 = vector.broadcast %parallel_loop3A_492 : f32 to vector<16xf32>
        %parallel_loop3A_502 = arith.mulf %get3A_38, %parallel_loop3A_501 : vector<16xf32>
        %parallel_loop3A_503 = arith.addf %parallel_loop3A_497, %parallel_loop3A_502 : vector<16xf32>
        %parallel_loop3A_504 = arith.constant 0.000000e+00 : f32
        %parallel_loop3A_505 = vector.broadcast %parallel_loop3A_504 : f32 to vector<16xf32>
        %parallel_loop3A_506 = arith.maximumf %parallel_loop3A_503, %parallel_loop3A_505 : vector<16xf32>
        %parallel_loop3A_507 = vector.broadcast %parallel_loop3A_494 : f32 to vector<16xf32>
        %parallel_loop3A_508 = arith.mulf %parallel_loop3A_506, %parallel_loop3A_507 : vector<16xf32>
        %parallel_loop3A_509 = arith.index_cast %parallel_loop3A_490 : i32 to index
        %parallel_loop3A_510 = arith.constant 0 : index
        %parallel_loop3A_511 = tpu.vector_load %arg15[%parallel_loop3A_509, %parallel_loop3A_510] {strides = array<i32>} : memref<400x32xf32, #tpu.memory_space<vmem>>, vector<16xf32>,
        tpu.vector_store %arg15[%parallel_loop3A_509, %parallel_loop3A_510], %parallel_loop3A_508 {strides = array<i32>} : memref<400x32xf32, #tpu.memory_space<vmem>>, vector<16xf32>,
        %parallel_loop3A_512 = vector.broadcast %parallel_loop3A_492 : f32 to vector<16xf32>
        %parallel_loop3A_513 = arith.mulf %get3A_40, %parallel_loop3A_512 : vector<16xf32>
        %parallel_loop3A_514 = arith.addf %parallel_loop3A_500, %parallel_loop3A_513 : vector<16xf32>
        %parallel_loop3A_515 = arith.constant 0.000000e+00 : f32
        %parallel_loop3A_516 = vector.broadcast %parallel_loop3A_515 : f32 to vector<16xf32>
        %parallel_loop3A_517 = arith.maximumf %parallel_loop3A_514, %parallel_loop3A_516 : vector<16xf32>
        %parallel_loop3A_518 = vector.broadcast %parallel_loop3A_494 : f32 to vector<16xf32>
        %parallel_loop3A_519 = arith.mulf %parallel_loop3A_517, %parallel_loop3A_518 : vector<16xf32>
        %parallel_loop3A_520 = arith.index_cast %parallel_loop3A_490 : i32 to index
        %parallel_loop3A_521 = arith.constant 16 : index
        %parallel_loop3A_522 = tpu.vector_load %arg15[%parallel_loop3A_520, %parallel_loop3A_521] {strides = array<i32>} : memref<400x32xf32, #tpu.memory_space<vmem>>, vector<16xf32>,
        tpu.vector_store %arg15[%parallel_loop3A_520, %parallel_loop3A_521], %parallel_loop3A_519 {strides = array<i32>} : memref<400x32xf32, #tpu.memory_space<vmem>>, vector<16xf32>,
        %parallel_loop3A_523 = arith.constant 16 : i32
        %parallel_loop3A_524 = arith.muli %parallel_loop3A_127, %parallel_loop3A_523 : i32
        %parallel_loop3A_525 = arith.constant 10 : i32
        %parallel_loop3A_526 = arith.addi %parallel_loop3A_524, %parallel_loop3A_525 : i32
        %parallel_loop3A_527 = vector.extract_strided_slice %parallel_loop3A_134 {offsets = [10], sizes = [1], strides = [1]} : vector<16xf32> to vector<1xf32>
        %parallel_loop3A_528 = vector.extract %parallel_loop3A_527[0] : f32 from vector<1xf32>
        %parallel_loop3A_529 = vector.extract_strided_slice %parallel_loop3A_140 {offsets = [10], sizes = [1], strides = [1]} : vector<16xf32> to vector<1xf32>
        %parallel_loop3A_530 = vector.extract %parallel_loop3A_529[0] : f32 from vector<1xf32>
        %parallel_loop3A_531 = arith.index_cast %parallel_loop3A_526 : i32 to index
        %parallel_loop3A_532 = arith.constant 0 : index
        %parallel_loop3A_533 = tpu.vector_load %arg15[%parallel_loop3A_531, %parallel_loop3A_532] {strides = array<i32>} : memref<400x32xf32, #tpu.memory_space<vmem>>, vector<16xf32>,
        %parallel_loop3A_534 = arith.index_cast %parallel_loop3A_526 : i32 to index
        %parallel_loop3A_535 = arith.constant 16 : index
        %parallel_loop3A_536 = tpu.vector_load %arg15[%parallel_loop3A_534, %parallel_loop3A_535] {strides = array<i32>} : memref<400x32xf32, #tpu.memory_space<vmem>>, vector<16xf32>,
        %parallel_loop3A_537 = vector.broadcast %parallel_loop3A_528 : f32 to vector<16xf32>
        %parallel_loop3A_538 = arith.mulf %get3A_38, %parallel_loop3A_537 : vector<16xf32>
        %parallel_loop3A_539 = arith.addf %parallel_loop3A_533, %parallel_loop3A_538 : vector<16xf32>
        %parallel_loop3A_540 = arith.constant 0.000000e+00 : f32
        %parallel_loop3A_541 = vector.broadcast %parallel_loop3A_540 : f32 to vector<16xf32>
        %parallel_loop3A_542 = arith.maximumf %parallel_loop3A_539, %parallel_loop3A_541 : vector<16xf32>
        %parallel_loop3A_543 = vector.broadcast %parallel_loop3A_530 : f32 to vector<16xf32>
        %parallel_loop3A_544 = arith.mulf %parallel_loop3A_542, %parallel_loop3A_543 : vector<16xf32>
        %parallel_loop3A_545 = arith.index_cast %parallel_loop3A_526 : i32 to index
        %parallel_loop3A_546 = arith.constant 0 : index
        %parallel_loop3A_547 = tpu.vector_load %arg15[%parallel_loop3A_545, %parallel_loop3A_546] {strides = array<i32>} : memref<400x32xf32, #tpu.memory_space<vmem>>, vector<16xf32>,
        tpu.vector_store %arg15[%parallel_loop3A_545, %parallel_loop3A_546], %parallel_loop3A_544 {strides = array<i32>} : memref<400x32xf32, #tpu.memory_space<vmem>>, vector<16xf32>,
        %parallel_loop3A_548 = vector.broadcast %parallel_loop3A_528 : f32 to vector<16xf32>
        %parallel_loop3A_549 = arith.mulf %get3A_40, %parallel_loop3A_548 : vector<16xf32>
        %parallel_loop3A_550 = arith.addf %parallel_loop3A_536, %parallel_loop3A_549 : vector<16xf32>
        %parallel_loop3A_551 = arith.constant 0.000000e+00 : f32
        %parallel_loop3A_552 = vector.broadcast %parallel_loop3A_551 : f32 to vector<16xf32>
        %parallel_loop3A_553 = arith.maximumf %parallel_loop3A_550, %parallel_loop3A_552 : vector<16xf32>
        %parallel_loop3A_554 = vector.broadcast %parallel_loop3A_530 : f32 to vector<16xf32>
        %parallel_loop3A_555 = arith.mulf %parallel_loop3A_553, %parallel_loop3A_554 : vector<16xf32>
        %parallel_loop3A_556 = arith.index_cast %parallel_loop3A_526 : i32 to index
        %parallel_loop3A_557 = arith.constant 16 : index
        %parallel_loop3A_558 = tpu.vector_load %arg15[%parallel_loop3A_556, %parallel_loop3A_557] {strides = array<i32>} : memref<400x32xf32, #tpu.memory_space<vmem>>, vector<16xf32>,
        tpu.vector_store %arg15[%parallel_loop3A_556, %parallel_loop3A_557], %parallel_loop3A_555 {strides = array<i32>} : memref<400x32xf32, #tpu.memory_space<vmem>>, vector<16xf32>,
        %parallel_loop3A_559 = arith.constant 16 : i32
        %parallel_loop3A_560 = arith.muli %parallel_loop3A_127, %parallel_loop3A_559 : i32
        %parallel_loop3A_561 = arith.constant 11 : i32
        %parallel_loop3A_562 = arith.addi %parallel_loop3A_560, %parallel_loop3A_561 : i32
        %parallel_loop3A_563 = vector.extract_strided_slice %parallel_loop3A_134 {offsets = [11], sizes = [1], strides = [1]} : vector<16xf32> to vector<1xf32>
        %parallel_loop3A_564 = vector.extract %parallel_loop3A_563[0] : f32 from vector<1xf32>
        %parallel_loop3A_565 = vector.extract_strided_slice %parallel_loop3A_140 {offsets = [11], sizes = [1], strides = [1]} : vector<16xf32> to vector<1xf32>
        %parallel_loop3A_566 = vector.extract %parallel_loop3A_565[0] : f32 from vector<1xf32>
        %parallel_loop3A_567 = arith.index_cast %parallel_loop3A_562 : i32 to index
        %parallel_loop3A_568 = arith.constant 0 : index
        %parallel_loop3A_569 = tpu.vector_load %arg15[%parallel_loop3A_567, %parallel_loop3A_568] {strides = array<i32>} : memref<400x32xf32, #tpu.memory_space<vmem>>, vector<16xf32>,
        %parallel_loop3A_570 = arith.index_cast %parallel_loop3A_562 : i32 to index
        %parallel_loop3A_571 = arith.constant 16 : index
        %parallel_loop3A_572 = tpu.vector_load %arg15[%parallel_loop3A_570, %parallel_loop3A_571] {strides = array<i32>} : memref<400x32xf32, #tpu.memory_space<vmem>>, vector<16xf32>,
        %parallel_loop3A_573 = vector.broadcast %parallel_loop3A_564 : f32 to vector<16xf32>
        %parallel_loop3A_574 = arith.mulf %get3A_38, %parallel_loop3A_573 : vector<16xf32>
        %parallel_loop3A_575 = arith.addf %parallel_loop3A_569, %parallel_loop3A_574 : vector<16xf32>
        %parallel_loop3A_576 = arith.constant 0.000000e+00 : f32
        %parallel_loop3A_577 = vector.broadcast %parallel_loop3A_576 : f32 to vector<16xf32>
        %parallel_loop3A_578 = arith.maximumf %parallel_loop3A_575, %parallel_loop3A_577 : vector<16xf32>
        %parallel_loop3A_579 = vector.broadcast %parallel_loop3A_566 : f32 to vector<16xf32>
        %parallel_loop3A_580 = arith.mulf %parallel_loop3A_578, %parallel_loop3A_579 : vector<16xf32>
        %parallel_loop3A_581 = arith.index_cast %parallel_loop3A_562 : i32 to index
        %parallel_loop3A_582 = arith.constant 0 : index
        %parallel_loop3A_583 = tpu.vector_load %arg15[%parallel_loop3A_581, %parallel_loop3A_582] {strides = array<i32>} : memref<400x32xf32, #tpu.memory_space<vmem>>, vector<16xf32>,
        tpu.vector_store %arg15[%parallel_loop3A_581, %parallel_loop3A_582], %parallel_loop3A_580 {strides = array<i32>} : memref<400x32xf32, #tpu.memory_space<vmem>>, vector<16xf32>,
        %parallel_loop3A_584 = vector.broadcast %parallel_loop3A_564 : f32 to vector<16xf32>
        %parallel_loop3A_585 = arith.mulf %get3A_40, %parallel_loop3A_584 : vector<16xf32>
        %parallel_loop3A_586 = arith.addf %parallel_loop3A_572, %parallel_loop3A_585 : vector<16xf32>
        %parallel_loop3A_587 = arith.constant 0.000000e+00 : f32
        %parallel_loop3A_588 = vector.broadcast %parallel_loop3A_587 : f32 to vector<16xf32>
        %parallel_loop3A_589 = arith.maximumf %parallel_loop3A_586, %parallel_loop3A_588 : vector<16xf32>
        %parallel_loop3A_590 = vector.broadcast %parallel_loop3A_566 : f32 to vector<16xf32>
        %parallel_loop3A_591 = arith.mulf %parallel_loop3A_589, %parallel_loop3A_590 : vector<16xf32>
        %parallel_loop3A_592 = arith.index_cast %parallel_loop3A_562 : i32 to index
        %parallel_loop3A_593 = arith.constant 16 : index
        %parallel_loop3A_594 = tpu.vector_load %arg15[%parallel_loop3A_592, %parallel_loop3A_593] {strides = array<i32>} : memref<400x32xf32, #tpu.memory_space<vmem>>, vector<16xf32>,
        tpu.vector_store %arg15[%parallel_loop3A_592, %parallel_loop3A_593], %parallel_loop3A_591 {strides = array<i32>} : memref<400x32xf32, #tpu.memory_space<vmem>>, vector<16xf32>,
        %parallel_loop3A_595 = arith.constant 16 : i32
        %parallel_loop3A_596 = arith.muli %parallel_loop3A_127, %parallel_loop3A_595 : i32
        %parallel_loop3A_597 = arith.constant 12 : i32
        %parallel_loop3A_598 = arith.addi %parallel_loop3A_596, %parallel_loop3A_597 : i32
        %parallel_loop3A_599 = vector.extract_strided_slice %parallel_loop3A_134 {offsets = [12], sizes = [1], strides = [1]} : vector<16xf32> to vector<1xf32>
        %parallel_loop3A_600 = vector.extract %parallel_loop3A_599[0] : f32 from vector<1xf32>
        %parallel_loop3A_601 = vector.extract_strided_slice %parallel_loop3A_140 {offsets = [12], sizes = [1], strides = [1]} : vector<16xf32> to vector<1xf32>
        %parallel_loop3A_602 = vector.extract %parallel_loop3A_601[0] : f32 from vector<1xf32>
        %parallel_loop3A_603 = arith.index_cast %parallel_loop3A_598 : i32 to index
        %parallel_loop3A_604 = arith.constant 0 : index
        %parallel_loop3A_605 = tpu.vector_load %arg15[%parallel_loop3A_603, %parallel_loop3A_604] {strides = array<i32>} : memref<400x32xf32, #tpu.memory_space<vmem>>, vector<16xf32>,
        %parallel_loop3A_606 = arith.index_cast %parallel_loop3A_598 : i32 to index
        %parallel_loop3A_607 = arith.constant 16 : index
        %parallel_loop3A_608 = tpu.vector_load %arg15[%parallel_loop3A_606, %parallel_loop3A_607] {strides = array<i32>} : memref<400x32xf32, #tpu.memory_space<vmem>>, vector<16xf32>,
        %parallel_loop3A_609 = vector.broadcast %parallel_loop3A_600 : f32 to vector<16xf32>
        %parallel_loop3A_610 = arith.mulf %get3A_38, %parallel_loop3A_609 : vector<16xf32>
        %parallel_loop3A_611 = arith.addf %parallel_loop3A_605, %parallel_loop3A_610 : vector<16xf32>
        %parallel_loop3A_612 = arith.constant 0.000000e+00 : f32
        %parallel_loop3A_613 = vector.broadcast %parallel_loop3A_612 : f32 to vector<16xf32>
        %parallel_loop3A_614 = arith.maximumf %parallel_loop3A_611, %parallel_loop3A_613 : vector<16xf32>
        %parallel_loop3A_615 = vector.broadcast %parallel_loop3A_602 : f32 to vector<16xf32>
        %parallel_loop3A_616 = arith.mulf %parallel_loop3A_614, %parallel_loop3A_615 : vector<16xf32>
        %parallel_loop3A_617 = arith.index_cast %parallel_loop3A_598 : i32 to index
        %parallel_loop3A_618 = arith.constant 0 : index
        %parallel_loop3A_619 = tpu.vector_load %arg15[%parallel_loop3A_617, %parallel_loop3A_618] {strides = array<i32>} : memref<400x32xf32, #tpu.memory_space<vmem>>, vector<16xf32>,
        tpu.vector_store %arg15[%parallel_loop3A_617, %parallel_loop3A_618], %parallel_loop3A_616 {strides = array<i32>} : memref<400x32xf32, #tpu.memory_space<vmem>>, vector<16xf32>,
        %parallel_loop3A_620 = vector.broadcast %parallel_loop3A_600 : f32 to vector<16xf32>
        %parallel_loop3A_621 = arith.mulf %get3A_40, %parallel_loop3A_620 : vector<16xf32>
        %parallel_loop3A_622 = arith.addf %parallel_loop3A_608, %parallel_loop3A_621 : vector<16xf32>
        %parallel_loop3A_623 = arith.constant 0.000000e+00 : f32
        %parallel_loop3A_624 = vector.broadcast %parallel_loop3A_623 : f32 to vector<16xf32>
        %parallel_loop3A_625 = arith.maximumf %parallel_loop3A_622, %parallel_loop3A_624 : vector<16xf32>
        %parallel_loop3A_626 = vector.broadcast %parallel_loop3A_602 : f32 to vector<16xf32>
        %parallel_loop3A_627 = arith.mulf %parallel_loop3A_625, %parallel_loop3A_626 : vector<16xf32>
        %parallel_loop3A_628 = arith.index_cast %parallel_loop3A_598 : i32 to index
        %parallel_loop3A_629 = arith.constant 16 : index
        %parallel_loop3A_630 = tpu.vector_load %arg15[%parallel_loop3A_628, %parallel_loop3A_629] {strides = array<i32>} : memref<400x32xf32, #tpu.memory_space<vmem>>, vector<16xf32>,
        tpu.vector_store %arg15[%parallel_loop3A_628, %parallel_loop3A_629], %parallel_loop3A_627 {strides = array<i32>} : memref<400x32xf32, #tpu.memory_space<vmem>>, vector<16xf32>,
        %parallel_loop3A_631 = arith.constant 16 : i32
        %parallel_loop3A_632 = arith.muli %parallel_loop3A_127, %parallel_loop3A_631 : i32
        %parallel_loop3A_633 = arith.constant 13 : i32
        %parallel_loop3A_634 = arith.addi %parallel_loop3A_632, %parallel_loop3A_633 : i32
        %parallel_loop3A_635 = vector.extract_strided_slice %parallel_loop3A_134 {offsets = [13], sizes = [1], strides = [1]} : vector<16xf32> to vector<1xf32>
        %parallel_loop3A_636 = vector.extract %parallel_loop3A_635[0] : f32 from vector<1xf32>
        %parallel_loop3A_637 = vector.extract_strided_slice %parallel_loop3A_140 {offsets = [13], sizes = [1], strides = [1]} : vector<16xf32> to vector<1xf32>
        %parallel_loop3A_638 = vector.extract %parallel_loop3A_637[0] : f32 from vector<1xf32>
        %parallel_loop3A_639 = arith.index_cast %parallel_loop3A_634 : i32 to index
        %parallel_loop3A_640 = arith.constant 0 : index
        %parallel_loop3A_641 = tpu.vector_load %arg15[%parallel_loop3A_639, %parallel_loop3A_640] {strides = array<i32>} : memref<400x32xf32, #tpu.memory_space<vmem>>, vector<16xf32>,
        %parallel_loop3A_642 = arith.index_cast %parallel_loop3A_634 : i32 to index
        %parallel_loop3A_643 = arith.constant 16 : index
        %parallel_loop3A_644 = tpu.vector_load %arg15[%parallel_loop3A_642, %parallel_loop3A_643] {strides = array<i32>} : memref<400x32xf32, #tpu.memory_space<vmem>>, vector<16xf32>,
        %parallel_loop3A_645 = vector.broadcast %parallel_loop3A_636 : f32 to vector<16xf32>
        %parallel_loop3A_646 = arith.mulf %get3A_38, %parallel_loop3A_645 : vector<16xf32>
        %parallel_loop3A_647 = arith.addf %parallel_loop3A_641, %parallel_loop3A_646 : vector<16xf32>
        %parallel_loop3A_648 = arith.constant 0.000000e+00 : f32
        %parallel_loop3A_649 = vector.broadcast %parallel_loop3A_648 : f32 to vector<16xf32>
        %parallel_loop3A_650 = arith.maximumf %parallel_loop3A_647, %parallel_loop3A_649 : vector<16xf32>
        %parallel_loop3A_651 = vector.broadcast %parallel_loop3A_638 : f32 to vector<16xf32>
        %parallel_loop3A_652 = arith.mulf %parallel_loop3A_650, %parallel_loop3A_651 : vector<16xf32>
        %parallel_loop3A_653 = arith.index_cast %parallel_loop3A_634 : i32 to index
        %parallel_loop3A_654 = arith.constant 0 : index
        %parallel_loop3A_655 = tpu.vector_load %arg15[%parallel_loop3A_653, %parallel_loop3A_654] {strides = array<i32>} : memref<400x32xf32, #tpu.memory_space<vmem>>, vector<16xf32>,
        tpu.vector_store %arg15[%parallel_loop3A_653, %parallel_loop3A_654], %parallel_loop3A_652 {strides = array<i32>} : memref<400x32xf32, #tpu.memory_space<vmem>>, vector<16xf32>,
        %parallel_loop3A_656 = vector.broadcast %parallel_loop3A_636 : f32 to vector<16xf32>
        %parallel_loop3A_657 = arith.mulf %get3A_40, %parallel_loop3A_656 : vector<16xf32>
        %parallel_loop3A_658 = arith.addf %parallel_loop3A_644, %parallel_loop3A_657 : vector<16xf32>
        %parallel_loop3A_659 = arith.constant 0.000000e+00 : f32
        %parallel_loop3A_660 = vector.broadcast %parallel_loop3A_659 : f32 to vector<16xf32>
        %parallel_loop3A_661 = arith.maximumf %parallel_loop3A_658, %parallel_loop3A_660 : vector<16xf32>
        %parallel_loop3A_662 = vector.broadcast %parallel_loop3A_638 : f32 to vector<16xf32>
        %parallel_loop3A_663 = arith.mulf %parallel_loop3A_661, %parallel_loop3A_662 : vector<16xf32>
        %parallel_loop3A_664 = arith.index_cast %parallel_loop3A_634 : i32 to index
        %parallel_loop3A_665 = arith.constant 16 : index
        %parallel_loop3A_666 = tpu.vector_load %arg15[%parallel_loop3A_664, %parallel_loop3A_665] {strides = array<i32>} : memref<400x32xf32, #tpu.memory_space<vmem>>, vector<16xf32>,
        tpu.vector_store %arg15[%parallel_loop3A_664, %parallel_loop3A_665], %parallel_loop3A_663 {strides = array<i32>} : memref<400x32xf32, #tpu.memory_space<vmem>>, vector<16xf32>,
        %parallel_loop3A_667 = arith.constant 16 : i32
        %parallel_loop3A_668 = arith.muli %parallel_loop3A_127, %parallel_loop3A_667 : i32
        %parallel_loop3A_669 = arith.constant 14 : i32
        %parallel_loop3A_670 = arith.addi %parallel_loop3A_668, %parallel_loop3A_669 : i32
        %parallel_loop3A_671 = vector.extract_strided_slice %parallel_loop3A_134 {offsets = [14], sizes = [1], strides = [1]} : vector<16xf32> to vector<1xf32>
        %parallel_loop3A_672 = vector.extract %parallel_loop3A_671[0] : f32 from vector<1xf32>
        %parallel_loop3A_673 = vector.extract_strided_slice %parallel_loop3A_140 {offsets = [14], sizes = [1], strides = [1]} : vector<16xf32> to vector<1xf32>
        %parallel_loop3A_674 = vector.extract %parallel_loop3A_673[0] : f32 from vector<1xf32>
        %parallel_loop3A_675 = arith.index_cast %parallel_loop3A_670 : i32 to index
        %parallel_loop3A_676 = arith.constant 0 : index
        %parallel_loop3A_677 = tpu.vector_load %arg15[%parallel_loop3A_675, %parallel_loop3A_676] {strides = array<i32>} : memref<400x32xf32, #tpu.memory_space<vmem>>, vector<16xf32>,
        %parallel_loop3A_678 = arith.index_cast %parallel_loop3A_670 : i32 to index
        %parallel_loop3A_679 = arith.constant 16 : index
        %parallel_loop3A_680 = tpu.vector_load %arg15[%parallel_loop3A_678, %parallel_loop3A_679] {strides = array<i32>} : memref<400x32xf32, #tpu.memory_space<vmem>>, vector<16xf32>,
        %parallel_loop3A_681 = vector.broadcast %parallel_loop3A_672 : f32 to vector<16xf32>
        %parallel_loop3A_682 = arith.mulf %get3A_38, %parallel_loop3A_681 : vector<16xf32>
        %parallel_loop3A_683 = arith.addf %parallel_loop3A_677, %parallel_loop3A_682 : vector<16xf32>
        %parallel_loop3A_684 = arith.constant 0.000000e+00 : f32
        %parallel_loop3A_685 = vector.broadcast %parallel_loop3A_684 : f32 to vector<16xf32>
        %parallel_loop3A_686 = arith.maximumf %parallel_loop3A_683, %parallel_loop3A_685 : vector<16xf32>
        %parallel_loop3A_687 = vector.broadcast %parallel_loop3A_674 : f32 to vector<16xf32>
        %parallel_loop3A_688 = arith.mulf %parallel_loop3A_686, %parallel_loop3A_687 : vector<16xf32>
        %parallel_loop3A_689 = arith.index_cast %parallel_loop3A_670 : i32 to index
        %parallel_loop3A_690 = arith.constant 0 : index
        %parallel_loop3A_691 = tpu.vector_load %arg15[%parallel_loop3A_689, %parallel_loop3A_690] {strides = array<i32>} : memref<400x32xf32, #tpu.memory_space<vmem>>, vector<16xf32>,
        tpu.vector_store %arg15[%parallel_loop3A_689, %parallel_loop3A_690], %parallel_loop3A_688 {strides = array<i32>} : memref<400x32xf32, #tpu.memory_space<vmem>>, vector<16xf32>,
        %parallel_loop3A_692 = vector.broadcast %parallel_loop3A_672 : f32 to vector<16xf32>
        %parallel_loop3A_693 = arith.mulf %get3A_40, %parallel_loop3A_692 : vector<16xf32>
        %parallel_loop3A_694 = arith.addf %parallel_loop3A_680, %parallel_loop3A_693 : vector<16xf32>
        %parallel_loop3A_695 = arith.constant 0.000000e+00 : f32
        %parallel_loop3A_696 = vector.broadcast %parallel_loop3A_695 : f32 to vector<16xf32>
        %parallel_loop3A_697 = arith.maximumf %parallel_loop3A_694, %parallel_loop3A_696 : vector<16xf32>
        %parallel_loop3A_698 = vector.broadcast %parallel_loop3A_674 : f32 to vector<16xf32>
        %parallel_loop3A_699 = arith.mulf %parallel_loop3A_697, %parallel_loop3A_698 : vector<16xf32>
        %parallel_loop3A_700 = arith.index_cast %parallel_loop3A_670 : i32 to index
        %parallel_loop3A_701 = arith.constant 16 : index
        %parallel_loop3A_702 = tpu.vector_load %arg15[%parallel_loop3A_700, %parallel_loop3A_701] {strides = array<i32>} : memref<400x32xf32, #tpu.memory_space<vmem>>, vector<16xf32>,
        tpu.vector_store %arg15[%parallel_loop3A_700, %parallel_loop3A_701], %parallel_loop3A_699 {strides = array<i32>} : memref<400x32xf32, #tpu.memory_space<vmem>>, vector<16xf32>,
        %parallel_loop3A_703 = arith.constant 16 : i32
        %parallel_loop3A_704 = arith.muli %parallel_loop3A_127, %parallel_loop3A_703 : i32
        %parallel_loop3A_705 = arith.constant 15 : i32
        %parallel_loop3A_706 = arith.addi %parallel_loop3A_704, %parallel_loop3A_705 : i32
        %parallel_loop3A_707 = vector.extract_strided_slice %parallel_loop3A_134 {offsets = [15], sizes = [1], strides = [1]} : vector<16xf32> to vector<1xf32>
        %parallel_loop3A_708 = vector.extract %parallel_loop3A_707[0] : f32 from vector<1xf32>
        %parallel_loop3A_709 = vector.extract_strided_slice %parallel_loop3A_140 {offsets = [15], sizes = [1], strides = [1]} : vector<16xf32> to vector<1xf32>
        %parallel_loop3A_710 = vector.extract %parallel_loop3A_709[0] : f32 from vector<1xf32>
        %parallel_loop3A_711 = arith.index_cast %parallel_loop3A_706 : i32 to index
        %parallel_loop3A_712 = arith.constant 0 : index
        %parallel_loop3A_713 = tpu.vector_load %arg15[%parallel_loop3A_711, %parallel_loop3A_712] {strides = array<i32>} : memref<400x32xf32, #tpu.memory_space<vmem>>, vector<16xf32>,
        %parallel_loop3A_714 = arith.index_cast %parallel_loop3A_706 : i32 to index
        %parallel_loop3A_715 = arith.constant 16 : index
        %parallel_loop3A_716 = tpu.vector_load %arg15[%parallel_loop3A_714, %parallel_loop3A_715] {strides = array<i32>} : memref<400x32xf32, #tpu.memory_space<vmem>>, vector<16xf32>,
        %parallel_loop3A_717 = vector.broadcast %parallel_loop3A_708 : f32 to vector<16xf32>
        %parallel_loop3A_718 = arith.mulf %get3A_38, %parallel_loop3A_717 : vector<16xf32>
        %parallel_loop3A_719 = arith.addf %parallel_loop3A_713, %parallel_loop3A_718 : vector<16xf32>
        %parallel_loop3A_720 = arith.constant 0.000000e+00 : f32
        %parallel_loop3A_721 = vector.broadcast %parallel_loop3A_720 : f32 to vector<16xf32>
        %parallel_loop3A_722 = arith.maximumf %parallel_loop3A_719, %parallel_loop3A_721 : vector<16xf32>
        %parallel_loop3A_723 = vector.broadcast %parallel_loop3A_710 : f32 to vector<16xf32>
        %parallel_loop3A_724 = arith.mulf %parallel_loop3A_722, %parallel_loop3A_723 : vector<16xf32>
        %parallel_loop3A_725 = arith.index_cast %parallel_loop3A_706 : i32 to index
        %parallel_loop3A_726 = arith.constant 0 : index
        %parallel_loop3A_727 = tpu.vector_load %arg15[%parallel_loop3A_725, %parallel_loop3A_726] {strides = array<i32>} : memref<400x32xf32, #tpu.memory_space<vmem>>, vector<16xf32>,
        tpu.vector_store %arg15[%parallel_loop3A_725, %parallel_loop3A_726], %parallel_loop3A_724 {strides = array<i32>} : memref<400x32xf32, #tpu.memory_space<vmem>>, vector<16xf32>,
        %parallel_loop3A_728 = vector.broadcast %parallel_loop3A_708 : f32 to vector<16xf32>
        %parallel_loop3A_729 = arith.mulf %get3A_40, %parallel_loop3A_728 : vector<16xf32>
        %parallel_loop3A_730 = arith.addf %parallel_loop3A_716, %parallel_loop3A_729 : vector<16xf32>
        %parallel_loop3A_731 = arith.constant 0.000000e+00 : f32
        %parallel_loop3A_732 = vector.broadcast %parallel_loop3A_731 : f32 to vector<16xf32>
        %parallel_loop3A_733 = arith.maximumf %parallel_loop3A_730, %parallel_loop3A_732 : vector<16xf32>
        %parallel_loop3A_734 = vector.broadcast %parallel_loop3A_710 : f32 to vector<16xf32>
        %parallel_loop3A_735 = arith.mulf %parallel_loop3A_733, %parallel_loop3A_734 : vector<16xf32>
        %parallel_loop3A_736 = arith.index_cast %parallel_loop3A_706 : i32 to index
        %parallel_loop3A_737 = arith.constant 16 : index
        %parallel_loop3A_738 = tpu.vector_load %arg15[%parallel_loop3A_736, %parallel_loop3A_737] {strides = array<i32>} : memref<400x32xf32, #tpu.memory_space<vmem>>, vector<16xf32>,
        tpu.vector_store %arg15[%parallel_loop3A_736, %parallel_loop3A_737], %parallel_loop3A_735 {strides = array<i32>} : memref<400x32xf32, #tpu.memory_space<vmem>>, vector<16xf32>,
      } {sc.loop_unroll_factor = 1 : i64, sc.parallel_access}
      %dma_start3A_124 = arith.constant 0 : i32
      %dma_start3A_125 = arith.constant 0 : i32
      %dma_start3A_126 = tpu.memref_slice %arg9[%dma_start3A_124, %dma_start3A_125] : memref<50176x32xf32, #tpu.memory_space<vmem_shared>> -> memref<50176x32xf32, #tpu.memory_space<vmem_shared>>
      tpu.enqueue_indirect_dma source(%arg15 : memref<400x32xf32, #tpu.memory_space<vmem>>) target(%dma_start3A_126 : memref<50176x32xf32, #tpu.memory_space<vmem_shared>>) offsets(%arg14 : memref<400xi32, #tpu.memory_space<vmem>>) semaphore(%arg20 : memref<!tpu.dma_semaphore, #tpu.memory_space<semaphore_mem>>) {add = true}
    }
    %scan3A_54 = arith.constant 250 : i32
    %dma_wait3A = arith.constant 0 : i32
    %dma_wait3A_55 = arith.constant 0 : i32
    %dma_wait3A_56 = tpu.memref_slice %arg9[%dma_wait3A, %dma_wait3A_55] : memref<50176x32xf32, #tpu.memory_space<vmem_shared>> -> memref<50176x32xf32, #tpu.memory_space<vmem_shared>>
    tpu.wait_indirect_dma semaphore(%arg19 : memref<!tpu.dma_semaphore, #tpu.memory_space<semaphore_mem>>) src(%arg12 : memref<400x32xf32, #tpu.memory_space<vmem>>) dst(%dma_wait3A_56 : memref<50176x32xf32, #tpu.memory_space<vmem_shared>>)
    %dma_wait3A_57 = arith.constant 0 : i32
    %dma_wait3A_58 = arith.constant 0 : i32
    %dma_wait3A_59 = tpu.memref_slice %arg9[%dma_wait3A_57, %dma_wait3A_58] : memref<50176x32xf32, #tpu.memory_space<vmem_shared>> -> memref<50176x32xf32, #tpu.memory_space<vmem_shared>>
    tpu.wait_indirect_dma semaphore(%arg20 : memref<!tpu.dma_semaphore, #tpu.memory_space<semaphore_mem>>) src(%arg15 : memref<400x32xf32, #tpu.memory_space<vmem>>) dst(%dma_wait3A_59 : memref<50176x32xf32, #tpu.memory_space<vmem_shared>>)
    %barrier3A_60 = arith.constant 0 : index
    tpu.barrier barrier_id(%barrier3A_60)
    %mul3A_61 = arith.constant 3136 : i32
    %mul3A_62 = arith.muli %arg1, %mul3A_61 : i32
    %mul3A_63 = arith.constant 3136 : i32
    %mul3A_64 = arith.muli %arg1, %mul3A_63 : i32
    "tpu.region"() ({
      %run_scoped3A = tpu.sem_alloc : memref<!tpu.dma_semaphore, #tpu.memory_space<semaphore_mem>>
      %dma_start3A_65 = arith.constant 0 : i32
      %dma_start3A_66 = tpu.memref_slice %arg8[%arg0, %mul3A_64, %dma_start3A_65] : memref<2x50176x32xf32, #tpu.memory_space<hbm>> -> memref<1x3136x32xf32, #tpu.memory_space<hbm>>
      %dma_start3A_67 = tpu.memref_squeeze %dma_start3A_66 : memref<1x3136x32xf32, #tpu.memory_space<hbm>> -> memref<3136x32xf32, #tpu.memory_space<hbm>>
      %dma_start3A_68 = arith.constant 0 : i32
      %dma_start3A_69 = tpu.memref_slice %arg9[%mul3A_62, %dma_start3A_68] : memref<50176x32xf32, #tpu.memory_space<vmem_shared>> -> memref<3136x32xf32, #tpu.memory_space<vmem_shared>>
      tpu.enqueue_dma source(%dma_start3A_69 : memref<3136x32xf32, #tpu.memory_space<vmem_shared>>) target(%dma_start3A_67 : memref<3136x32xf32, #tpu.memory_space<hbm>>) target_semaphore(%run_scoped3A : memref<!tpu.dma_semaphore, #tpu.memory_space<semaphore_mem>>)
      %dma_wait3A_70 = arith.constant 0 : i32
      %dma_wait3A_71 = tpu.memref_slice %arg8[%arg0, %mul3A_64, %dma_wait3A_70] : memref<2x50176x32xf32, #tpu.memory_space<hbm>> -> memref<1x3136x32xf32, #tpu.memory_space<hbm>>
      %dma_wait3A_72 = tpu.memref_squeeze %dma_wait3A_71 : memref<1x3136x32xf32, #tpu.memory_space<hbm>> -> memref<3136x32xf32, #tpu.memory_space<hbm>>
      %dma_wait3A_73 = arith.constant 0 : i32
      %dma_wait3A_74 = tpu.memref_slice %arg9[%mul3A_62, %dma_wait3A_73] : memref<50176x32xf32, #tpu.memory_space<vmem_shared>> -> memref<3136x32xf32, #tpu.memory_space<vmem_shared>>
      tpu.wait_dma2 semaphore(%run_scoped3A : memref<!tpu.dma_semaphore, #tpu.memory_space<semaphore_mem>>) src(%dma_wait3A_74 : memref<3136x32xf32, #tpu.memory_space<vmem_shared>>) dst(%dma_wait3A_72 : memref<3136x32xf32, #tpu.memory_space<hbm>>)
      tpu.yield
    }) : () -> ()
    return
  }
}

#map = affine_map<(d0, d1) -> (0)>
module attributes {stable_mosaic.version = 14 : i64} {
  func.func @_wsum_body(%arg0: i32, %arg1: i32, %arg2: memref<3200000xi32, #tpu.memory_space<hbm>>, %arg3: memref<3200000xf32, #tpu.memory_space<hbm>>, %arg4: memref<1605632xf32, #tpu.memory_space<hbm>>, %arg5: memref<100352xf32, #tpu.memory_space<hbm>>, %arg6: memref<8000xi32, #tpu.memory_space<vmem>>, %arg7: memref<8000xf32, #tpu.memory_space<vmem>>, %arg8: memref<50176xf32, #tpu.memory_space<vmem>>, %arg9: memref<3136xf32, #tpu.memory_space<vmem>>, %arg10: memref<3136xf32, #tpu.memory_space<vmem>>, %arg11: memref<!tpu.dma_semaphore, #tpu.memory_space<semaphore_mem>>) attributes {dimension_semantics = [#tpu.dimension_semantics<core_parallel>, #tpu.dimension_semantics<subcore_parallel>], iteration_bounds = array<i64: 2, 16>, scalar_prefetch = 0 : i64, scratch_operands = 6 : i64, tpu.core_type = #tpu.core_type<sc_vector_subcore>, window_params = [{transform_indices = #map}, {transform_indices = #map}, {transform_indices = #map}, {transform_indices = #map}]} {
    %mul3A = arith.constant 50000 : i32
    %mul3A_0 = arith.muli %arg0, %mul3A : i32
    %broadcast_in_dim3A = arith.constant 0.000000e+00 : f32
    %broadcast_in_dim3A_1 = vector.broadcast %broadcast_in_dim3A : f32 to vector<16xf32>
    %scan3A = arith.constant 0 : i32
    %scan3A_2 = arith.constant 0 : i32
    %scan3A_3 = arith.constant 3136 : i32
    %scan3A_4 = arith.addi %scan3A_2, %scan3A_3 : i32
    %scan3A_5 = arith.constant 1 : i32
    scf.for %scan3A_33 = %scan3A_2 to %scan3A_4 step %scan3A_5  : i32 {
      %mul3A_34 = arith.constant 16 : i32
      %mul3A_35 = arith.muli %scan3A_33, %mul3A_34 : i32
      %swap3A = arith.index_cast %mul3A_35 : i32 to index
      %swap3A_36 = tpu.vector_load %arg8[%swap3A] {strides = array<i32>} : memref<50176xf32, #tpu.memory_space<vmem>>, vector<16xf32>,
      tpu.vector_store %arg8[%swap3A], %broadcast_in_dim3A_1 {strides = array<i32>} : memref<50176xf32, #tpu.memory_space<vmem>>, vector<16xf32>,
    }
    %scan3A_6 = arith.constant 3136 : i32
    %scan3A_7 = arith.constant 0 : i32
    %scan3A_8 = arith.constant 0 : i32
    %scan3A_9 = arith.constant 25 : i32
    %scan3A_10 = arith.addi %scan3A_8, %scan3A_9 : i32
    %scan3A_11 = arith.constant 1 : i32
    scf.for %scan3A_33 = %scan3A_8 to %scan3A_10 step %scan3A_11  : i32 {
      %mul3A_34 = arith.constant 200000 : i32
      %mul3A_35 = arith.muli %arg1, %mul3A_34 : i32
      %mul3A_36 = arith.constant 8000 : i32
      %mul3A_37 = arith.muli %scan3A_33, %mul3A_36 : i32
      %add3A_38 = arith.addi %mul3A_35, %mul3A_37 : i32
      "tpu.region"() ({
        %run_scoped3A = tpu.sem_alloc : memref<!tpu.dma_semaphore, #tpu.memory_space<semaphore_mem>>
        %dma_start3A = tpu.memref_slice %arg2[%add3A_38] : memref<3200000xi32, #tpu.memory_space<hbm>> -> memref<8000xi32, #tpu.memory_space<hbm>>
        %dma_start3A_41 = tpu.memref_slice %arg2[%add3A_38] : memref<3200000xi32, #tpu.memory_space<hbm>> -> memref<8000xi32, #tpu.memory_space<hbm>>
        tpu.enqueue_dma source(%dma_start3A_41 : memref<8000xi32, #tpu.memory_space<hbm>>) target(%arg6 : memref<8000xi32, #tpu.memory_space<vmem>>) target_semaphore(%run_scoped3A : memref<!tpu.dma_semaphore, #tpu.memory_space<semaphore_mem>>)
        %dma_wait3A = tpu.memref_slice %arg2[%add3A_38] : memref<3200000xi32, #tpu.memory_space<hbm>> -> memref<8000xi32, #tpu.memory_space<hbm>>
        %dma_wait3A_42 = tpu.memref_slice %arg2[%add3A_38] : memref<3200000xi32, #tpu.memory_space<hbm>> -> memref<8000xi32, #tpu.memory_space<hbm>>
        tpu.wait_dma2 semaphore(%run_scoped3A : memref<!tpu.dma_semaphore, #tpu.memory_space<semaphore_mem>>) src(%dma_wait3A_42 : memref<8000xi32, #tpu.memory_space<hbm>>) dst(%arg6 : memref<8000xi32, #tpu.memory_space<vmem>>)
        tpu.yield
      }) : () -> ()
      "tpu.region"() ({
        %run_scoped3A = tpu.sem_alloc : memref<!tpu.dma_semaphore, #tpu.memory_space<semaphore_mem>>
        %dma_start3A = tpu.memref_slice %arg3[%add3A_38] : memref<3200000xf32, #tpu.memory_space<hbm>> -> memref<8000xf32, #tpu.memory_space<hbm>>
        %dma_start3A_41 = tpu.memref_slice %arg3[%add3A_38] : memref<3200000xf32, #tpu.memory_space<hbm>> -> memref<8000xf32, #tpu.memory_space<hbm>>
        tpu.enqueue_dma source(%dma_start3A_41 : memref<8000xf32, #tpu.memory_space<hbm>>) target(%arg7 : memref<8000xf32, #tpu.memory_space<vmem>>) target_semaphore(%run_scoped3A : memref<!tpu.dma_semaphore, #tpu.memory_space<semaphore_mem>>)
        %dma_wait3A = tpu.memref_slice %arg3[%add3A_38] : memref<3200000xf32, #tpu.memory_space<hbm>> -> memref<8000xf32, #tpu.memory_space<hbm>>
        %dma_wait3A_42 = tpu.memref_slice %arg3[%add3A_38] : memref<3200000xf32, #tpu.memory_space<hbm>> -> memref<8000xf32, #tpu.memory_space<hbm>>
        tpu.wait_dma2 semaphore(%run_scoped3A : memref<!tpu.dma_semaphore, #tpu.memory_space<semaphore_mem>>) src(%dma_wait3A_42 : memref<8000xf32, #tpu.memory_space<hbm>>) dst(%arg7 : memref<8000xf32, #tpu.memory_space<vmem>>)
        tpu.yield
      }) : () -> ()
      %parallel_loop3A = arith.constant 0 : i32
      %parallel_loop3A_39 = arith.constant 500 : i32
      %parallel_loop3A_40 = arith.constant 1 : i32
      scf.for %parallel_loop3A_41 = %parallel_loop3A to %parallel_loop3A_39 step %parallel_loop3A_40  : i32 {
        %parallel_loop3A_42 = arith.constant 16 : i32
        %parallel_loop3A_43 = arith.muli %parallel_loop3A_41, %parallel_loop3A_42 : i32
        %parallel_loop3A_44 = arith.index_cast %parallel_loop3A_43 : i32 to index
        %parallel_loop3A_45 = tpu.vector_load %arg7[%parallel_loop3A_44] {strides = array<i32>} : memref<8000xf32, #tpu.memory_space<vmem>>, vector<16xf32>,
        %parallel_loop3A_46 = arith.constant 9.99999974E-6 : f32
        %parallel_loop3A_47 = vector.broadcast %parallel_loop3A_46 : f32 to vector<16xf32>
        %parallel_loop3A_48 = arith.addf %parallel_loop3A_45, %parallel_loop3A_47 : vector<16xf32>
        %parallel_loop3A_49 = arith.constant 1.000000e+00 : f32
        %parallel_loop3A_50 = vector.broadcast %parallel_loop3A_49 : f32 to vector<16xf32>
        %parallel_loop3A_51 = arith.divf %parallel_loop3A_50, %parallel_loop3A_48 : vector<16xf32>
        %parallel_loop3A_52 = arith.index_cast %parallel_loop3A_43 : i32 to index
        %parallel_loop3A_53 = tpu.vector_load %arg6[%parallel_loop3A_52] {strides = array<i32>} : memref<8000xi32, #tpu.memory_space<vmem>>, vector<16xi32>,
        %parallel_loop3A_54 = vector.broadcast %mul3A_0 : i32 to vector<16xi32>
        %parallel_loop3A_55 = arith.subi %parallel_loop3A_53, %parallel_loop3A_54 : vector<16xi32>
        %parallel_loop3A_56 = arith.constant 0 : i32
        %parallel_loop3A_57 = vector.broadcast %parallel_loop3A_56 : i32 to vector<16xi32>
        %parallel_loop3A_58 = arith.cmpi sge, %parallel_loop3A_55, %parallel_loop3A_57 : vector<16xi32>
        %parallel_loop3A_59 = arith.constant 50000 : i32
        %parallel_loop3A_60 = vector.broadcast %parallel_loop3A_59 : i32 to vector<16xi32>
        %parallel_loop3A_61 = arith.cmpi slt, %parallel_loop3A_55, %parallel_loop3A_60 : vector<16xi32>
        %parallel_loop3A_62 = arith.andi %parallel_loop3A_58, %parallel_loop3A_61 : vector<16xi1>
        %parallel_loop3A_63 = arith.constant 50000 : i32
        %parallel_loop3A_64 = vector.broadcast %parallel_loop3A_63 : i32 to vector<16xi32>
        %parallel_loop3A_65 = arith.select %parallel_loop3A_62, %parallel_loop3A_55, %parallel_loop3A_64 : vector<16xi1>, vector<16xi32>
        tpu.vector_store_idx %arg8[%parallel_loop3A_65], %parallel_loop3A_51 {add = true} : memref<50176xf32, #tpu.memory_space<vmem>>[vector<16xi32>], vector<16xf32>,
      } {sc.loop_unroll_factor = 4 : i64, sc.parallel_access}
    }
    %scan3A_12 = arith.constant 25 : i32
    %mul3A_13 = arith.constant 16 : i32
    %mul3A_14 = arith.muli %arg0, %mul3A_13 : i32
    %add3A = arith.addi %mul3A_14, %arg1 : i32
    %mul3A_15 = arith.constant 50176 : i32
    %mul3A_16 = arith.muli %add3A, %mul3A_15 : i32
    "tpu.region"() ({
      %run_scoped3A = tpu.sem_alloc : memref<!tpu.dma_semaphore, #tpu.memory_space<semaphore_mem>>
      %dma_start3A = tpu.memref_slice %arg4[%mul3A_16] : memref<1605632xf32, #tpu.memory_space<hbm>> -> memref<50176xf32, #tpu.memory_space<hbm>>
      %dma_start3A_33 = tpu.memref_slice %arg4[%mul3A_16] : memref<1605632xf32, #tpu.memory_space<hbm>> -> memref<50176xf32, #tpu.memory_space<hbm>>
      tpu.enqueue_dma source(%arg8 : memref<50176xf32, #tpu.memory_space<vmem>>) target(%dma_start3A_33 : memref<50176xf32, #tpu.memory_space<hbm>>) target_semaphore(%run_scoped3A : memref<!tpu.dma_semaphore, #tpu.memory_space<semaphore_mem>>)
      %dma_wait3A = tpu.memref_slice %arg4[%mul3A_16] : memref<1605632xf32, #tpu.memory_space<hbm>> -> memref<50176xf32, #tpu.memory_space<hbm>>
      %dma_wait3A_34 = tpu.memref_slice %arg4[%mul3A_16] : memref<1605632xf32, #tpu.memory_space<hbm>> -> memref<50176xf32, #tpu.memory_space<hbm>>
      tpu.wait_dma2 semaphore(%run_scoped3A : memref<!tpu.dma_semaphore, #tpu.memory_space<semaphore_mem>>) src(%arg8 : memref<50176xf32, #tpu.memory_space<vmem>>) dst(%dma_wait3A_34 : memref<50176xf32, #tpu.memory_space<hbm>>)
      tpu.yield
    }) : () -> ()
    %barrier3A = arith.constant 0 : index
    tpu.barrier barrier_id(%barrier3A)
    %mul3A_17 = arith.constant 3136 : i32
    %mul3A_18 = arith.muli %arg1, %mul3A_17 : i32
    %mul3A_19 = arith.constant 16 : i32
    %mul3A_20 = arith.muli %arg0, %mul3A_19 : i32
    %mul3A_21 = arith.constant 50176 : i32
    %mul3A_22 = arith.muli %mul3A_20, %mul3A_21 : i32
    %add3A_23 = arith.addi %mul3A_22, %mul3A_18 : i32
    "tpu.region"() ({
      %run_scoped3A = tpu.sem_alloc : memref<!tpu.dma_semaphore, #tpu.memory_space<semaphore_mem>>
      %dma_start3A = tpu.memref_slice %arg4[%add3A_23] : memref<1605632xf32, #tpu.memory_space<hbm>> -> memref<3136xf32, #tpu.memory_space<hbm>>
      %dma_start3A_33 = tpu.memref_slice %arg4[%add3A_23] : memref<1605632xf32, #tpu.memory_space<hbm>> -> memref<3136xf32, #tpu.memory_space<hbm>>
      tpu.enqueue_dma source(%dma_start3A_33 : memref<3136xf32, #tpu.memory_space<hbm>>) target(%arg9 : memref<3136xf32, #tpu.memory_space<vmem>>) target_semaphore(%run_scoped3A : memref<!tpu.dma_semaphore, #tpu.memory_space<semaphore_mem>>)
      %dma_wait3A = tpu.memref_slice %arg4[%add3A_23] : memref<1605632xf32, #tpu.memory_space<hbm>> -> memref<3136xf32, #tpu.memory_space<hbm>>
      %dma_wait3A_34 = tpu.memref_slice %arg4[%add3A_23] : memref<1605632xf32, #tpu.memory_space<hbm>> -> memref<3136xf32, #tpu.memory_space<hbm>>
      tpu.wait_dma2 semaphore(%run_scoped3A : memref<!tpu.dma_semaphore, #tpu.memory_space<semaphore_mem>>) src(%dma_wait3A_34 : memref<3136xf32, #tpu.memory_space<hbm>>) dst(%arg9 : memref<3136xf32, #tpu.memory_space<vmem>>)
      tpu.yield
    }) : () -> ()
    %scan3A_24 = arith.constant 0 : i32
    %scan3A_25 = arith.constant 1 : i32
    %scan3A_26 = arith.constant 15 : i32
    %scan3A_27 = arith.addi %scan3A_25, %scan3A_26 : i32
    %scan3A_28 = arith.constant 1 : i32
    scf.for %scan3A_33 = %scan3A_25 to %scan3A_27 step %scan3A_28  : i32 {
      %mul3A_34 = arith.constant 16 : i32
      %mul3A_35 = arith.muli %arg0, %mul3A_34 : i32
      %add3A_36 = arith.addi %mul3A_35, %scan3A_33 : i32
      %mul3A_37 = arith.constant 50176 : i32
      %mul3A_38 = arith.muli %add3A_36, %mul3A_37 : i32
      %add3A_39 = arith.addi %mul3A_38, %mul3A_18 : i32
      "tpu.region"() ({
        %run_scoped3A = tpu.sem_alloc : memref<!tpu.dma_semaphore, #tpu.memory_space<semaphore_mem>>
        %dma_start3A = tpu.memref_slice %arg4[%add3A_39] : memref<1605632xf32, #tpu.memory_space<hbm>> -> memref<3136xf32, #tpu.memory_space<hbm>>
        %dma_start3A_46 = tpu.memref_slice %arg4[%add3A_39] : memref<1605632xf32, #tpu.memory_space<hbm>> -> memref<3136xf32, #tpu.memory_space<hbm>>
        tpu.enqueue_dma source(%dma_start3A_46 : memref<3136xf32, #tpu.memory_space<hbm>>) target(%arg10 : memref<3136xf32, #tpu.memory_space<vmem>>) target_semaphore(%run_scoped3A : memref<!tpu.dma_semaphore, #tpu.memory_space<semaphore_mem>>)
        %dma_wait3A = tpu.memref_slice %arg4[%add3A_39] : memref<1605632xf32, #tpu.memory_space<hbm>> -> memref<3136xf32, #tpu.memory_space<hbm>>
        %dma_wait3A_47 = tpu.memref_slice %arg4[%add3A_39] : memref<1605632xf32, #tpu.memory_space<hbm>> -> memref<3136xf32, #tpu.memory_space<hbm>>
        tpu.wait_dma2 semaphore(%run_scoped3A : memref<!tpu.dma_semaphore, #tpu.memory_space<semaphore_mem>>) src(%dma_wait3A_47 : memref<3136xf32, #tpu.memory_space<hbm>>) dst(%arg10 : memref<3136xf32, #tpu.memory_space<vmem>>)
        tpu.yield
      }) : () -> ()
      %scan3A_40 = arith.constant 0 : i32
      %scan3A_41 = arith.constant 0 : i32
      %scan3A_42 = arith.constant 196 : i32
      %scan3A_43 = arith.addi %scan3A_41, %scan3A_42 : i32
      %scan3A_44 = arith.constant 1 : i32
      scf.for %scan3A_46 = %scan3A_41 to %scan3A_43 step %scan3A_44  : i32 {
        %mul3A_47 = arith.constant 16 : i32
        %mul3A_48 = arith.muli %scan3A_46, %mul3A_47 : i32
        %get3A = arith.index_cast %mul3A_48 : i32 to index
        %get3A_49 = tpu.vector_load %arg9[%get3A] {strides = array<i32>} : memref<3136xf32, #tpu.memory_space<vmem>>, vector<16xf32>,
        %get3A_50 = arith.index_cast %mul3A_48 : i32 to index
        %get3A_51 = tpu.vector_load %arg10[%get3A_50] {strides = array<i32>} : memref<3136xf32, #tpu.memory_space<vmem>>, vector<16xf32>,
        %add3A_52 = arith.addf %get3A_49, %get3A_51 : vector<16xf32>
        %swap3A = arith.index_cast %mul3A_48 : i32 to index
        %swap3A_53 = tpu.vector_load %arg9[%swap3A] {strides = array<i32>} : memref<3136xf32, #tpu.memory_space<vmem>>, vector<16xf32>,
        tpu.vector_store %arg9[%swap3A], %add3A_52 {strides = array<i32>} : memref<3136xf32, #tpu.memory_space<vmem>>, vector<16xf32>,
      }
      %scan3A_45 = arith.constant 196 : i32
    }
    %scan3A_29 = arith.constant 15 : i32
    %mul3A_30 = arith.constant 50176 : i32
    %mul3A_31 = arith.muli %arg0, %mul3A_30 : i32
    %add3A_32 = arith.addi %mul3A_31, %mul3A_18 : i32
    "tpu.region"() ({
      %run_scoped3A = tpu.sem_alloc : memref<!tpu.dma_semaphore, #tpu.memory_space<semaphore_mem>>
      %dma_start3A = tpu.memref_slice %arg5[%add3A_32] : memref<100352xf32, #tpu.memory_space<hbm>> -> memref<3136xf32, #tpu.memory_space<hbm>>
      %dma_start3A_33 = tpu.memref_slice %arg5[%add3A_32] : memref<100352xf32, #tpu.memory_space<hbm>> -> memref<3136xf32, #tpu.memory_space<hbm>>
      tpu.enqueue_dma source(%arg9 : memref<3136xf32, #tpu.memory_space<vmem>>) target(%dma_start3A_33 : memref<3136xf32, #tpu.memory_space<hbm>>) target_semaphore(%run_scoped3A : memref<!tpu.dma_semaphore, #tpu.memory_space<semaphore_mem>>)
      %dma_wait3A = tpu.memref_slice %arg5[%add3A_32] : memref<100352xf32, #tpu.memory_space<hbm>> -> memref<3136xf32, #tpu.memory_space<hbm>>
      %dma_wait3A_34 = tpu.memref_slice %arg5[%add3A_32] : memref<100352xf32, #tpu.memory_space<hbm>> -> memref<3136xf32, #tpu.memory_space<hbm>>
      tpu.wait_dma2 semaphore(%run_scoped3A : memref<!tpu.dma_semaphore, #tpu.memory_space<semaphore_mem>>) src(%arg9 : memref<3136xf32, #tpu.memory_space<vmem>>) dst(%dma_wait3A_34 : memref<3136xf32, #tpu.memory_space<hbm>>)
      tpu.yield
    }) : () -> ()
    return
  }
}

module attributes {stable_mosaic.version = 14 : i64} {
  func.func @_ab_body(%arg0: i32, %arg1: memref<5000x32xf32, #tpu.memory_space<vmem>>, %arg2: memref<32x32xf32, #tpu.memory_space<vmem>>, %arg3: memref<32x32xf32, #tpu.memory_space<vmem>>, %arg4: memref<5000x32xf32, #tpu.memory_space<vmem>>, %arg5: memref<5000x32xf32, #tpu.memory_space<vmem>>) attributes {dimension_semantics = [#tpu.dimension_semantics<arbitrary>], iteration_bounds = array<i64: 20>, scalar_prefetch = 0 : i64, scratch_operands = 0 : i64, tpu.core_type = #tpu.core_type<tc>, window_params = [{transform_indices = @transform_0, window_bounds = array<i64: 5000, 32>}, {pipeline_mode = #tpu.pipeline_mode<synchronous>, transform_indices = @transform_1, window_bounds = array<i64: 32, 32>}, {pipeline_mode = #tpu.pipeline_mode<synchronous>, transform_indices = @transform_2, window_bounds = array<i64: 32, 32>}, {transform_indices = @transform_3, window_bounds = array<i64: 5000, 32>}, {transform_indices = @transform_4, window_bounds = array<i64: 5000, 32>}]} {
    %get3A = arith.constant 0 : index
    %get3A_0 = arith.constant 0 : index
    %get3A_1 = vector.load %arg1[%get3A, %get3A_0] : memref<5000x32xf32, #tpu.memory_space<vmem>>, vector<5000x32xf32>
    %get3A_2 = arith.constant 0 : index
    %get3A_3 = arith.constant 0 : index
    %get3A_4 = vector.load %arg2[%get3A_2, %get3A_3] : memref<32x32xf32, #tpu.memory_space<vmem>>, vector<32x32xf32>
    %dot_general3A = arith.constant dense<0.000000e+00> : vector<5000x32xf32>
    %dot_general3A_5 = tpu.matmul %get3A_1, %get3A_4, %dot_general3A {dimension_numbers = #tpu.dot_dimension_numbers<[1], [0], [0], [1], [0, 0, 1, 1], [], []>, transpose_lhs_hint = false} : vector<5000x32xf32>, vector<32x32xf32>, vector<5000x32xf32> -> vector<5000x32xf32>
    %swap3A = arith.constant 0 : index
    %swap3A_6 = arith.constant 0 : index
    %swap3A_7 = vector.load %arg4[%swap3A, %swap3A_6] : memref<5000x32xf32, #tpu.memory_space<vmem>>, vector<5000x32xf32>
    tpu.vector_store %arg4[%swap3A, %swap3A_6], %dot_general3A_5 {strides = array<i32>} : memref<5000x32xf32, #tpu.memory_space<vmem>>, vector<5000x32xf32>,
    %get3A_8 = arith.constant 0 : index
    %get3A_9 = arith.constant 0 : index
    %get3A_10 = vector.load %arg3[%get3A_8, %get3A_9] : memref<32x32xf32, #tpu.memory_space<vmem>>, vector<32x32xf32>
    %dot_general3A_11 = arith.constant dense<0.000000e+00> : vector<5000x32xf32>
    %dot_general3A_12 = tpu.matmul %get3A_1, %get3A_10, %dot_general3A_11 {dimension_numbers = #tpu.dot_dimension_numbers<[1], [0], [0], [1], [0, 0, 1, 1], [], []>, transpose_lhs_hint = false} : vector<5000x32xf32>, vector<32x32xf32>, vector<5000x32xf32> -> vector<5000x32xf32>
    %swap3A_13 = arith.constant 0 : index
    %swap3A_14 = arith.constant 0 : index
    %swap3A_15 = vector.load %arg5[%swap3A_13, %swap3A_14] : memref<5000x32xf32, #tpu.memory_space<vmem>>, vector<5000x32xf32>
    tpu.vector_store %arg5[%swap3A_13, %swap3A_14], %dot_general3A_12 {strides = array<i32>} : memref<5000x32xf32, #tpu.memory_space<vmem>>, vector<5000x32xf32>,
    return
  }
  func.func @transform_0(%arg0: i32) -> (i32, i32) {
    %c0_i32 = arith.constant 0 : i32
    %c0_i32_0 = arith.constant 0 : i32
    return %arg0, %c0_i32 : i32, i32
  }
  func.func @transform_1(%arg0: i32) -> (i32, i32) {
    %c0_i32 = arith.constant 0 : i32
    %c0_i32_0 = arith.constant 0 : i32
    %c0_i32_1 = arith.constant 0 : i32
    return %c0_i32, %c0_i32_0 : i32, i32
  }
  func.func @transform_2(%arg0: i32) -> (i32, i32) {
    %c0_i32 = arith.constant 0 : i32
    %c0_i32_0 = arith.constant 0 : i32
    %c0_i32_1 = arith.constant 0 : i32
    return %c0_i32, %c0_i32_0 : i32, i32
  }
  func.func @transform_3(%arg0: i32) -> (i32, i32) {
    %c0_i32 = arith.constant 0 : i32
    %c0_i32_0 = arith.constant 0 : i32
    return %arg0, %c0_i32 : i32, i32
  }
  func.func @transform_4(%arg0: i32) -> (i32, i32) {
    %c0_i32 = arith.constant 0 : i32
    %c0_i32_0 = arith.constant 0 : i32
    return %arg0, %c0_i32 : i32, i32
  }
}

module attributes {stable_mosaic.version = 14 : i64} {
  func.func @_node_body(%arg0: i32, %arg1: memref<5000x32xf32, #tpu.memory_space<vmem>>, %arg2: memref<5000x1xi32, #tpu.memory_space<vmem>>, %arg3: memref<1x5000x32xf32, #tpu.memory_space<vmem>>, %arg4: memref<1x5000x1xf32, #tpu.memory_space<vmem>>, %arg5: memref<64x32xf32, #tpu.memory_space<vmem>>, %arg6: memref<64x32xf32, #tpu.memory_space<vmem>>, %arg7: memref<64x32xf32, #tpu.memory_space<vmem>>, %arg8: memref<5000x32xf32, #tpu.memory_space<vmem>>) attributes {dimension_semantics = [#tpu.dimension_semantics<arbitrary>], iteration_bounds = array<i64: 20>, scalar_prefetch = 0 : i64, scratch_operands = 0 : i64, tpu.core_type = #tpu.core_type<tc>, window_params = [{transform_indices = @transform_0, window_bounds = array<i64: 5000, 32>}, {transform_indices = @transform_1, window_bounds = array<i64: 5000, 1>}, {transform_indices = @transform_2, window_bounds = array<i64: 1, 5000, 32>}, {transform_indices = @transform_3, window_bounds = array<i64: 1, 5000, 1>}, {pipeline_mode = #tpu.pipeline_mode<synchronous>, transform_indices = @transform_4, window_bounds = array<i64: 64, 32>}, {pipeline_mode = #tpu.pipeline_mode<synchronous>, transform_indices = @transform_5, window_bounds = array<i64: 64, 32>}, {pipeline_mode = #tpu.pipeline_mode<synchronous>, transform_indices = @transform_6, window_bounds = array<i64: 64, 32>}, {transform_indices = @transform_7, window_bounds = array<i64: 5000, 32>}]} {
    %get3A = arith.constant 0 : index
    %get3A_0 = arith.constant 0 : index
    %get3A_1 = arith.constant 0 : index
    %get3A_2 = vector.load %arg3[%get3A, %get3A_0, %get3A_1] : memref<1x5000x32xf32, #tpu.memory_space<vmem>>, vector<1x5000x32xf32>
    %get3A_3 = vector.shape_cast %get3A_2 : vector<1x5000x32xf32> to vector<5000x32xf32>
    %get3A_4 = arith.constant 0 : index
    %get3A_5 = arith.constant 0 : index
    %get3A_6 = arith.constant 0 : index
    %get3A_7 = vector.load %arg4[%get3A_4, %get3A_5, %get3A_6] : memref<1x5000x1xf32, #tpu.memory_space<vmem>>, vector<1x5000x1xf32>
    %get3A_8 = vector.shape_cast %get3A_7 : vector<1x5000x1xf32> to vector<5000x1xf32>
    %gt3A = arith.constant 0.000000e+00 : f32
    %gt3A_9 = vector.broadcast %gt3A : f32 to vector<5000x1xf32>
    %gt3A_10 = arith.cmpf ogt, %get3A_8, %gt3A_9 : vector<5000x1xf32>
    %jit3A = arith.constant 1.000000e+00 : f32
    %broadcast_in_dim3A = vector.broadcast %jit3A : f32 to vector<5000x1xf32>
    %select_n3A = arith.select %gt3A_10, %get3A_8, %broadcast_in_dim3A : vector<5000x1xi1>, vector<5000x1xf32>
    %div3A = vector.broadcast %select_n3A : vector<5000x1xf32> to vector<5000x32xf32>
    %div3A_11 = arith.divf %get3A_3, %div3A : vector<5000x32xf32>
    %jit3A_12 = arith.constant 0.000000e+00 : f32
    %broadcast_in_dim3A_13 = vector.shape_cast %gt3A_10 : vector<5000x1xi1> to vector<5000x1xi1>
    %broadcast_in_dim3A_14 = vector.broadcast %broadcast_in_dim3A_13 : vector<5000x1xi1> to vector<5000x32xi1>
    %broadcast_in_dim3A_15 = vector.broadcast %jit3A_12 : f32 to vector<5000x32xf32>
    %select_n3A_16 = arith.select %broadcast_in_dim3A_14, %div3A_11, %broadcast_in_dim3A_15 : vector<5000x32xi1>, vector<5000x32xf32>
    %get3A_17 = arith.constant 0 : index
    %get3A_18 = arith.constant 0 : index
    %get3A_19 = vector.load %arg1[%get3A_17, %get3A_18] : memref<5000x32xf32, #tpu.memory_space<vmem>>, vector<5000x32xf32>
    %concatenate3A = tpu.concatenate %get3A_19, %select_n3A_16 in 1 : vector<5000x32xf32>, vector<5000x32xf32> -> vector<5000x64xf32>
    %get3A_20 = arith.constant 0 : index
    %get3A_21 = arith.constant 0 : index
    %get3A_22 = vector.load %arg5[%get3A_20, %get3A_21] : memref<64x32xf32, #tpu.memory_space<vmem>>, vector<64x32xf32>
    %dot_general3A = arith.constant dense<0.000000e+00> : vector<5000x32xf32>
    %dot_general3A_23 = tpu.matmul %concatenate3A, %get3A_22, %dot_general3A {dimension_numbers = #tpu.dot_dimension_numbers<[1], [0], [0], [1], [0, 0, 1, 1], [], []>, transpose_lhs_hint = false} : vector<5000x64xf32>, vector<64x32xf32>, vector<5000x32xf32> -> vector<5000x32xf32>
    %max3A = arith.constant 0.000000e+00 : f32
    %max3A_24 = vector.broadcast %max3A : f32 to vector<5000x32xf32>
    %max3A_25 = arith.maximumf %dot_general3A_23, %max3A_24 : vector<5000x32xf32>
    %get3A_26 = arith.constant 0 : index
    %get3A_27 = arith.constant 0 : index
    %get3A_28 = vector.load %arg6[%get3A_26, %get3A_27] : memref<64x32xf32, #tpu.memory_space<vmem>>, vector<64x32xf32>
    %dot_general3A_29 = arith.constant dense<0.000000e+00> : vector<5000x32xf32>
    %dot_general3A_30 = tpu.matmul %concatenate3A, %get3A_28, %dot_general3A_29 {dimension_numbers = #tpu.dot_dimension_numbers<[1], [0], [0], [1], [0, 0, 1, 1], [], []>, transpose_lhs_hint = false} : vector<5000x64xf32>, vector<64x32xf32>, vector<5000x32xf32> -> vector<5000x32xf32>
    %max3A_31 = arith.constant 0.000000e+00 : f32
    %max3A_32 = vector.broadcast %max3A_31 : f32 to vector<5000x32xf32>
    %max3A_33 = arith.maximumf %dot_general3A_30, %max3A_32 : vector<5000x32xf32>
    %get3A_34 = arith.constant 0 : index
    %get3A_35 = arith.constant 0 : index
    %get3A_36 = vector.load %arg7[%get3A_34, %get3A_35] : memref<64x32xf32, #tpu.memory_space<vmem>>, vector<64x32xf32>
    %dot_general3A_37 = arith.constant dense<0.000000e+00> : vector<5000x32xf32>
    %dot_general3A_38 = tpu.matmul %concatenate3A, %get3A_36, %dot_general3A_37 {dimension_numbers = #tpu.dot_dimension_numbers<[1], [0], [0], [1], [0, 0, 1, 1], [], []>, transpose_lhs_hint = false} : vector<5000x64xf32>, vector<64x32xf32>, vector<5000x32xf32> -> vector<5000x32xf32>
    %max3A_39 = arith.constant 0.000000e+00 : f32
    %max3A_40 = vector.broadcast %max3A_39 : f32 to vector<5000x32xf32>
    %max3A_41 = arith.maximumf %dot_general3A_38, %max3A_40 : vector<5000x32xf32>
    %get3A_42 = arith.constant 0 : index
    %get3A_43 = arith.constant 0 : index
    %get3A_44 = vector.load %arg2[%get3A_42, %get3A_43] : memref<5000x1xi32, #tpu.memory_space<vmem>>, vector<5000x1xi32>
    %eq3A = arith.constant 0 : i32
    %eq3A_45 = vector.broadcast %eq3A : i32 to vector<5000x1xi32>
    %eq3A_46 = arith.cmpi eq, %get3A_44, %eq3A_45 : vector<5000x1xi32>
    %eq3A_47 = arith.constant 1 : i32
    %eq3A_48 = vector.broadcast %eq3A_47 : i32 to vector<5000x1xi32>
    %eq3A_49 = arith.cmpi eq, %get3A_44, %eq3A_48 : vector<5000x1xi32>
    %broadcast_in_dim3A_50 = vector.shape_cast %eq3A_49 : vector<5000x1xi1> to vector<5000x1xi1>
    %broadcast_in_dim3A_51 = vector.broadcast %broadcast_in_dim3A_50 : vector<5000x1xi1> to vector<5000x32xi1>
    %select_n3A_52 = arith.select %broadcast_in_dim3A_51, %max3A_33, %max3A_41 : vector<5000x32xi1>, vector<5000x32xf32>
    %broadcast_in_dim3A_53 = vector.shape_cast %eq3A_46 : vector<5000x1xi1> to vector<5000x1xi1>
    %broadcast_in_dim3A_54 = vector.broadcast %broadcast_in_dim3A_53 : vector<5000x1xi1> to vector<5000x32xi1>
    %select_n3A_55 = arith.select %broadcast_in_dim3A_54, %max3A_25, %select_n3A_52 : vector<5000x32xi1>, vector<5000x32xf32>
    %swap3A = arith.constant 0 : index
    %swap3A_56 = arith.constant 0 : index
    %swap3A_57 = vector.load %arg8[%swap3A, %swap3A_56] : memref<5000x32xf32, #tpu.memory_space<vmem>>, vector<5000x32xf32>
    tpu.vector_store %arg8[%swap3A, %swap3A_56], %select_n3A_55 {strides = array<i32>} : memref<5000x32xf32, #tpu.memory_space<vmem>>, vector<5000x32xf32>,
    return
  }
  func.func @transform_0(%arg0: i32) -> (i32, i32) {
    %c0_i32 = arith.constant 0 : i32
    %c0_i32_0 = arith.constant 0 : i32
    return %arg0, %c0_i32 : i32, i32
  }
  func.func @transform_1(%arg0: i32) -> (i32, i32) {
    %c0_i32 = arith.constant 0 : i32
    %c0_i32_0 = arith.constant 0 : i32
    return %arg0, %c0_i32 : i32, i32
  }
  func.func @transform_2(%arg0: i32) -> (i32, i32, i32) {
    %jit3A = arith.constant 10 : i32
    %div3A = arith.divsi %arg0, %jit3A : i32
    %sign3A = arith.constant 0 : i32
    %sign3A_0 = arith.cmpi sgt, %arg0, %sign3A : i32
    %sign3A_1 = arith.extui %sign3A_0 : i1 to i32
    %sign3A_2 = arith.constant 0 : i32
    %sign3A_3 = arith.cmpi slt, %arg0, %sign3A_2 : i32
    %sign3A_4 = arith.extui %sign3A_3 : i1 to i32
    %sign3A_5 = arith.subi %sign3A_1, %sign3A_4 : i32
    %sign3A_6 = arith.constant 0 : i32
    %sign3A_7 = arith.cmpi sgt, %jit3A, %sign3A_6 : i32
    %sign3A_8 = arith.extui %sign3A_7 : i1 to i32
    %sign3A_9 = arith.constant 0 : i32
    %sign3A_10 = arith.cmpi slt, %jit3A, %sign3A_9 : i32
    %sign3A_11 = arith.extui %sign3A_10 : i1 to i32
    %sign3A_12 = arith.subi %sign3A_8, %sign3A_11 : i32
    %ne3A = arith.cmpi ne, %sign3A_5, %sign3A_12 : i32
    %rem3A = arith.remsi %arg0, %jit3A : i32
    %ne3A_13 = arith.constant 0 : i32
    %ne3A_14 = arith.cmpi ne, %rem3A, %ne3A_13 : i32
    %and3A = arith.andi %ne3A, %ne3A_14 : i1
    %sub3A = arith.constant 1 : i32
    %sub3A_15 = arith.subi %div3A, %sub3A : i32
    %select_n3A = arith.select %and3A, %sub3A_15, %div3A : i32
    %jit3A_16 = arith.constant 10 : i32
    %eq3A = arith.constant 0 : i32
    %eq3A_17 = arith.cmpi eq, %jit3A_16, %eq3A : i32
    %jit3A_18 = arith.constant 1 : i32
    %select_n3A_19 = arith.select %eq3A_17, %jit3A_18, %jit3A_16 : i32
    %rem3A_20 = arith.remsi %arg0, %select_n3A_19 : i32
    %ne3A_21 = arith.constant 0 : i32
    %ne3A_22 = arith.cmpi ne, %rem3A_20, %ne3A_21 : i32
    %lt3A = arith.constant 0 : i32
    %lt3A_23 = arith.cmpi slt, %rem3A_20, %lt3A : i32
    %lt3A_24 = arith.constant 0 : i32
    %lt3A_25 = arith.cmpi slt, %select_n3A_19, %lt3A_24 : i32
    %ne3A_26 = arith.xori %lt3A_23, %lt3A_25 : i1
    %and3A_27 = arith.andi %ne3A_26, %ne3A_22 : i1
    %add3A = arith.addi %rem3A_20, %select_n3A_19 : i32
    %select_n3A_28 = arith.select %and3A_27, %add3A, %rem3A_20 : i32
    %c0_i32 = arith.constant 0 : i32
    %c0_i32_29 = arith.constant 0 : i32
    return %select_n3A, %select_n3A_28, %c0_i32 : i32, i32, i32
  }
  func.func @transform_3(%arg0: i32) -> (i32, i32, i32) {
    %jit3A = arith.constant 10 : i32
    %div3A = arith.divsi %arg0, %jit3A : i32
    %sign3A = arith.constant 0 : i32
    %sign3A_0 = arith.cmpi sgt, %arg0, %sign3A : i32
    %sign3A_1 = arith.extui %sign3A_0 : i1 to i32
    %sign3A_2 = arith.constant 0 : i32
    %sign3A_3 = arith.cmpi slt, %arg0, %sign3A_2 : i32
    %sign3A_4 = arith.extui %sign3A_3 : i1 to i32
    %sign3A_5 = arith.subi %sign3A_1, %sign3A_4 : i32
    %sign3A_6 = arith.constant 0 : i32
    %sign3A_7 = arith.cmpi sgt, %jit3A, %sign3A_6 : i32
    %sign3A_8 = arith.extui %sign3A_7 : i1 to i32
    %sign3A_9 = arith.constant 0 : i32
    %sign3A_10 = arith.cmpi slt, %jit3A, %sign3A_9 : i32
    %sign3A_11 = arith.extui %sign3A_10 : i1 to i32
    %sign3A_12 = arith.subi %sign3A_8, %sign3A_11 : i32
    %ne3A = arith.cmpi ne, %sign3A_5, %sign3A_12 : i32
    %rem3A = arith.remsi %arg0, %jit3A : i32
    %ne3A_13 = arith.constant 0 : i32
    %ne3A_14 = arith.cmpi ne, %rem3A, %ne3A_13 : i32
    %and3A = arith.andi %ne3A, %ne3A_14 : i1
    %sub3A = arith.constant 1 : i32
    %sub3A_15 = arith.subi %div3A, %sub3A : i32
    %select_n3A = arith.select %and3A, %sub3A_15, %div3A : i32
    %jit3A_16 = arith.constant 10 : i32
    %eq3A = arith.constant 0 : i32
    %eq3A_17 = arith.cmpi eq, %jit3A_16, %eq3A : i32
    %jit3A_18 = arith.constant 1 : i32
    %select_n3A_19 = arith.select %eq3A_17, %jit3A_18, %jit3A_16 : i32
    %rem3A_20 = arith.remsi %arg0, %select_n3A_19 : i32
    %ne3A_21 = arith.constant 0 : i32
    %ne3A_22 = arith.cmpi ne, %rem3A_20, %ne3A_21 : i32
    %lt3A = arith.constant 0 : i32
    %lt3A_23 = arith.cmpi slt, %rem3A_20, %lt3A : i32
    %lt3A_24 = arith.constant 0 : i32
    %lt3A_25 = arith.cmpi slt, %select_n3A_19, %lt3A_24 : i32
    %ne3A_26 = arith.xori %lt3A_23, %lt3A_25 : i1
    %and3A_27 = arith.andi %ne3A_26, %ne3A_22 : i1
    %add3A = arith.addi %rem3A_20, %select_n3A_19 : i32
    %select_n3A_28 = arith.select %and3A_27, %add3A, %rem3A_20 : i32
    %c0_i32 = arith.constant 0 : i32
    %c0_i32_29 = arith.constant 0 : i32
    return %select_n3A, %select_n3A_28, %c0_i32 : i32, i32, i32
  }
  func.func @transform_4(%arg0: i32) -> (i32, i32) {
    %c0_i32 = arith.constant 0 : i32
    %c0_i32_0 = arith.constant 0 : i32
    %c0_i32_1 = arith.constant 0 : i32
    return %c0_i32, %c0_i32_0 : i32, i32
  }
  func.func @transform_5(%arg0: i32) -> (i32, i32) {
    %c0_i32 = arith.constant 0 : i32
    %c0_i32_0 = arith.constant 0 : i32
    %c0_i32_1 = arith.constant 0 : i32
    return %c0_i32, %c0_i32_0 : i32, i32
  }
  func.func @transform_6(%arg0: i32) -> (i32, i32) {
    %c0_i32 = arith.constant 0 : i32
    %c0_i32_0 = arith.constant 0 : i32
    %c0_i32_1 = arith.constant 0 : i32
    return %c0_i32, %c0_i32_0 : i32, i32
  }
  func.func @transform_7(%arg0: i32) -> (i32, i32) {
    %c0_i32 = arith.constant 0 : i32
    %c0_i32_0 = arith.constant 0 : i32
    return %arg0, %c0_i32 : i32, i32
  }
}

</mosaic_0001>

<sc_bundles>
// kernel: kernel.6.cloned.1.call-start
scs
__scs_entry_jumppad:
0x0: {  	(pc) =	sbr.rel $0x88, $3  }
0x1: {  	(tag) =	ssettag $0x0;
	lr =	simm.s32 $0x1  }
0x2: {  	[smem:$0x3F99] =	sst lr;
	_ =	strace $0xD0000000  }
0x3: {  	_ = 	snop  }
0x4: {  	_ = 	snop  }
0x5: {  	_ = 	snop  }
0x6: {  	_ = 	snop  }
0x7: {  	_ = 	snop  }
__scs_overlays_trampoline_lowered:
0x8: {  	[smem:$0x3FA8] =	sst s0  }
0x9: {  	[smem:$0x3FA9] =	sst s1  }
0xa: {  	[smem:$0x3FAA] =	sst s2  }
0xb: {  	[smem:$0x3FAB] =	sst s3  }
0xc: {  	[smem:$0x3FAC] =	sst s4  }
0xd: {  	[smem:$0x3FAD] =	sst s5  }
0xe: {  	[smem:$0x3FAE] =	sst s6  }
0xf: {  	[smem:$0x3FAF] =	sst s7  }
0x10: {  	[smem:$0x3FB0] =	sst s8  }
0x11: {  	[smem:$0x3FB1] =	sst s9;
	s0 =	simm.s32 @!p0 $0x0  }
0x12: {  	s1 =	sld [smem:$0x3F97];
	s0 =	simm.s32 @p0 $0x1  }
0x13: {  	[smem:$0x3FB2] =	sst s0;
	s0 =	simm.s32 @!p1 $0x0  }
0x14: {  	s2 =	sld [smem:$0x3F96];
	s0 =	simm.s32 @p1 $0x1  }
0x15: {  	[smem:$0x3FB3] =	sst s0;
	s0 =	simm.s32 @!p2 $0x0  }
0x16: {  	s3 =	sld [smem:$0x3FDB];
	s0 =	simm.s32 @p2 $0x1  }
0x17: {  	s4 =	simm.s32 $0x1BF5;
	[smem:$0x3FB5] =	sst s0  }
0x18: {  	s0 =	sld [smem:$0x3F98];
	_ =	swait.ge [sflag:s4], $0x0  }
0x19: {  	s7 =	sld [smem:$0x3F99]  }
0x1a: {  	s8 =	sadd.s32 $0xFFFFE003, lr  }
0x1b: {  	s9 =	sadd.s32 $0xFFFFFEF7, lr;
	s5 =	simm.s32 $0xFFFFFFFF;
	p2 =	slt.u32 s8, $0xFFFFF086  }
0x1c: {  	p1 =	slt.u32 s9, $0xF7A;
	s5 =	simm.s32 @!p2 $0x0  }
0x1d: {  	s5 =	simm.s32 @p1 $0x1;
	p0 =	seq.s32 s7, s2  }
0x1e: {  	s7 =	smul.u32 @!p0 $0xF7A, s2;
	p2 =	seq.s32 @!p0 s5, $0x0  }
0x1f: {  	s9 =	smul.u32 $0xF7A, s1;
	s8 =	simm.s32 @!p0 $0x1BF5;
	p2 =	por !p2, p0  }
0x20: {  	[sflag:s8] =	ssyncset.s32 @!p0 $0xFFFFF086;
	s6 =	sadd.s32 @!p0 s3, s7;
	s7 =	simm.s32 @!p0 $0x108  }
0x21: {  	s3 =	sadd.s32 s3, s9;
	s6 =	sadd.s32 @!p0 $0x88, s6;
	s7 =	simm.s32 @p2 $0x1082  }
0x22: {  	[simem:s7], [sflag:s8] =	dma.local @!p0 [hbm:s6], $0xF7A  }
0x23: {  	s9 =	sor.u32 $0xD0000000, s2;
	s6 =	simm.s32 $0x108;
	_ =	swait.ge @!p0 [sflag:s8], $0x0  }
0x24: {  	s3 =	sadd.s32 $0x88, s3;
	s6 =	simm.s32 @!p1 $0x1082;
	[sflag:s4] =	ssyncset.s32 $0xFFFFF086  }
0x25: {  	[simem:s6], [sflag:s4] =	dma.local [hbm:s3], $0xF7A  }
0x26: {  	[smem:$0x3F99] =	sst s1;
	(tag) =	ssettag s2;
	_ =	strace s9  }
0x27: {  	s1 =	sld [smem:$0x3FA9]  }
0x28: {  	s2 =	sld [smem:$0x3FAA]  }
0x29: {  	s4 =	sld [smem:$0x3FAC]  }
0x2a: {  	p0 =	seq.s32 s5, $0x0;
	s5 =	sld [smem:$0x3FAD]  }
0x2b: {  	s6 =	sld [smem:$0x3FAE]  }
0x2c: {  	s7 =	sld [smem:$0x3FAF]  }
0x2d: {  	s3 =	simm.s32 $0x108;
	s8 =	sld [smem:$0x3FB0]  }
0x2e: {  	s3 =	simm.s32 @!p0 $0x1082;
	s9 =	sld [smem:$0x3FB1]  }
0x2f: {  	lr =	sadd.s32 s0, s3;
	s0 =	sld [smem:$0x3FA8]  }
0x30: {  	s3 =	sld [smem:$0x3FAB]  }
0x31: {  	[smem:$0x3FB4] =	sst s10  }
0x32: {  	s10 =	sld [smem:$0x3FB2];
	_ =	sdelay $0x3  }
0x33: {  	p0 =	seq.s32 s10, $0x1;
	s10 =	sld [smem:$0x3FB4];
	_ =	sdelay $0x3  }
0x34: {  	[smem:$0x3FB4] =	sst s10  }
0x35: {  	s10 =	sld [smem:$0x3FB3];
	_ =	sdelay $0x3  }
0x36: {  	p1 =	seq.s32 s10, $0x1;
	s10 =	sld [smem:$0x3FB4];
	_ =	sdelay $0x3  }
0x37: {  	[smem:$0x3FB4] =	sst s10  }
0x38: {  	s10 =	sld [smem:$0x3FB5]  }
0x39: {  	_ = 	snop;
	(pc) =	sbr.ind lr, $3  }
0x3a: {  	_ = 	snop  }
0x3b: {  	_ = 	snop  }
0x3c: {  	p2 =	seq.s32 s10, $0x1;
	s10 =	sld [smem:$0x3FB4]  }
0x3d: {  	_ =	shalt  }
0x3e: {  	_ =	shalt  }
0x3f: {  	_ =	shalt  }
0x40: {  	_ =	shalt  }
0x41: {  	_ =	shalt  }
0x42: {  	_ =	shalt  }
0x43: {  	_ =	shalt  }
0x44: {  	_ =	shalt  }
0x45: {  	_ =	shalt  }
0x46: {  	_ =	shalt  }
0x47: {  	_ =	shalt  }
0x48: {  	_ =	shalt  }
0x49: {  	_ =	shalt  }
0x4a: {  	_ =	shalt  }
0x4b: {  	_ =	shalt  }
0x4c: {  	_ =	shalt  }
0x4d: {  	_ =	shalt  }
0x4e: {  	_ =	shalt  }
0x4f: {  	_ =	shalt  }
0x50: {  	_ =	shalt  }
0x51: {  	_ =	shalt  }
0x52: {  	_ =	shalt  }
0x53: {  	_ =	shalt  }
0x54: {  	_ =	shalt  }
0x55: {  	_ =	shalt  }
0x56: {  	_ =	shalt  }
0x57: {  	_ =	shalt  }
0x58: {  	_ =	shalt  }
0x59: {  	_ =	shalt  }
0x5a: {  	_ =	shalt  }
0x5b: {  	_ =	shalt  }
0x5c: {  	_ =	shalt  }
0x5d: {  	_ =	shalt  }
0x5e: {  	_ =	shalt  }
0x5f: {  	_ =	shalt  }
0x60: {  	_ =	shalt  }
0x61: {  	_ =	shalt  }
0x62: {  	_ =	shalt  }
0x63: {  	_ =	shalt  }
0x64: {  	_ =	shalt  }
0x65: {  	_ =	shalt  }
0x66: {  	_ =	shalt  }
0x67: {  	_ =	shalt  }
0x68: {  	_ =	shalt  }
0x69: {  	_ =	shalt  }
0x6a: {  	_ =	shalt  }
0x6b: {  	_ =	shalt  }
0x6c: {  	_ =	shalt  }
0x6d: {  	_ =	shalt  }
0x6e: {  	_ =	shalt  }
0x6f: {  	_ =	shalt  }
0x70: {  	_ =	shalt  }
0x71: {  	_ =	shalt  }
0x72: {  	_ =	shalt  }
0x73: {  	_ =	shalt  }
0x74: {  	_ =	shalt  }
0x75: {  	_ =	shalt  }
0x76: {  	_ =	shalt  }
0x77: {  	_ =	shalt  }
0x78: {  	_ =	shalt  }
0x79: {  	_ =	shalt  }
0x7a: {  	_ =	shalt  }
0x7b: {  	_ =	shalt  }
0x7c: {  	_ =	shalt  }
0x7d: {  	_ =	shalt  }
0x7e: {  	_ =	shalt  }
0x7f: {  	_ =	shalt  }
0x80: {  	_ =	shalt  }
0x81: {  	_ =	shalt  }
0x82: {  	_ =	shalt  }
0x83: {  	_ =	shalt  }
0x84: {  	_ =	shalt  }
0x85: {  	_ =	shalt  }
0x86: {  	_ =	shalt  }
0x87: {  	_ =	shalt  }
.Lfunc_end0:
.L_simem_size_0:
called_computation_lowered:
.L_overlay_start_0:
0x88: {  	s2 =	sld [smem:$0x3FD9]  }
0x89: {  	s3 =	sld [smem:$0x3FFE];
	_ =	sdelay $0x1  }
0x8a: {  	s1 =	srdreg.scid  }
0x8b: {  	s0 =	sand.u32 $0x1, s1  }
0x8c: {  	s17 =	sshll.u32 s0, $0xA;
	s2 =	sadd.s32 s3, s2  }
0x8d: {  	s2 =	sadd.s32 s2, s17  }
0x8e: {  	[smem:$0x3FC0] =	sst s2  }
0x8f: {  	_ = 	snop  }
0x90: {  	s18 =	sld [smem:$0x3FC7];
	(tm) =	ssettm $0x1  }
0x91: {  	s19 =	sld [smem:$0x3FFB];
	_ =	sdelay $0x3  }
0x92: {  	_ =	strace s19  }
0x93: {  	s2 =	sld [smem:$0x3FFC];
	_ =	sdelay $0x3  }
0x94: {  	_ =	strace s2  }
0x95: {  	s2 =	sld [smem:$0x3FFD];
	_ =	sdelay $0x3  }
0x96: {  	_ =	strace s2  }
0x97: {  	_ =	strace $0x8FFFFFFF  }
0x98: {  	s20 =	sld [smem:$0x3FDB];
	_ =	sdelay $0x1  }
0x99: {  	s4 =	simm.s32 $_scs_section_size  }
0x9a: {  	s5 =	simm.s32 $_size__tile_overlayer_lowered;
	s6 =	simm.s32 $_tile_overlayer_lowered  }
0x9b: {  	s7 =	simm.s32 $0x1BFF;
	s21 =	sshll.u32 s6, $0x1;
	s4 =	sadd.s32 s4, s20  }
0x9c: {  	s22 =	simm.s32 $0x0;
	s5 =	sshll.u32 s5, $0x1;
	s6 =	sadd.s32 s21, s4  }
0x9d: {  	[timem:s22], [sflag:s7] =	dma.local [hbm:s6], s5  }
0x9e: {  	_ =	swait.ge [sflag:s7], s5  }
0x9f: {  	s5 =	ssub.s32 $0x0, s5;
	[sflag:s7] =	ssyncset.done $0x0  }
0xa0: {  	[sflag:s7] =	ssyncadd.s32 s5;
	_ =	sdelay $0x1  }
0xa1: {  	s23 =	simm.s32 $0x1B8B  }
0xa2: {  	_ =	swait.ge [sflag:s23], $0x1  }
0xa3: {  	[sflag:s23] =	ssyncset.done $0x0  }
0xa4: {  	[sflag:s23] =	ssyncadd.s32 $0xFFFFFFFF  }
0xa5: {  	s5 =	sld [smem:$0x0]  }
0xa6: {  	s6 =	sand.u32 $0xFFFFFFFE, s1  }
0xa7: {  	p0 =	sne.s32 s1, s6  }
0xa8: {  	s6 =	sshll.u32 @p0 s6, $0xE  }
0xa9: {  	s6 =	sadd.s32 @p0 $0x11B8D, s6;
	s7 =	sshll.u32 @p0 s5, $0x11  }
0xaa: {  	s6 =	sor.u32 @p0 s7, s6  }
0xab: {  	[sflag:s6] =	ssyncadd.remote.s32 @p0 $0x1;
	_ =	sdelay $0x1  }
0xac: {  	s6 =	simm.s32 @p0 $0x1B8D  }
0xad: {  	_ =	swait.eq @p0 [sflag:s6], $0x1  }
0xae: {  	[sflag:s6] =	ssyncadd.s32 @p0 $0xFFFFFFFF  }
0xaf: {  	s7 =	sshll.u32 @!p0 s1, $0xE  }
0xb0: {  	s7 =	sor.u32 @!p0 $0x4000, s7;
	s6 =	simm.s32 @!p0 $0x1B8D  }
0xb1: {  	s5 =	sshll.u32 @!p0 s5, $0x11;
	s7 =	sadd.s32 @!p0 $0x11B8D, s7;
	_ =	swait.eq @!p0 [sflag:s6], $0x1  }
0xb2: {  	s5 =	sor.u32 @!p0 s5, s7;
	[sflag:s6] =	ssyncadd.s32 @!p0 $0xFFFFFFFF  }
0xb3: {  	s25 =	simm.s32 $0x1B8E;
	s24 =	sld [smem:$0x3FFE];
	[sflag:s5] =	ssyncadd.remote.s32 @!p0 $0x1  }
0xb4: {  	s26 =	simm.s32 $execute0_lowered;
	[smem:$0x3FD2] =	sst s25  }
0xb5: {  	s6 =	sshll.u32 s26, $0x1;
	_ =	strace $0x80000049;
	[dreg:$0x1] =	wrdreg $0xFFFFFFFF  }
0xb6: {  	s28 =	simm.s32 $_size_execute0_lowered;
	s4 =	sadd.s32 s4, s6;
	[dreg:$0x0] =	wrdreg $0x0  }
0xb7: {  	s6 =	sshll.u32 s28, $0x1;
	[dreg:$0x2] =	wrdreg s4  }
0xb8: {  	[dreg:$0x3] =	wrdreg s6  }
0xb9: {  	[dreg:$0x4] =	wrdreg $0xC0  }
0xba: {  	_ =	task [dreg:s22], $0x5FFFF  }
0xbb: {  	[dreg:$0x1] =	wrdreg $0xFFFFFFFF  }
0xbc: {  	[dreg:$0x0] =	wrdreg $0x60  }
0xbd: {  	[dreg:$0x2] =	wrdreg s24  }
0xbe: {  	[dreg:$0x3] =	wrdreg s18  }
0xbf: {  	[dreg:$0x4] =	wrdreg $0x9  }
0xc0: {  	_ =	task.clear_ibuf [dreg:s22], $0x5FFFF;
	_ =	strace $0x90000049  }
0xc1: {  	s29 =	simm.s32 $0x9;
	_ =	strace $0x8000004B  }
0xc2: {  	_ =	swait.ge [sflag:s29], $0x1  }
0xc3: {  	[sflag:s29] =	ssyncadd.s32 $0xFFFFFFFF  }
0xc4: {  	_ =	strace $0x9000004B  }
0xc5: {  	_ =	sfence  }
0xc6: {  	s30 =	sld [smem:$0x0];
	_ =	sdelay $0x2  }
0xc7: {  	s31 =	sshll.u32 s1, $0xD;
	s1 =	sshrl.u32 s1, $0x2  }
0xc8: {  	s4 =	sand.u32 $0x4000, s31;
	s1 =	sadd.s32 s1, s30  }
0xc9: {  	s0 =	sor.u32 s4, s0;
	s1 =	sshll.u32 s1, $0x11  }
0xca: {  	s0 =	sor.u32 s1, s0  }
0xcb: {  	s0 =	sadd.s32 $0x8F2B, s0  }
0xcc: {  	[sflag:s0] =	ssyncadd.remote.s32 $0x1  }
0xcd: {  	_ =	sfence.sel $0xFFFF  }
0xce: {  	[dreg:$0x0] =	wrdreg $0xFFFFFFFF;
	(pc) =	sbr.abs _section_cstart, $3  }
0xcf: {  	[dreg:$0x1] =	wrdreg $0xFFFFFFFF  }
0xd0: {  	_ =	task.clear_ibuf [dreg:s22], $0x2FFFF;
	_ =	strace $0x9FFFFFFF  }
0xd1: {  	(tm) =	ssettm $0x7FFFFFFF  }
tec
execute0_lowered:
.L_overlay_start_1:
0x0: {  	(tag) =	ssettag $0x1  }
0x1: {  	s8 =	rddreg [dreg:$0x0];
	s1 =	srdreg.scid  }
0x2: {  	s0 =	stileid.u32;
	s2 =	rddreg [dreg:$0x1]  }
0x3: {  	s4 =	simm.s32 $0x0;
	s15 =	simm.s32 $0x3E80;
	s17 =	simm.s32 $0x10EC0  }
0x4: {  	s9 =	sand.u32 $0x1, s1;
	s3 =	smul.u32 $0xC40, s0;
	s1 =	rddreg [dreg:$0x2]  }
0x5: {  	s18 =	simm.s32 $0x0;
	[smem:$0x7FF] =	sst s4;
	s6 =	smul.u32 $0xC400, s9  }
0x6: {  	s5 =	sadd.s32 $0x1EAE00, s8;
	s11 =	ssub.s32 $0x2, s9;
	s13 =	smul.u32 $0xC4000, s9  }
0x7: {  	_ =	strace $0x8000004A;
	s16 =	smul.u32 $0xC350, s9;
	s26 =	sshrl.u32 s11, $0x1  }
0x8: {  	s7 =	sadd.s32 s3, s6;
	s6 =	sadd.s32 $0x310600, s8;
	s29 =	ssub.s32 s11, s26  }
0x9: {  	s30 =	sadd.s32 s3, s13;
	s10 =	sshrl.u32 s7, $0x3;
	s7 =	sshll.u32 s9, $0x4  }
0xa: {  	s13 =	simm.s32 $0x1;
	v0 =	vmov s16;
	s16 =	simm.s32 $0x10280;
	s12 =	sor.u32 s0, s7  }
0xb: {  	s31 =	sshrl.u32 s30, $0x3;
	s14 =	sadd.s32 s10, s8;
	s28 =	smul.u32 $0x1880, s12  }
0xc: {  	s8 =	smul.u32 $0x30D40, s0;
	s10 =	sadd.s32 s6, s31;
	s11 =	sadd.s32 $0x341600, s14  }
0xd: {  	v1 =	vimm.f32 $0.0e+00;
	s12 =	smax.u32 s29, $0x1;
	s14 =	simm.s32 $0x1F40;
	s9 =	sadd.s32 s6, s28  }
.LBB2_1:
0xe: {  	s19 =	simm.s32 $0x0  }
.LBB2_2:
0xf: {  	p0 =	sne.s32 s19, $0x30FC0  }
.Ltmp0:
0x10: {  	_ = 	snop;
	(pc) =	sbr.rel @p0 .LBB2_2-.Ltmp0, $3  }
0x11: {  	_ =	sdelay $0x1  }
0x12: {  	s20 =	sshra.s32 s19, $0x2  }
0x13: {  	s19 =	sadd.s32 $0x40, s19;
	[tilespmem:s20+$0x3E80] =	vst v1  }
0x14: {  	s19 =	simm.s32 $0x0  }
.LBB2_4:
0x15: {  	s20 =	smul.u32 $0x1F40, s19;
	_ =	sdelay $0x1  }
0x16: {  	s20 =	sadd.s32 s8, s20  }
0x17: {  	s20 =	sshrl.u32 s20, $0x3  }
0x18: {  	s21 =	sadd.s32 s5, s20  }
0x19: {  	[tilespmem:s4], [sflag:$0x1] =	stream.linear.gather [hbm4b:s21+s4], $0x1F40, $0x38;
	[tilespmem:$0x11B00] =	vst v63  }
0x1a: {  	_ =	swait.ge [sflag:s13], $0x1F40  }
0x1b: {  	[sflag:s13] =	ssyncset.done $0x0  }
0x1c: {  	s20 =	sadd.s32 s2, s20;
	[sflag:s13] =	ssyncadd.s32 $0xFFFFE0C0  }
0x1d: {  	[tilespmem:s14], [sflag:$0x1] =	stream.linear.gather [hbm4b:s20+s4], $0x1F40, $0x38;
	[tilespmem:$0x11B00] =	vst v63  }
0x1e: {  	_ =	swait.ge [sflag:s13], $0x1F40  }
0x1f: {  	[sflag:s13] =	ssyncset.done $0x0  }
0x20: {  	s29 =	simm.s32 $0x1F60;
	[sflag:s13] =	ssyncadd.s32 $0xFFFFE0C0  }
0x21: {  	v2 =	vld [tilespmem:s29+$0x10];
	_ =	sdelay $0x2  }
0x22: {  	v3 =	vld [tilespmem:s29+$0xFFFFFFF0]  }
0x23: {  	v4 =	vld [tilespmem:s29+$0x0]  }
0x24: {  	s30 =	simm.s32 $0x20;
	v5 =	vld [tilespmem:s29+$0xFFFFFFE0];
	v2 =	vadd.f32 $9.999999740e-06, v2  }
0x25: {  	v6 =	vld [tilespmem:s30+$0x10]  }
0x26: {  	(erf) = vrcp.f32 v2  }
0x27: {  	v2 =	vadd.f32 $9.999999740e-06, v3  }
0x28: {  	v3 =	vadd.f32 $9.999999740e-06, v4  }
0x29: {  	v5 =	vadd.f32 $9.999999740e-06, v5;
	v4 =	vld [tilespmem:s30+$0xFFFFFFE0];
	(erf) = vrcp.f32 v2  }
0x2a: {  	s31 =	simm.s32 $0x1FA0;
	v2 =	vld [tilespmem:s30+$0xFFFFFFF0];
	(erf) = vrcp.f32 v3;
	v3 =	vsub.s32 v6, v0  }
0x2b: {  	(erf) = vrcp.f32 v5;
	v3 =	vmin.u32 v3, $0xC350;
	v5 =	vld [tilespmem:s31+$0x10]  }
0x2c: {  	v6 =	vld [tilespmem:s31+$0xFFFFFFF0]  }
0x2d: {  	v8 =	vld [tilespmem:s31+$0x0]  }
0x2e: {  	v9 =	vld [tilespmem:s31+$0xFFFFFFE0]  }
0x2f: {  	v7 =	vld [tilespmem:s30+$0x0];
	v2 =	vsub.s32 v2, v0;
	v10 =	vpop (erf)  }
0x30: {  	s20 =	simm.s32 $0x60;
	v4 =	vsub.s32 v4, v0;
	v63 =	vmin.u32 v2, $0xC350;
	[tilespmem:v3+s15+$0x0] =	vst.idx.add.f32.msk $0xffff, v10;
	v3 =	vadd.f32 $9.999999740e-06, v5  }
0x31: {  	v12 =	vld [tilespmem:s20+$0x10];
	v11 =	vmin.u32 v4, $0xC350;
	v6 =	vadd.f32 $9.999999740e-06, v6  }
0x32: {  	v8 =	vadd.f32 $9.999999740e-06, v8;
	v4 =	vld [tilespmem:s20+$0xFFFFFFE0];
	v13 =	vpop (erf);
	(erf) = vrcp.f32 v3  }
0x33: {  	v9 =	vadd.f32 $9.999999740e-06, v9;
	v5 =	vld [tilespmem:s20+$0xFFFFFFF0];
	v2 =	vpop (erf);
	(erf) = vrcp.f32 v6  }
0x34: {  	v6 =	vld [tilespmem:s20+$0x0];
	v3 =	vpop (erf);
	(erf) = vrcp.f32 v8  }
0x35: {  	v7 =	vsub.s32 v7, v0;
	[tilespmem:v63+s15+$0x0] =	vst.idx.add.f32.msk $0xffff, v13;
	(erf) = vrcp.f32 v9  }
0x36: {  	s22 =	simm.s32 $0x1FE0;
	s21 =	simm.s32 $0x4;
	[tilespmem:v11+s15+$0x0] =	vst.idx.add.f32.msk $0xffff, v3;
	v3 =	vmin.u32 v7, $0xC350;
	v7 =	vsub.s32 v12, v0  }
.LBB2_5:
0x37: {  	v8 =	vld [tilespmem:s22+$0x10];
	s21 =	sadd.s32 $0x4, s21;
	v4 =	vsub.s32 v4, v0;
	v7 =	vmin.u32 v7, $0xC350  }
0x38: {  	v9 =	vld [tilespmem:s22+$0xFFFFFFF0];
	p0 =	slt.u32 s21, $0x1F0;
	v10 =	vmin.u32 v4, $0xC350;
	v4 =	vsub.s32 v5, v0  }
0x39: {  	v5 =	vld [tilespmem:s22+$0x0];
	v11 =	vmin.u32 v4, $0xC350;
	v4 =	vsub.s32 v6, v0  }
0x3a: {  	v6 =	vld [tilespmem:s22+$0xFFFFFFE0];
	v4 =	vmin.u32 v4, $0xC350  }
0x3b: {  	v12 =	vpop (erf);
	[tilespmem:v3+s15+$0x0] =	vst.idx.add.f32.msk $0xffff, v2;
	v3 =	vmov v4  }
0x3c: {  	s20 =	sadd.s32 $0x40, s20;
	v14 =	vadd.f32 $9.999999740e-06, v8;
	[tilespmem:v7+s15+$0x0] =	vst.idx.add.f32.msk $0xffff, v12;
	v12 =	vpop (erf)  }
0x3d: {  	v7 =	vadd.f32 $9.999999740e-06, v9;
	v9 =	vld [tilespmem:s20+$0x10];
	v2 =	vpop (erf)  }
.Ltmp1:
0x3e: {  	v4 =	vld [tilespmem:s20+$0xFFFFFFE0];
	v13 =	vadd.f32 $9.999999740e-06, v5;
	(erf) = vrcp.f32 v14;
	v8 =	vpop (erf);
	(pc) =	sbr.rel @p0 .LBB2_5-.Ltmp1, $4  }
0x3f: {  	v14 =	vadd.f32 $9.999999740e-06, v6;
	v5 =	vld [tilespmem:s20+$0xFFFFFFF0];
	(erf) = vrcp.f32 v7  }
0x40: {  	v6 =	vld [tilespmem:s20+$0x0];
	(erf) = vrcp.f32 v13  }
0x41: {  	(erf) = vrcp.f32 v14;
	[tilespmem:v10+s15+$0x0] =	vst.idx.add.f32.msk $0xffff, v8  }
0x42: {  	s22 =	sadd.s32 $0x40, s22;
	v7 =	vsub.s32 v9, v0;
	[tilespmem:v11+s15+$0x0] =	vst.idx.add.f32.msk $0xffff, v12  }
0x43: {  	_ = 	snop  }
0x44: {  	v7 =	vmin.u32 v7, $0xC350;
	v5 =	vsub.s32 v5, v0  }
0x45: {  	v4 =	vsub.s32 v4, v0;
	v5 =	vmin.u32 v5, $0xC350  }
0x46: {  	s19 =	sadd.s32 $0x1, s19;
	v4 =	vmin.u32 v4, $0xC350;
	v6 =	vsub.s32 v6, v0  }
0x47: {  	p0 =	sne.s32 s19, $0x19;
	v6 =	vmin.u32 v6, $0xC350;
	v8 =	vpop (erf)  }
.Ltmp2:
0x48: {  	[tilespmem:v3+s15+$0x0] =	vst.idx.add.f32.msk $0xffff, v2;
	v9 =	vpop (erf);
	(pc) =	sbr.rel @p0 .LBB2_4-.Ltmp2, $4  }
0x49: {  	[tilespmem:v7+s15+$0x0] =	vst.idx.add.f32.msk $0xffff, v8;
	v2 =	vpop (erf)  }
0x4a: {  	v3 =	vpop (erf);
	[tilespmem:v5+s15+$0x0] =	vst.idx.add.f32.msk $0xffff, v9  }
0x4b: {  	[tilespmem:v4+s15+$0x0] =	vst.idx.add.f32.msk $0xffff, v3  }
0x4c: {  	[tilespmem:v6+s15+$0x0] =	vst.idx.add.f32.msk $0xffff, v2  }
0x4d: {  	[hbm4b:s9+s4] =	stream.linear.scatter [tilespmem:s15], [sflag:$0x1], $0xC400, $0x38;
	[tilespmem:$0x11B00] =	vst v63  }
0x4e: {  	s19 =	simm.s32 $0x1  }
0x4f: {  	_ =	swait.ge [sflag:s19], $0xC400  }
0x50: {  	[sflag:s19] =	ssyncset.done $0x0  }
0x51: {  	[sflag:s19] =	ssyncadd.s32 $0xFFFF3C00  }
0x52: {  	[bflag:$0x0] =	sbarrier.arrive $0xFFFF  }
0x53: {  	[tilespmem:s16], [sflag:$0x1] =	stream.linear.gather [hbm4b:s10+s4], $0xC40, $0x38;
	[tilespmem:$0x11B00] =	vst v63  }
0x54: {  	_ =	swait.ge [sflag:s19], $0xC40  }
0x55: {  	[sflag:s19] =	ssyncset.done $0x0  }
0x56: {  	[sflag:s19] =	ssyncadd.s32 $0xFFFFF3C0  }
.LBB2_8:
0x57: {  	s20 =	sadd.s32 s7, s19  }
0x58: {  	s20 =	smul.u32 $0xC400, s20;
	_ =	sdelay $0x1  }
0x59: {  	s20 =	sadd.s32 s3, s20  }
0x5a: {  	s20 =	sshrl.u32 s20, $0x3  }
0x5b: {  	s21 =	simm.s32 $0x0;
	s20 =	sadd.s32 s6, s20  }
0x5c: {  	[tilespmem:s17], [sflag:$0x1] =	stream.linear.gather [hbm4b:s20+s21], $0xC40, $0x38;
	[tilespmem:$0x11B00] =	vst v63  }
0x5d: {  	_ =	swait.ge [sflag:s13], $0xC40  }
0x5e: {  	[sflag:s13] =	ssyncset.done $0x0  }
0x5f: {  	s20 =	simm.s32 $0x0;
	[sflag:s13] =	ssyncadd.s32 $0xFFFFF3C0  }
0x60: {  	s21 =	simm.s32 $0x40;
	v2 =	vld [tilespmem:s20+$0x10EC0]  }
.LBB2_9:
0x61: {  	p0 =	sne.s32 s21, $0x30C0;
	v3 =	vld [tilespmem:s20+$0x10280];
	_ =	sdelay $0x2  }
.Ltmp3:
0x62: {  	(pc) =	sbr.rel @p0 .LBB2_9-.Ltmp3, $4  }
0x63: {  	_ = 	snop  }
0x64: {  	v3 =	vadd.f32 v2, v3  }
0x65: {  	s22 =	sshra.s32 s21, $0x2  }
0x66: {  	s21 =	sadd.s32 $0x40, s21;
	v2 =	vld [tilespmem:s22+$0x10EC0];
	[tilespmem:s20+$0x10280] =	vst v3;
	s20 =	smov.u32 s22  }
0x67: {  	v3 =	vld [tilespmem:s20+$0x10280]  }
0x68: {  	s19 =	sadd.s32 $0x1, s19  }
0x69: {  	p0 =	sne.s32 s19, $0x10  }
.Ltmp4:
0x6a: {  	_ = 	snop;
	(pc) =	sbr.rel @p0 .LBB2_8-.Ltmp4, $3  }
0x6b: {  	_ = 	snop  }
0x6c: {  	v2 =	vadd.f32 v2, v3;
	_ =	sdelay $0x1  }
0x6d: {  	[tilespmem:s20+$0x10280] =	vst v2  }
0x6e: {  	s18 =	sadd.s32 $0x1, s18  }
0x6f: {  	p0 =	sne.s32 s18, s12  }
.Ltmp5:
0x70: {  	_ = 	snop;
	(pc) =	sbr.rel @p0 .LBB2_1-.Ltmp5, $4  }
0x71: {  	[hbm4b:s11+s4] =	stream.linear.scatter [tilespmem:s16], [sflag:$0x1], $0xC40, $0x38;
	[tilespmem:$0x11B00] =	vst v63  }
0x72: {  	_ =	swait.ge [sflag:s13], $0xC40  }
0x73: {  	[sflag:s13] =	ssyncset.done $0x0  }
0x74: {  	[sflag:s13] =	ssyncadd.s32 $0xFFFFF3C0  }
0x75: {  	_ =	sfence.sel $0x180000  }
0x76: {  	[bflag:$0x0] =	sbarrier.arrive $0xFFFF  }
0x77: {  	p0 =	sne.s32 s0, $0x0;
	_ =	strace $0x9000004A  }
0x78: {  	s0 =	sadd.s32 @!p0 $0x100000, s1;
	[bflag:$0x2] =	sbarrier.arrive $0xFFFF  }
0x79: {  	[sflag:s0] =	ssyncadd.tile.s32 @!p0 $0x1;
	_ =	shalt  }
.Lfunc_end2:
_tile_overlayer_lowered:
.L_overlay_start_2:
0x7a: {  	(tag) =	ssettag $0x2  }
0x7b: {  	s0 =	rddreg [dreg:$0x0];
	s2 =	stileid.u32  }
0x7c: {  	s1 =	rddreg [dreg:$0x1];
	p0 =	sne.s32 s2, $0x0  }
0x7d: {  	s3 =	rddreg [dreg:$0x2];
	[bflag:$0x3] =	sbarrier.arrive $0xFFFF;
	s2 =	simm.s32 @!p0 $0x1C01  }
0x7e: {  	[timem:s3], [sflag:s2] =	dma.local @!p0 [hbm:s0], s1  }
0x7f: {  	s0 =	simm.s32 @!p0 $0x1  }
0x80: {  	_ =	swait.ge @!p0 [sflag:s0], s1  }
0x81: {  	s1 =	ssub.s32 @!p0 $0x0, s1;
	[sflag:s0] =	ssyncset.done @!p0 $0x0  }
0x82: {  	[sflag:s0] =	ssyncadd.s32 @!p0 s1  }
0x83: {  	[bflag:$0x3] =	sbarrier.arrive $0xFFFF  }
0x84: {  	_ =	shalt  }

// kernel: kernel.9.cloned.1.call-start
scs
__scs_entry_jumppad:
0x0: {  	(pc) =	sbr.rel $0x88, $3  }
0x1: {  	(tag) =	ssettag $0x0;
	lr =	simm.s32 $0x1  }
0x2: {  	[smem:$0x3F99] =	sst lr;
	_ =	strace $0xD0000000  }
0x3: {  	_ = 	snop  }
0x4: {  	_ = 	snop  }
0x5: {  	_ = 	snop  }
0x6: {  	_ = 	snop  }
0x7: {  	_ = 	snop  }
__scs_overlays_trampoline_lowered:
0x8: {  	[smem:$0x3FA8] =	sst s0  }
0x9: {  	[smem:$0x3FA9] =	sst s1  }
0xa: {  	[smem:$0x3FAA] =	sst s2  }
0xb: {  	[smem:$0x3FAB] =	sst s3  }
0xc: {  	[smem:$0x3FAC] =	sst s4  }
0xd: {  	[smem:$0x3FAD] =	sst s5  }
0xe: {  	[smem:$0x3FAE] =	sst s6  }
0xf: {  	[smem:$0x3FAF] =	sst s7  }
0x10: {  	[smem:$0x3FB0] =	sst s8  }
0x11: {  	[smem:$0x3FB1] =	sst s9;
	s0 =	simm.s32 @!p0 $0x0  }
0x12: {  	s1 =	sld [smem:$0x3F97];
	s0 =	simm.s32 @p0 $0x1  }
0x13: {  	[smem:$0x3FB2] =	sst s0;
	s0 =	simm.s32 @!p1 $0x0  }
0x14: {  	s2 =	sld [smem:$0x3F96];
	s0 =	simm.s32 @p1 $0x1  }
0x15: {  	[smem:$0x3FB3] =	sst s0;
	s0 =	simm.s32 @!p2 $0x0  }
0x16: {  	s3 =	sld [smem:$0x3FDB];
	s0 =	simm.s32 @p2 $0x1  }
0x17: {  	s4 =	simm.s32 $0x1BF5;
	[smem:$0x3FB5] =	sst s0  }
0x18: {  	s0 =	sld [smem:$0x3F98];
	_ =	swait.ge [sflag:s4], $0x0  }
0x19: {  	s7 =	sld [smem:$0x3F99]  }
0x1a: {  	s8 =	sadd.s32 $0xFFFFE003, lr  }
0x1b: {  	s9 =	sadd.s32 $0xFFFFFEF7, lr;
	s5 =	simm.s32 $0xFFFFFFFF;
	p2 =	slt.u32 s8, $0xFFFFF086  }
0x1c: {  	p1 =	slt.u32 s9, $0xF7A;
	s5 =	simm.s32 @!p2 $0x0  }
0x1d: {  	s5 =	simm.s32 @p1 $0x1;
	p0 =	seq.s32 s7, s2  }
0x1e: {  	s7 =	smul.u32 @!p0 $0xF7A, s2;
	p2 =	seq.s32 @!p0 s5, $0x0  }
0x1f: {  	s9 =	smul.u32 $0xF7A, s1;
	s8 =	simm.s32 @!p0 $0x1BF5;
	p2 =	por !p2, p0  }
0x20: {  	[sflag:s8] =	ssyncset.s32 @!p0 $0xFFFFF086;
	s6 =	sadd.s32 @!p0 s3, s7;
	s7 =	simm.s32 @!p0 $0x108  }
0x21: {  	s3 =	sadd.s32 s3, s9;
	s6 =	sadd.s32 @!p0 $0x88, s6;
	s7 =	simm.s32 @p2 $0x1082  }
0x22: {  	[simem:s7], [sflag:s8] =	dma.local @!p0 [hbm:s6], $0xF7A  }
0x23: {  	s9 =	sor.u32 $0xD0000000, s2;
	s6 =	simm.s32 $0x108;
	_ =	swait.ge @!p0 [sflag:s8], $0x0  }
0x24: {  	s3 =	sadd.s32 $0x88, s3;
	s6 =	simm.s32 @!p1 $0x1082;
	[sflag:s4] =	ssyncset.s32 $0xFFFFF086  }
0x25: {  	[simem:s6], [sflag:s4] =	dma.local [hbm:s3], $0xF7A  }
0x26: {  	[smem:$0x3F99] =	sst s1;
	(tag) =	ssettag s2;
	_ =	strace s9  }
0x27: {  	s1 =	sld [smem:$0x3FA9]  }
0x28: {  	s2 =	sld [smem:$0x3FAA]  }
0x29: {  	s4 =	sld [smem:$0x3FAC]  }
0x2a: {  	p0 =	seq.s32 s5, $0x0;
	s5 =	sld [smem:$0x3FAD]  }
0x2b: {  	s6 =	sld [smem:$0x3FAE]  }
0x2c: {  	s7 =	sld [smem:$0x3FAF]  }
0x2d: {  	s3 =	simm.s32 $0x108;
	s8 =	sld [smem:$0x3FB0]  }
0x2e: {  	s3 =	simm.s32 @!p0 $0x1082;
	s9 =	sld [smem:$0x3FB1]  }
0x2f: {  	lr =	sadd.s32 s0, s3;
	s0 =	sld [smem:$0x3FA8]  }
0x30: {  	s3 =	sld [smem:$0x3FAB]  }
0x31: {  	[smem:$0x3FB4] =	sst s10  }
0x32: {  	s10 =	sld [smem:$0x3FB2];
	_ =	sdelay $0x3  }
0x33: {  	p0 =	seq.s32 s10, $0x1;
	s10 =	sld [smem:$0x3FB4];
	_ =	sdelay $0x3  }
0x34: {  	[smem:$0x3FB4] =	sst s10  }
0x35: {  	s10 =	sld [smem:$0x3FB3];
	_ =	sdelay $0x3  }
0x36: {  	p1 =	seq.s32 s10, $0x1;
	s10 =	sld [smem:$0x3FB4];
	_ =	sdelay $0x3  }
0x37: {  	[smem:$0x3FB4] =	sst s10  }
0x38: {  	s10 =	sld [smem:$0x3FB5]  }
0x39: {  	_ = 	snop;
	(pc) =	sbr.ind lr, $3  }
0x3a: {  	_ = 	snop  }
0x3b: {  	_ = 	snop  }
0x3c: {  	p2 =	seq.s32 s10, $0x1;
	s10 =	sld [smem:$0x3FB4]  }
0x3d: {  	_ =	shalt  }
0x3e: {  	_ =	shalt  }
0x3f: {  	_ =	shalt  }
0x40: {  	_ =	shalt  }
0x41: {  	_ =	shalt  }
0x42: {  	_ =	shalt  }
0x43: {  	_ =	shalt  }
0x44: {  	_ =	shalt  }
0x45: {  	_ =	shalt  }
0x46: {  	_ =	shalt  }
0x47: {  	_ =	shalt  }
0x48: {  	_ =	shalt  }
0x49: {  	_ =	shalt  }
0x4a: {  	_ =	shalt  }
0x4b: {  	_ =	shalt  }
0x4c: {  	_ =	shalt  }
0x4d: {  	_ =	shalt  }
0x4e: {  	_ =	shalt  }
0x4f: {  	_ =	shalt  }
0x50: {  	_ =	shalt  }
0x51: {  	_ =	shalt  }
0x52: {  	_ =	shalt  }
0x53: {  	_ =	shalt  }
0x54: {  	_ =	shalt  }
0x55: {  	_ =	shalt  }
0x56: {  	_ =	shalt  }
0x57: {  	_ =	shalt  }
0x58: {  	_ =	shalt  }
0x59: {  	_ =	shalt  }
0x5a: {  	_ =	shalt  }
0x5b: {  	_ =	shalt  }
0x5c: {  	_ =	shalt  }
0x5d: {  	_ =	shalt  }
0x5e: {  	_ =	shalt  }
0x5f: {  	_ =	shalt  }
0x60: {  	_ =	shalt  }
0x61: {  	_ =	shalt  }
0x62: {  	_ =	shalt  }
0x63: {  	_ =	shalt  }
0x64: {  	_ =	shalt  }
0x65: {  	_ =	shalt  }
0x66: {  	_ =	shalt  }
0x67: {  	_ =	shalt  }
0x68: {  	_ =	shalt  }
0x69: {  	_ =	shalt  }
0x6a: {  	_ =	shalt  }
0x6b: {  	_ =	shalt  }
0x6c: {  	_ =	shalt  }
0x6d: {  	_ =	shalt  }
0x6e: {  	_ =	shalt  }
0x6f: {  	_ =	shalt  }
0x70: {  	_ =	shalt  }
0x71: {  	_ =	shalt  }
0x72: {  	_ =	shalt  }
0x73: {  	_ =	shalt  }
0x74: {  	_ =	shalt  }
0x75: {  	_ =	shalt  }
0x76: {  	_ =	shalt  }
0x77: {  	_ =	shalt  }
0x78: {  	_ =	shalt  }
0x79: {  	_ =	shalt  }
0x7a: {  	_ =	shalt  }
0x7b: {  	_ =	shalt  }
0x7c: {  	_ =	shalt  }
0x7d: {  	_ =	shalt  }
0x7e: {  	_ =	shalt  }
0x7f: {  	_ =	shalt  }
0x80: {  	_ =	shalt  }
0x81: {  	_ =	shalt  }
0x82: {  	_ =	shalt  }
0x83: {  	_ =	shalt  }
0x84: {  	_ =	shalt  }
0x85: {  	_ =	shalt  }
0x86: {  	_ =	shalt  }
0x87: {  	_ =	shalt  }
.Lfunc_end0:
.L_simem_size_0:
called_computation.1_lowered:
.L_overlay_start_0:
0x88: {  	s2 =	sld [smem:$0x3FD9]  }
0x89: {  	s3 =	sld [smem:$0x3FFE];
	_ =	sdelay $0x1  }
0x8a: {  	s1 =	srdreg.scid  }
0x8b: {  	s0 =	sand.u32 $0x1, s1  }
0x8c: {  	s17 =	sshll.u32 s0, $0xA;
	s2 =	sadd.s32 s3, s2  }
0x8d: {  	s2 =	sadd.s32 s2, s17  }
0x8e: {  	[smem:$0x3FC0] =	sst s2  }
0x8f: {  	_ = 	snop  }
0x90: {  	s2 =	sld [smem:$0x3FD0];
	(tm) =	ssettm $0x1  }
0x91: {  	s18 =	sld [smem:$0x3FFB];
	_ =	sdelay $0x3  }
0x92: {  	_ =	strace s18  }
0x93: {  	s3 =	sld [smem:$0x3FFC];
	_ =	sdelay $0x3  }
0x94: {  	_ =	strace s3  }
0x95: {  	s3 =	sld [smem:$0x3FFD];
	_ =	sdelay $0x3  }
0x96: {  	_ =	strace s3  }
0x97: {  	_ =	strace $0x8FFFFFFF  }
0x98: {  	s19 =	sld [smem:$0x3FDB];
	_ =	sdelay $0x1  }
0x99: {  	s4 =	simm.s32 $_scs_section_size  }
0x9a: {  	s5 =	simm.s32 $_size__tile_overlayer_lowered;
	s6 =	simm.s32 $_tile_overlayer_lowered  }
0x9b: {  	s22 =	simm.s32 $0x1BFF;
	s21 =	sshll.u32 s6, $0x1;
	s3 =	sadd.s32 s4, s19  }
0x9c: {  	s7 =	simm.s32 $0x0;
	s20 =	sshll.u32 s5, $0x1;
	s5 =	sadd.s32 s21, s3  }
0x9d: {  	[timem:s7], [sflag:s22] =	dma.local [hbm:s5], s20  }
0x9e: {  	_ =	swait.ge [sflag:s22], s20  }
0x9f: {  	s4 =	ssub.s32 $0x0, s20;
	[sflag:s22] =	ssyncset.done $0x0  }
0xa0: {  	[sflag:s22] =	ssyncadd.s32 s4;
	_ =	sdelay $0x1  }
0xa1: {  	s23 =	simm.s32 $0x1B8B  }
0xa2: {  	_ =	swait.ge [sflag:s23], $0x1  }
0xa3: {  	[sflag:s23] =	ssyncset.done $0x0  }
0xa4: {  	s25 =	simm.s32 $0x1B8E;
	s24 =	sld [smem:$0x3FFE];
	[sflag:s23] =	ssyncadd.s32 $0xFFFFFFFF  }
0xa5: {  	s26 =	simm.s32 $execute0_lowered;
	[smem:$0x3FD2] =	sst s25  }
0xa6: {  	s5 =	sshll.u32 s26, $0x1;
	_ =	strace $0x80000046;
	[dreg:$0x1] =	wrdreg $0xFFFFFFFF  }
0xa7: {  	s28 =	simm.s32 $_size_execute0_lowered;
	s3 =	sadd.s32 s3, s5;
	[dreg:$0x0] =	wrdreg $0x0  }
0xa8: {  	s5 =	sshll.u32 s28, $0x1;
	[dreg:$0x2] =	wrdreg s3  }
0xa9: {  	[dreg:$0x3] =	wrdreg s5  }
0xaa: {  	[dreg:$0x4] =	wrdreg $0xC0  }
0xab: {  	_ =	task [dreg:s7], $0x5FFFF  }
0xac: {  	[dreg:$0x1] =	wrdreg $0xFFFFFFFF  }
0xad: {  	[dreg:$0x0] =	wrdreg $0x60  }
0xae: {  	[dreg:$0x2] =	wrdreg s2  }
0xaf: {  	[dreg:$0x3] =	wrdreg s24  }
0xb0: {  	[dreg:$0x4] =	wrdreg $0x0  }
0xb1: {  	[dreg:$0x5] =	wrdreg $0xA  }
0xb2: {  	_ =	task.clear_ibuf [dreg:s7], $0x6FFFF;
	_ =	strace $0x90000046  }
0xb3: {  	s29 =	simm.s32 $0xA;
	_ =	strace $0x80000048  }
0xb4: {  	_ =	swait.ge [sflag:s29], $0x1  }
0xb5: {  	[sflag:s29] =	ssyncadd.s32 $0xFFFFFFFF  }
0xb6: {  	_ =	strace $0x90000048  }
0xb7: {  	_ =	sfence  }
0xb8: {  	s30 =	sld [smem:$0x0];
	_ =	sdelay $0x2  }
0xb9: {  	s31 =	sshll.u32 s1, $0xD;
	s1 =	sshrl.u32 s1, $0x2  }
0xba: {  	s3 =	sand.u32 $0x4000, s31;
	s1 =	sadd.s32 s1, s30  }
0xbb: {  	s0 =	sor.u32 s3, s0;
	s1 =	sshll.u32 s1, $0x11  }
0xbc: {  	s0 =	sor.u32 s1, s0  }
0xbd: {  	s0 =	sadd.s32 $0x8F2B, s0  }
0xbe: {  	[sflag:s0] =	ssyncadd.remote.s32 $0x1  }
0xbf: {  	_ =	sfence.sel $0xFFFF  }
0xc0: {  	[dreg:$0x0] =	wrdreg $0xFFFFFFFF;
	(pc) =	sbr.abs _section_cstart, $3  }
0xc1: {  	[dreg:$0x1] =	wrdreg $0xFFFFFFFF  }
0xc2: {  	_ =	task.clear_ibuf [dreg:s7], $0x2FFFF;
	_ =	strace $0x9FFFFFFF  }
0xc3: {  	(tm) =	ssettm $0x7FFFFFFF  }
tec
execute0_lowered:
.L_overlay_start_1:
0x0: {  	(tag) =	ssettag $0x1  }
0x1: {  	s1 =	rddreg [dreg:$0x0]  }
0x2: {  	s0 =	rddreg [dreg:$0x1]  }
0x3: {  	s2 =	rddreg [dreg:$0x2]  }
0x4: {  	s4 =	simm.s32 $0x0;
	s3 =	srdreg.scid;
	s14 =	stileid.u32  }
0x5: {  	s30 =	simm.s32 $0x18990;
	s31 =	simm.s32 $0x1C040;
	s29 =	simm.s32 $0x1C680  }
0x6: {  	[smem:$0x7FF] =	sst s4;
	s5 =	sadd.s32 $0x496600, s0;
	s9 =	smul.u32 $0x18800, s14  }
0x7: {  	s28 =	simm.s32 $0x1;
	s6 =	sadd.s32 $0x189200, s0;
	s7 =	sadd.s32 $0x1EAE00, s0  }
0x8: {  	s3 =	sand.u32 $0x1, s3;
	s8 =	sadd.s32 $0x24CA00, s0;
	s12 =	smul.u32 $0x62000, s14  }
0x9: {  	s13 =	sadd.s32 $0x2600, s0;
	s19 =	smul.u32 $0x30D40, s14;
	_ =	strace $0x80000047  }
0xa: {  	s10 =	smul.u32 $0x188000, s3;
	s11 =	ssub.s32 $0x2, s3;
	[dreg:$0x4] =	wrdreg s13  }
0xb: {  	s15 =	smul.u32 $0xC350, s3;
	s13 =	simm.s32 $0x1C4F0;
	s23 =	sshrl.u32 s19, $0x3  }
0xc: {  	s26 =	sshrl.u32 s11, $0x1;
	s12 =	sshrl.u32 s12, $0x2;
	s24 =	sadd.s32 s6, s23  }
0xd: {  	s16 =	sadd.s32 s12, s2;
	s25 =	sadd.s32 s7, s23;
	[dreg:$0xc] =	wrdreg s24  }
0xe: {  	s10 =	sadd.s32 s9, s10;
	s17 =	sadd.s32 $0x3100, s16;
	[dreg:$0xd] =	wrdreg s25  }
0xf: {  	s11 =	ssub.s32 s11, s26;
	s18 =	sadd.s32 $0x6200, s16;
	[dreg:$0x5] =	wrdreg s17  }
0x10: {  	v0 =	vmov s15;
	s15 =	simm.s32 $0x4;
	s12 =	sadd.s32 $0x9300, s16;
	[dreg:$0x6] =	wrdreg s18  }
0x11: {  	s10 =	sshrl.u32 s10, $0x3;
	s20 =	sadd.s32 $0xC400, s16;
	[dreg:$0x7] =	wrdreg s12  }
0x12: {  	s21 =	sadd.s32 $0xF500, s16;
	s22 =	sadd.s32 $0x12600, s16;
	[dreg:$0x8] =	wrdreg s20  }
0x13: {  	s3 =	sadd.s32 $0x15700, s16;
	s26 =	smax.u32 s11, $0x1;
	[dreg:$0x9] =	wrdreg s21  }
0x14: {  	s25 =	simm.s32 $0x18E40;
	s11 =	simm.s32 $0x18CB0;
	[dreg:$0xa] =	wrdreg s22  }
0x15: {  	s0 =	sadd.s32 s10, s0;
	s10 =	sadd.s32 s9, s2;
	[dreg:$0xb] =	wrdreg s3  }
0x16: {  	s3 =	sadd.s32 s8, s23;
	s21 =	sadd.s32 $0x190, s19;
	s22 =	sadd.s32 $0x320, s19  }
0x17: {  	[dreg:$0x10] =	wrdreg s26;
	s26 =	simm.s32 $0x5;
	s9 =	simm.s32 $0x1C360  }
0x18: {  	s12 =	simm.s32 $0x2;
	[dreg:$0xe] =	wrdreg s3;
	s0 =	sadd.s32 $0x2AE600, s0  }
0x19: {  	v1 =	vimm.f32 $0.0e+00;
	s3 =	simm.s32 $0x1C1D0;
	[dreg:$0xf] =	wrdreg s0;
	s0 =	simm.s32 $0x190  }
.LBB2_1:
0x1a: {  	s14 =	simm.s32 $0x80;
	s16 =	simm.s32 $0x0  }
.LBB2_2:
0x1b: {  	p0 =	sne.s32 s14, $0xC780;
	[tilespmem:s16+$0x18E40] =	vst v1;
	s17 =	smov.u32 s14;
	s14 =	sadd.s32 $0x80, s14  }
.Ltmp0:
0x1c: {  	[tilespmem:s16+$0x18E50] =	vst v1;
	(pc) =	sbr.rel @p0 .LBB2_2-.Ltmp0, $2  }
0x1d: {  	_ =	sdelay $0x2  }
0x1e: {  	s16 =	sshra.s32 s17, $0x2  }
0x1f: {  	[tilespmem:s16+$0x18E40] =	vst v1  }
0x20: {  	[tilespmem:s16+$0x18E50] =	vst v1  }
0x21: {  	[spmem:s10] =	stream.linear.scatter [tilespmem:s25], [sflag:$0x5], $0x3100, $0x38;
	[tilespmem:$0x1F8A0] =	vst v63  }
0x22: {  	_ =	swait.ge [sflag:s26], $0x3100  }
0x23: {  	[sflag:s26] =	ssyncset.done $0x0  }
0x24: {  	s14 =	rddreg [dreg:$0x5];
	[sflag:s26] =	ssyncadd.s32 $0xFFFFCF00  }
0x25: {  	[spmem:s14] =	stream.linear.scatter [tilespmem:s25], [sflag:$0x5], $0x3100, $0x38;
	[tilespmem:$0x1F8A0] =	vst v63  }
0x26: {  	_ =	swait.ge [sflag:s26], $0x3100  }
0x27: {  	[sflag:s26] =	ssyncset.done $0x0  }
0x28: {  	s19 =	rddreg [dreg:$0x6];
	[sflag:s26] =	ssyncadd.s32 $0xFFFFCF00  }
0x29: {  	[spmem:s19] =	stream.linear.scatter [tilespmem:s25], [sflag:$0x5], $0x3100, $0x38;
	[tilespmem:$0x1F8A0] =	vst v63  }
0x2a: {  	_ =	swait.ge [sflag:s26], $0x3100  }
0x2b: {  	[sflag:s26] =	ssyncset.done $0x0  }
0x2c: {  	s20 =	rddreg [dreg:$0x7];
	[sflag:s26] =	ssyncadd.s32 $0xFFFFCF00  }
0x2d: {  	[spmem:s20] =	stream.linear.scatter [tilespmem:s25], [sflag:$0x5], $0x3100, $0x38;
	[tilespmem:$0x1F8A0] =	vst v63  }
0x2e: {  	_ =	swait.ge [sflag:s26], $0x3100  }
0x2f: {  	[sflag:s26] =	ssyncset.done $0x0  }
0x30: {  	s23 =	rddreg [dreg:$0x8];
	[sflag:s26] =	ssyncadd.s32 $0xFFFFCF00  }
0x31: {  	[spmem:s23] =	stream.linear.scatter [tilespmem:s25], [sflag:$0x5], $0x3100, $0x38;
	[tilespmem:$0x1F8A0] =	vst v63  }
0x32: {  	_ =	swait.ge [sflag:s26], $0x3100  }
0x33: {  	[sflag:s26] =	ssyncset.done $0x0  }
0x34: {  	s24 =	rddreg [dreg:$0x9];
	[sflag:s26] =	ssyncadd.s32 $0xFFFFCF00  }
0x35: {  	[spmem:s24] =	stream.linear.scatter [tilespmem:s25], [sflag:$0x5], $0x3100, $0x38;
	[tilespmem:$0x1F8A0] =	vst v63  }
0x36: {  	_ =	swait.ge [sflag:s26], $0x3100  }
0x37: {  	[sflag:s26] =	ssyncset.done $0x0  }
0x38: {  	s16 =	rddreg [dreg:$0xa];
	[sflag:s26] =	ssyncadd.s32 $0xFFFFCF00  }
0x39: {  	[spmem:s16] =	stream.linear.scatter [tilespmem:s25], [sflag:$0x5], $0x3100, $0x38;
	[tilespmem:$0x1F8A0] =	vst v63  }
0x3a: {  	_ =	swait.ge [sflag:s26], $0x3100  }
0x3b: {  	[sflag:s26] =	ssyncset.done $0x0  }
0x3c: {  	s17 =	rddreg [dreg:$0xb];
	[sflag:s26] =	ssyncadd.s32 $0xFFFFCF00  }
0x3d: {  	[spmem:s17] =	stream.linear.scatter [tilespmem:s25], [sflag:$0x5], $0x3100, $0x38;
	[tilespmem:$0x1F8A0] =	vst v63  }
0x3e: {  	_ =	swait.ge [sflag:s26], $0x3100  }
0x3f: {  	s16 =	simm.s32 $0x0;
	[sflag:s26] =	ssyncset.done $0x0  }
0x40: {  	s17 =	simm.s32 $0x1F880;
	s18 =	rddreg [dreg:$0x4];
	[sflag:s26] =	ssyncadd.s32 $0xFFFFCF00  }
0x41: {  	[tilespmem:s17], [sflag:$0x5] =	stream.linear.gather [hbm4b:s18+s16], $0x20, $0x38;
	[tilespmem:$0x1F8A0] =	vst v63  }
0x42: {  	_ =	swait.ge [sflag:s26], $0x20  }
0x43: {  	[sflag:s26] =	ssyncset.done $0x0  }
0x44: {  	[sflag:s26] =	ssyncadd.s32 $0xFFFFFFE0  }
0x45: {  	v2 =	vld [tilespmem:$0x1F880]  }
0x46: {  	v3 =	vld [tilespmem:$0x1F890];
	[bflag:$0x0] =	sbarrier.arrive $0xFFFF  }
0x47: {  	s20 =	simm.s32 $0x18800;
	s19 =	rddreg [dreg:$0xc]  }
0x48: {  	[tilespmem:s20], [sflag:$0x5] =	stream.linear.gather [hbm4b:s19+s16], $0x190, $0x38;
	[tilespmem:$0x1F8A0] =	vst v63  }
0x49: {  	_ =	swait.ge [sflag:s26], $0x190  }
0x4a: {  	[sflag:s26] =	ssyncset.done $0x0  }
0x4b: {  	s23 =	rddreg [dreg:$0xd];
	[sflag:s26] =	ssyncadd.s32 $0xFFFFFE70  }
0x4c: {  	[tilespmem:s30], [sflag:$0x5] =	stream.linear.gather [hbm4b:s23+s16], $0x190, $0x38;
	[tilespmem:$0x1F8A0] =	vst v63  }
0x4d: {  	_ =	swait.ge [sflag:s26], $0x190  }
0x4e: {  	[sflag:s26] =	ssyncset.done $0x0  }
0x4f: {  	s18 =	simm.s32 $0x18B20;
	s24 =	rddreg [dreg:$0xe];
	[sflag:s26] =	ssyncadd.s32 $0xFFFFFE70  }
0x50: {  	[tilespmem:s18], [sflag:$0x5] =	stream.linear.gather [hbm4b:s24+s16], $0x190, $0x38;
	[tilespmem:$0x1F8A0] =	vst v63  }
0x51: {  	_ =	swait.ge [sflag:s26], $0x190  }
0x52: {  	[sflag:s26] =	ssyncset.done $0x0  }
0x53: {  	s17 =	simm.s32 $0x0;
	[sflag:s26] =	ssyncadd.s32 $0xFFFFFE70  }
0x54: {  	[tilespmem:s25], [sflag:$0x1] =	stream.indirect.gather [hbm4b:s1+s0], $0x20, s20, s0, $0xb8;
	[tilespmem:$0x1F8A0] =	vst v63  }
.LBB2_4:
0x55: {  	_ =	swait.ge [sflag:s28], $0x3200  }
0x56: {  	p0 =	seq.s32 s17, $0x0;
	[sflag:s28] =	ssyncset.done $0x0  }
0x57: {  	s18 =	smul.u32 $0x320, s17;
	s14 =	simm.s32 @!p0 $0x4;
	[sflag:s28] =	ssyncadd.s32 $0xFFFFCE00  }
0x58: {  	[tilespmem:s25], [sflag:$0x1] =	stream.indirect.gather.add.f32 [hbm:s5], $0x20, s30, s0, $0xb8;
	[tilespmem:$0x1F8A0] =	vst v63  }
0x59: {  	s19 =	sadd.s32 s18, s21;
	_ =	swait.ge @!p0 [sflag:s14], $0x3200  }
0x5a: {  	s19 =	sshrl.u32 s19, $0x3;
	[sflag:s14] =	ssyncset.done @!p0 $0x0  }
0x5b: {  	s24 =	sadd.s32 s6, s19;
	[sflag:s14] =	ssyncadd.s32 @!p0 $0xFFFFCE00  }
0x5c: {  	[tilespmem:s31], [sflag:$0x5] =	stream.linear.gather [hbm4b:s24+s16], $0x190, $0x38;
	[tilespmem:$0x1F8A0] =	vst v63  }
0x5d: {  	_ =	swait.ge [sflag:s26], $0x190  }
0x5e: {  	[sflag:s26] =	ssyncset.done $0x0  }
0x5f: {  	s20 =	sadd.s32 s7, s19;
	[sflag:s26] =	ssyncadd.s32 $0xFFFFFE70  }
0x60: {  	[tilespmem:s3], [sflag:$0x5] =	stream.linear.gather [hbm4b:s20+s16], $0x190, $0x38;
	[tilespmem:$0x1F8A0] =	vst v63  }
0x61: {  	_ =	swait.ge [sflag:s26], $0x190  }
0x62: {  	[sflag:s26] =	ssyncset.done $0x0  }
0x63: {  	s23 =	sadd.s32 s8, s19;
	[sflag:s26] =	ssyncadd.s32 $0xFFFFFE70  }
0x64: {  	[tilespmem:s9], [sflag:$0x5] =	stream.linear.gather [hbm4b:s23+s16], $0x190, $0x38;
	[tilespmem:$0x1F8A0] =	vst v63  }
0x65: {  	_ =	swait.ge [sflag:s26], $0x190  }
0x66: {  	[sflag:s26] =	ssyncset.done $0x0  }
0x67: {  	[sflag:s26] =	ssyncadd.s32 $0xFFFFFE70  }
0x68: {  	[tilespmem:s29], [sflag:$0x2] =	stream.indirect.gather [hbm4b:s1+s0], $0x20, s31, s0, $0xb8;
	[tilespmem:$0x1F8A0] =	vst v63  }
0x69: {  	_ =	swait.ge [sflag:s28], $0x3200  }
0x6a: {  	[sflag:s28] =	ssyncset.done $0x0  }
0x6b: {  	s24 =	simm.s32 $0x0;
	[sflag:s28] =	ssyncadd.s32 $0xFFFFCE00  }
0x6c: {  	v11 =	vld [tilespmem:s24+$0x18B20];
	_ =	sdelay $0x3  }
0x6d: {  	v4 =	vld [tilespmem:s24+$0x18990]  }
0x6e: {  	v6 =	vbroadcast v11, $0x2;
	v8 =	vbroadcast v11, $0x9  }
0x6f: {  	v7 =	vbroadcast v11, $0x3;
	v9 =	vbroadcast v11, $0xA  }
0x70: {  	v20 =	vbroadcast v11, $0x1;
	v10 =	vbroadcast v11, $0xE  }
0x71: {  	v5 =	vadd.f32 $9.999999740e-06, v11;
	v12 =	vbroadcast v11, $0x7;
	v21 =	vbroadcast v11, $0x8  }
0x72: {  	v4 =	vsub.s32 v4, v0;
	v22 =	vbroadcast v11, $0x4;
	v23 =	vbroadcast v11, $0x0  }
0x73: {  	v33 =	vbroadcast v11, $0xC;
	v36 =	vbroadcast v11, $0xF;
	v4 =	vmin.u32 v4, $0xC350  }
0x74: {  	s19 =	simm.s32 $0x18F40;
	v56 =	vbroadcast v11, $0x5;
	(erf) = vrcp.f32 v5;
	[tilespmem:s24+$0x18CB0] =	vst v4  }
0x75: {  	v13 =	vmul.f32 v6, v2;
	v24 =	vmul.f32 v7, v3;
	v5 =	vld [tilespmem:s19+$0xD0]  }
0x76: {  	v14 =	vmul.f32 v21, v3;
	v26 =	vmul.f32 v22, v3;
	v18 =	vld [tilespmem:s19+$0xFFFFFF50]  }
0x77: {  	v28 =	vmul.f32 v10, v3;
	v29 =	vmul.f32 v23, v3;
	v30 =	vld [tilespmem:s19+$0xFFFFFF70]  }
0x78: {  	v16 =	vmul.f32 v8, v3;
	v31 =	vmul.f32 v6, v3;
	v32 =	vld [tilespmem:s19+$0xFFFFFF10]  }
0x79: {  	v34 =	vmul.f32 v12, v3;
	v37 =	vmul.f32 v7, v2;
	v35 =	vld [tilespmem:s19+$0xC0]  }
0x7a: {  	v40 =	vmul.f32 v9, v2;
	v19 =	vmul.f32 v9, v3;
	v49 =	vld [tilespmem:s19+$0xFFFFFFE0]  }
0x7b: {  	v44 =	vmul.f32 v10, v2;
	v48 =	vmul.f32 v12, v2;
	v54 =	vld [tilespmem:s19+$0x0]  }
0x7c: {  	v50 =	vmul.f32 v8, v2;
	v10 =	vmul.f32 v33, v2;
	v63 =	vld [tilespmem:s19+$0xFFFFFF80]  }
0x7d: {  	v23 =	vmul.f32 v23, v2;
	v21 =	vmul.f32 v21, v2;
	v39 =	vld [tilespmem:s19+$0xFFFFFF90];
	v28 =	vadd.f32 v5, v28  }
0x7e: {  	v22 =	vmul.f32 v22, v2;
	v47 =	vld [tilespmem:s19+$0xFFFFFFF0];
	v9 =	vadd.f32 v18, v31;
	v24 =	vadd.f32 v30, v24  }
0x7f: {  	v12 =	vadd.f32 v32, v29;
	v29 =	vmul.f32 v33, v3;
	v32 =	vbroadcast v11, $0xB  }
0x80: {  	v35 =	vadd.f32 v35, v44;
	v44 =	vbroadcast v11, $0x6;
	v21 =	vadd.f32 v54, v21  }
0x81: {  	v59 =	vadd.f32 v49, v48;
	v22 =	vadd.f32 v63, v22;
	v55 =	vmax.f32 v12, $0.0e+00  }
0x82: {  	v25 =	vld [tilespmem:s19+$0xFFFFFFB0];
	v58 =	vmul.f32 v32, v3;
	v12 =	vadd.f32 v39, v26;
	v39 =	vmul.f32 v56, v3;
	v38 =	vpop (erf)  }
0x83: {  	v60 =	vld [tilespmem:s19+$0x70];
	v34 =	vadd.f32 v47, v34;
	v32 =	vmul.f32 v32, v2;
	v41 =	vbroadcast v38, $0x0  }
0x84: {  	v63 =	vld [tilespmem:s19+$0x30];
	v21 =	vmax.f32 v21, $0.0e+00;
	v4 =	vbroadcast v38, $0x2;
	v6 =	vbroadcast v38, $0x4  }
0x85: {  	v54 =	vld [tilespmem:s19+$0x50];
	v22 =	vmax.f32 v22, $0.0e+00;
	v46 =	vbroadcast v38, $0xD;
	v15 =	vbroadcast v38, $0x6  }
0x86: {  	v42 =	vld [tilespmem:s19+$0xFFFFFF40];
	v34 =	vmax.f32 v34, $0.0e+00;
	v7 =	vbroadcast v38, $0x8;
	v5 =	vbroadcast v38, $0xA  }
0x87: {  	v61 =	vld [tilespmem:s19+$0xFFFFFF00];
	v24 =	vmax.f32 v24, $0.0e+00;
	v18 =	vbroadcast v38, $0x9;
	v31 =	vbroadcast v38, $0xB  }
0x88: {  	v8 =	vbroadcast v38, $0xC;
	v53 =	vbroadcast v38, $0xE;
	v30 =	vadd.f32 v60, v58  }
0x89: {  	v17 =	vld [tilespmem:s19+$0xE0];
	v60 =	vmul.f32 v36, v2;
	v25 =	vadd.f32 v25, v39;
	v36 =	vmul.f32 v36, v3  }
0x8a: {  	v16 =	vadd.f32 v63, v16;
	v19 =	vadd.f32 v54, v19;
	v63 =	vmul.f32 v44, v3  }
0x8b: {  	v26 =	vld [tilespmem:s19+$0xA0];
	v62 =	vmul.f32 v55, v41;
	v55 =	vbroadcast v11, $0xD;
	v11 =	vadd.f32 v42, v13  }
0x8c: {  	v42 =	vbroadcast v38, $0xF;
	v13 =	vadd.f32 v61, v23;
	v21 =	vmul.f32 v21, v7  }
0x8d: {  	v27 =	vld [tilespmem:s19+$0xB0];
	v30 =	vmax.f32 v30, $0.0e+00;
	v61 =	vbroadcast v38, $0x7;
	v22 =	vmul.f32 v22, v6  }
0x8e: {  	v47 =	vld [tilespmem:s19+$0x20];
	v17 =	vadd.f32 v17, v60;
	v25 =	vmax.f32 v25, $0.0e+00;
	v23 =	vmul.f32 v55, v2  }
0x8f: {  	v51 =	vld [tilespmem:s19+$0xFFFFFFA0];
	v30 =	vmul.f32 v30, v31;
	v16 =	vmax.f32 v16, $0.0e+00;
	v13 =	vmax.f32 v13, $0.0e+00  }
0x90: {  	v43 =	vld [tilespmem:s19+$0xFFFFFF60];
	[tilespmem:s19+$0x0] =	vst v21;
	v21 =	vmul.f32 v56, v2;
	v49 =	vmul.f32 v55, v3;
	v23 =	vadd.f32 v26, v23  }
0x91: {  	v34 =	vmul.f32 v34, v61;
	v55 =	vbroadcast v38, $0x5;
	v17 =	vmax.f32 v17, $0.0e+00;
	v26 =	vld [tilespmem:s19+$0x60]  }
0x92: {  	v57 =	vld [tilespmem:s19+$0xFFFFFF30];
	[tilespmem:s19+$0xFFFFFF10] =	vst v62;
	v13 =	vmul.f32 v13, v41;
	v41 =	vmax.f32 v59, $0.0e+00;
	v23 =	vmax.f32 v23, $0.0e+00  }
0x93: {  	v58 =	vld [tilespmem:s19+$0xFFFFFF20];
	[tilespmem:s19+$0xFFFFFF80] =	vst v22;
	v59 =	vadd.f32 v47, v50;
	v62 =	vmul.f32 v41, v61;
	v23 =	vmul.f32 v23, v46  }
0x94: {  	[tilespmem:s19+$0x70] =	vst v30;
	v21 =	vadd.f32 v51, v21;
	v27 =	vadd.f32 v27, v49;
	v25 =	vmul.f32 v25, v55  }
0x95: {  	v61 =	vmul.f32 v17, v42;
	[tilespmem:s19+$0xA0] =	vst v23;
	v23 =	vadd.f32 v43, v37;
	v43 =	vmul.f32 v20, v3  }
0x96: {  	v45 =	vld [tilespmem:s19+$0x40];
	[tilespmem:s19+$0xFFFFFFF0] =	vst v34;
	v21 =	vmax.f32 v21, $0.0e+00;
	v26 =	vadd.f32 v26, v32;
	v20 =	vmul.f32 v20, v2  }
0x97: {  	v60 =	vld [tilespmem:s19+$0x90];
	v17 =	vmul.f32 v44, v2;
	[tilespmem:s19+$0xFFFFFF00] =	vst v13;
	v21 =	vmul.f32 v21, v55;
	v37 =	vadd.f32 v57, v43  }
0x98: {  	v52 =	vld [tilespmem:s19+$0xF0];
	[tilespmem:s19+$0xFFFFFFE0] =	vst v62;
	v22 =	vmax.f32 v26, $0.0e+00;
	v26 =	vbroadcast v38, $0x1;
	v20 =	vadd.f32 v58, v20  }
0x99: {  	[tilespmem:s19+$0xFFFFFFA0] =	vst v21;
	v21 =	vmax.f32 v27, $0.0e+00;
	v57 =	vld [tilespmem:s19+$0x10];
	v22 =	vmul.f32 v22, v31;
	v37 =	vmax.f32 v37, $0.0e+00  }
0x9a: {  	[tilespmem:s19+$0xFFFFFFB0] =	vst v25;
	v21 =	vmul.f32 v21, v46;
	v58 =	vld [tilespmem:s19+$0xFFFFFFC0];
	v20 =	vmax.f32 v20, $0.0e+00;
	v56 =	vmul.f32 v37, v26  }
0x9b: {  	v13 =	vadd.f32 v45, v40;
	[tilespmem:s19+$0x60] =	vst v22;
	v22 =	vbroadcast v38, $0x3;
	v20 =	vmul.f32 v20, v26;
	v26 =	vld [tilespmem:s19+$0xFFFFFFD0]  }
0x9c: {  	v45 =	vmax.f32 v35, $0.0e+00;
	v25 =	vadd.f32 v60, v29;
	[tilespmem:s19+$0xE0] =	vst v61;
	v23 =	vmax.f32 v23, $0.0e+00  }
0x9d: {  	v27 =	vadd.f32 v52, v36;
	[tilespmem:s19+$0xB0] =	vst v21;
	v24 =	vmul.f32 v24, v22;
	v22 =	vmul.f32 v23, v22  }
0x9e: {  	v21 =	vmul.f32 v16, v18;
	v16 =	vmax.f32 v59, $0.0e+00;
	[tilespmem:s19+$0xFFFFFF30] =	vst v56;
	v23 =	vmax.f32 v28, $0.0e+00  }
0x9f: {  	v17 =	vadd.f32 v58, v17;
	[tilespmem:s19+$0xFFFFFF60] =	vst v22;
	v22 =	vadd.f32 v57, v14;
	v14 =	vmax.f32 v19, $0.0e+00  }
0xa0: {  	v62 =	vmul.f32 v23, v53;
	[tilespmem:s19+$0xFFFFFF70] =	vst v24;
	v24 =	vld [tilespmem:s19+$0x80];
	v19 =	vadd.f32 v26, v63;
	v14 =	vmul.f32 v14, v5  }
0xa1: {  	[tilespmem:s19+$0xFFFFFF20] =	vst v20;
	v23 =	vmul.f32 v45, v53;
	v20 =	vmax.f32 v17, $0.0e+00;
	v17 =	vmul.f32 v16, v18  }
0xa2: {  	v16 =	vmul.f32 v20, v15;
	v18 =	vmax.f32 v19, $0.0e+00;
	[tilespmem:s19+$0x50] =	vst v14;
	v14 =	vmax.f32 v27, $0.0e+00  }
0xa3: {  	s20 =	simm.s32 $0x18F40;
	s23 =	simm.s32 $0x40;
	[tilespmem:s19+$0xD0] =	vst v62;
	v18 =	vmul.f32 v18, v15;
	v15 =	vmax.f32 v25, $0.0e+00;
	v14 =	vmul.f32 v14, v42  }
.LBB2_5:
0xa4: {  	s14 =	smov.u32 s23  }
0xa5: {  	s24 =	sshra.s32 s23, $0x2;
	v9 =	vmax.f32 v9, $0.0e+00;
	v19 =	vmax.f32 v22, $0.0e+00;
	v10 =	vadd.f32 v24, v10;
	[tilespmem:s19+$0xC0] =	vst v23;
	s20 =	sadd.s32 $0x200, s20;
	s14 =	sadd.s32 $0x40, s23  }
0xa6: {  	p0 =	sne.s32 s23, $0x600;
	v12 =	vmax.f32 v12, $0.0e+00;
	v9 =	vmul.f32 v9, v4;
	v7 =	vmul.f32 v19, v7;
	v29 =	vld [tilespmem:s24+$0x18B20];
	[tilespmem:s19+$0xFFFFFFD0] =	vst v18  }
0xa7: {  	v6 =	vmul.f32 v12, v6;
	v12 =	vmax.f32 v13, $0.0e+00;
	v10 =	vmax.f32 v10, $0.0e+00;
	v18 =	vld [tilespmem:s24+$0x18990];
	[tilespmem:s19+$0x20] =	vst v17  }
0xa8: {  	v11 =	vmax.f32 v11, $0.0e+00;
	v5 =	vmul.f32 v12, v5;
	v10 =	vmul.f32 v10, v8;
	[tilespmem:s19+$0x30] =	vst v21  }
0xa9: {  	v4 =	vmul.f32 v11, v4;
	[tilespmem:s19+$0xFFFFFF90] =	vst v6  }
0xaa: {  	v6 =	vmul.f32 v15, v8;
	[tilespmem:s19+$0xFFFFFF50] =	vst v9  }
0xab: {  	v8 =	vadd.f32 $9.999999740e-06, v29;
	v9 =	vbroadcast v29, $0x2;
	v11 =	vbroadcast v29, $0x9;
	[tilespmem:s19+$0x80] =	vst v10  }
0xac: {  	v12 =	vbroadcast v29, $0x3;
	v13 =	vbroadcast v29, $0xA;
	v10 =	vsub.s32 v18, v0;
	[tilespmem:s19+$0x90] =	vst v6  }
0xad: {  	v6 =	vmin.u32 v10, $0xC350;
	v30 =	vmul.f32 v9, v2;
	(erf) = vrcp.f32 v8;
	[tilespmem:s19+$0x10] =	vst v7  }
0xae: {  	v28 =	vbroadcast v29, $0x1;
	v7 =	vbroadcast v29, $0xE;
	[tilespmem:s19+$0xFFFFFF40] =	vst v4  }
0xaf: {  	v31 =	vbroadcast v29, $0x8;
	v8 =	vbroadcast v29, $0x7;
	[tilespmem:s19+$0x40] =	vst v5  }
0xb0: {  	v32 =	vbroadcast v29, $0x0;
	v27 =	vbroadcast v29, $0x4;
	[tilespmem:s19+$0xF0] =	vst v14  }
0xb1: {  	v10 =	vmul.f32 v12, v3;
	v14 =	vmul.f32 v31, v3;
	[tilespmem:s19+$0xFFFFFFC0] =	vst v16;
	s19 =	smov.u32 s20  }
0xb2: {  	v20 =	vmul.f32 v27, v3;
	v5 =	vmul.f32 v7, v3;
	[tilespmem:s24+$0x18CB0] =	vst v6  }
0xb3: {  	v19 =	vmul.f32 v32, v3;
	v16 =	vmul.f32 v11, v3;
	v17 =	vld [tilespmem:s20+$0xD0]  }
0xb4: {  	v25 =	vbroadcast v29, $0xC;
	v9 =	vmul.f32 v9, v3;
	v23 =	vld [tilespmem:s20+$0xFFFFFF50]  }
0xb5: {  	v35 =	vbroadcast v29, $0xF;
	v33 =	vmul.f32 v8, v3;
	v34 =	vld [tilespmem:s20+$0xE0]  }
0xb6: {  	v36 =	vmul.f32 v12, v2;
	v38 =	vmul.f32 v13, v2;
	v37 =	vld [tilespmem:s20+$0xFFFFFFB0];
	v24 =	vpop (erf)  }
0xb7: {  	v18 =	vmul.f32 v13, v3;
	v39 =	vbroadcast v24, $0x0;
	v40 =	vld [tilespmem:s20+$0xB0]  }
0xb8: {  	v13 =	vmul.f32 v7, v2;
	v4 =	vbroadcast v24, $0x2;
	v12 =	vld [tilespmem:s20+$0xFFFFFF70]  }
0xb9: {  	v6 =	vbroadcast v24, $0x4;
	v22 =	vbroadcast v24, $0xD;
	v41 =	vld [tilespmem:s20+$0xFFFFFF10]  }
0xba: {  	v15 =	vbroadcast v24, $0x6;
	v21 =	vadd.f32 v17, v5;
	v42 =	vld [tilespmem:s20+$0xC0]  }
0xbb: {  	v7 =	vbroadcast v24, $0x8;
	v9 =	vadd.f32 v23, v9;
	v43 =	vld [tilespmem:s20+$0xFFFFFF90]  }
0xbc: {  	v45 =	vmul.f32 v8, v2;
	v5 =	vbroadcast v24, $0xA;
	v44 =	vld [tilespmem:s20+$0xFFFFFF40]  }
0xbd: {  	v26 =	vmul.f32 v11, v2;
	v17 =	vbroadcast v24, $0x9;
	v46 =	vld [tilespmem:s20+$0xFFFFFF60];
	v47 =	vadd.f32 v12, v10  }
0xbe: {  	v48 =	vbroadcast v24, $0xB;
	v10 =	vmul.f32 v25, v2;
	v11 =	vadd.f32 v41, v19;
	v41 =	vld [tilespmem:s20+$0x40]  }
0xbf: {  	v8 =	vbroadcast v24, $0xC;
	v19 =	vmul.f32 v25, v3;
	v49 =	vld [tilespmem:s20+$0xFFFFFFF0];
	v42 =	vadd.f32 v42, v13  }
0xc0: {  	v23 =	vbroadcast v24, $0xE;
	v25 =	vbroadcast v29, $0x6;
	v50 =	vmax.f32 v11, $0.0e+00;
	v51 =	vld [tilespmem:s20+$0xFFFFFFE0]  }
0xc1: {  	v52 =	vbroadcast v29, $0x5;
	v12 =	vadd.f32 v43, v20;
	v20 =	vbroadcast v24, $0xF;
	v43 =	vld [tilespmem:s20+$0xFFFFFFA0]  }
0xc2: {  	v11 =	vadd.f32 v44, v30;
	v30 =	vbroadcast v29, $0xB;
	v44 =	vbroadcast v29, $0xD;
	v53 =	vld [tilespmem:s20+$0xF0]  }
0xc3: {  	v54 =	vmul.f32 v52, v3;
	v13 =	vadd.f32 v41, v38;
	v38 =	vld [tilespmem:s20+$0x70];
	v41 =	vmul.f32 v35, v2  }
0xc4: {  	v29 =	vmax.f32 v42, $0.0e+00;
	v36 =	vadd.f32 v46, v36;
	v46 =	vmul.f32 v52, v2;
	v55 =	vld [tilespmem:s20+$0xFFFFFF30]  }
0xc5: {  	v37 =	vadd.f32 v37, v54;
	v42 =	vadd.f32 v51, v45;
	v45 =	vld [tilespmem:s20+$0x0];
	v51 =	vmul.f32 v44, v3  }
0xc6: {  	v52 =	vmul.f32 v30, v3;
	v35 =	vmul.f32 v35, v3;
	v36 =	vmax.f32 v36, $0.0e+00;
	v54 =	vld [tilespmem:s20+$0xA0]  }
0xc7: {  	v57 =	vmul.f32 v28, v3;
	v56 =	vld [tilespmem:s20+$0xFFFFFF00];
	v42 =	vmax.f32 v42, $0.0e+00;
	v40 =	vadd.f32 v40, v51  }
0xc8: {  	v50 =	vmul.f32 v50, v39;
	v34 =	vadd.f32 v34, v41;
	v38 =	vadd.f32 v38, v52  }
0xc9: {  	v31 =	vmul.f32 v31, v2;
	v44 =	vmul.f32 v44, v2;
	v41 =	vld [tilespmem:s20+$0xFFFFFF20];
	v51 =	vadd.f32 v55, v57  }
0xca: {  	v32 =	vmul.f32 v32, v2;
	v40 =	vmax.f32 v40, $0.0e+00;
	[tilespmem:s20+$0xFFFFFF10] =	vst v50;
	v38 =	vmax.f32 v38, $0.0e+00  }
0xcb: {  	v31 =	vadd.f32 v45, v31;
	v50 =	vld [tilespmem:s20+$0xFFFFFF80];
	v38 =	vmul.f32 v38, v48;
	v44 =	vadd.f32 v54, v44  }
0xcc: {  	v28 =	vmul.f32 v28, v2;
	v35 =	vadd.f32 v53, v35;
	v32 =	vadd.f32 v56, v32;
	v45 =	vld [tilespmem:s20+$0x60]  }
0xcd: {  	v43 =	vadd.f32 v43, v46;
	v31 =	vmax.f32 v31, $0.0e+00;
	[tilespmem:s20+$0x70] =	vst v38;
	v38 =	vmax.f32 v44, $0.0e+00  }
0xce: {  	v27 =	vmul.f32 v27, v2;
	v32 =	vmax.f32 v32, $0.0e+00;
	v28 =	vadd.f32 v41, v28  }
0xcf: {  	v30 =	vmul.f32 v30, v2;
	v33 =	vadd.f32 v49, v33;
	v32 =	vmul.f32 v32, v39  }
0xd0: {  	v31 =	vmul.f32 v31, v7;
	v39 =	vbroadcast v24, $0x7;
	v27 =	vadd.f32 v50, v27  }
0xd1: {  	[tilespmem:s20+$0xFFFFFF00] =	vst v32;
	v32 =	vmax.f32 v33, $0.0e+00;
	v30 =	vadd.f32 v45, v30;
	v33 =	vmul.f32 v38, v22  }
0xd2: {  	v38 =	vmul.f32 v42, v39;
	v27 =	vmax.f32 v27, $0.0e+00;
	v32 =	vmul.f32 v32, v39;
	[tilespmem:s20+$0x0] =	vst v31  }
0xd3: {  	v31 =	vmax.f32 v37, $0.0e+00;
	v27 =	vmul.f32 v27, v6;
	v37 =	vld [tilespmem:s20+$0x30];
	v30 =	vmax.f32 v30, $0.0e+00;
	[tilespmem:s20+$0xA0] =	vst v33  }
0xd4: {  	v41 =	vbroadcast v24, $0x3;
	v39 =	vmax.f32 v51, $0.0e+00;
	v33 =	vbroadcast v24, $0x1;
	[tilespmem:s20+$0xFFFFFFE0] =	vst v38;
	v38 =	vld [tilespmem:s20+$0x20]  }
0xd5: {  	v28 =	vmax.f32 v28, $0.0e+00;
	v24 =	vbroadcast v24, $0x5;
	v30 =	vmul.f32 v30, v48;
	[tilespmem:s20+$0xFFFFFF80] =	vst v27;
	v27 =	vld [tilespmem:s20+$0x50]  }
0xd6: {  	v28 =	vmul.f32 v28, v33;
	v33 =	vmul.f32 v39, v33;
	v39 =	vmax.f32 v43, $0.0e+00;
	[tilespmem:s20+$0xFFFFFFF0] =	vst v32  }
0xd7: {  	v32 =	vmax.f32 v47, $0.0e+00;
	v39 =	vmul.f32 v39, v24;
	v24 =	vmul.f32 v31, v24;
	v31 =	vld [tilespmem:s20+$0x10];
	[tilespmem:s20+$0x60] =	vst v30  }
0xd8: {  	v30 =	vmul.f32 v36, v41;
	v32 =	vmul.f32 v32, v41;
	[tilespmem:s20+$0xFFFFFF30] =	vst v33;
	v33 =	vld [tilespmem:s20+$0xFFFFFFC0];
	v16 =	vadd.f32 v37, v16  }
0xd9: {  	v34 =	vmax.f32 v34, $0.0e+00;
	v22 =	vmul.f32 v40, v22;
	[tilespmem:s20+$0xFFFFFFA0] =	vst v39;
	v36 =	vld [tilespmem:s20+$0xFFFFFFD0];
	v26 =	vadd.f32 v38, v26  }
0xda: {  	v21 =	vmax.f32 v21, $0.0e+00;
	[tilespmem:s20+$0xFFFFFF70] =	vst v32;
	v18 =	vadd.f32 v27, v18;
	v27 =	vld [tilespmem:s20+$0x90];
	v32 =	vmul.f32 v34, v20  }
0xdb: {  	v37 =	vmul.f32 v21, v23;
	v34 =	vmul.f32 v25, v2;
	v16 =	vmax.f32 v16, $0.0e+00;
	[tilespmem:s20+$0xB0] =	vst v22  }
0xdc: {  	v25 =	vmul.f32 v25, v3;
	[tilespmem:s20+$0xFFFFFF60] =	vst v30;
	v22 =	vadd.f32 v31, v14;
	v14 =	vmax.f32 v18, $0.0e+00  }
.Ltmp1:
0xdd: {  	v23 =	vmul.f32 v29, v23;
	v21 =	vmul.f32 v16, v17;
	[tilespmem:s20+$0xFFFFFFB0] =	vst v24;
	v18 =	vadd.f32 v33, v34;
	v24 =	vld [tilespmem:s20+$0x80];
	(pc) =	sbr.rel @p0 .LBB2_5-.Ltmp1, $4  }
0xde: {  	v16 =	vmax.f32 v26, $0.0e+00;
	v14 =	vmul.f32 v14, v5;
	[tilespmem:s20+$0xFFFFFF20] =	vst v28;
	v25 =	vadd.f32 v36, v25  }
0xdf: {  	v17 =	vmul.f32 v16, v17;
	v18 =	vmax.f32 v18, $0.0e+00;
	v19 =	vadd.f32 v27, v19;
	[tilespmem:s20+$0xE0] =	vst v32  }
0xe0: {  	v16 =	vmul.f32 v18, v15;
	v18 =	vmax.f32 v25, $0.0e+00;
	[tilespmem:s20+$0x50] =	vst v14;
	v14 =	vmax.f32 v35, $0.0e+00  }
0xe1: {  	s23 =	smov.u32 s14;
	v18 =	vmul.f32 v18, v15;
	v15 =	vmax.f32 v19, $0.0e+00;
	[tilespmem:s20+$0xD0] =	vst v37;
	v14 =	vmul.f32 v14, v20  }
0xe2: {  	[tilespmem:s19+$0xC0] =	vst v23  }
0xe3: {  	[tilespmem:s19+$0x20] =	vst v17  }
0xe4: {  	[tilespmem:s19+$0x30] =	vst v21  }
0xe5: {  	v10 =	vadd.f32 v24, v10;
	v12 =	vmax.f32 v12, $0.0e+00;
	[tilespmem:s19+$0xFFFFFFC0] =	vst v16  }
0xe6: {  	v9 =	vmax.f32 v9, $0.0e+00;
	[tilespmem:s19+$0xFFFFFFD0] =	vst v18;
	v6 =	vmul.f32 v12, v6  }
0xe7: {  	v9 =	vmul.f32 v9, v4;
	[tilespmem:s19+$0xF0] =	vst v14;
	v10 =	vmax.f32 v10, $0.0e+00  }
0xe8: {  	v10 =	vmul.f32 v10, v8;
	[tilespmem:s19+$0xFFFFFF90] =	vst v6  }
0xe9: {  	v6 =	vmax.f32 v22, $0.0e+00;
	[tilespmem:s19+$0xFFFFFF50] =	vst v9;
	v8 =	vmul.f32 v15, v8  }
0xea: {  	v9 =	vmax.f32 v13, $0.0e+00;
	v6 =	vmul.f32 v6, v7;
	[tilespmem:s19+$0x80] =	vst v10  }
0xeb: {  	v7 =	vmax.f32 v11, $0.0e+00;
	v5 =	vmul.f32 v9, v5;
	[tilespmem:s19+$0x90] =	vst v8  }
0xec: {  	v4 =	vmul.f32 v7, v4;
	[tilespmem:s19+$0x10] =	vst v6  }
0xed: {  	[tilespmem:s19+$0x40] =	vst v5  }
0xee: {  	[tilespmem:s19+$0xFFFFFF40] =	vst v4  }
0xef: {  	[spmem:s2] =	stream.indirect.scatter.add.f32 [tilespmem:s25], [sflag:$0x3], $0x20, s11, s0, $0xb8;
	[tilespmem:$0x1F8A0] =	vst v63  }
0xf0: {  	_ =	swait.ge [sflag:s12], $0x3200  }
0xf1: {  	p0 =	seq.s32 s17, $0xF9;
	[sflag:s12] =	ssyncset.done $0x0  }
0xf2: {  	s14 =	simm.s32 @!p0 $0x3;
	[sflag:s12] =	ssyncadd.s32 $0xFFFFCE00  }
0xf3: {  	[tilespmem:s29], [sflag:$0x2] =	stream.indirect.gather.add.f32 [hbm:s5], $0x20, s3, s0, $0xb8;
	[tilespmem:$0x1F8A0] =	vst v63  }
0xf4: {  	_ =	swait.ge @!p0 [sflag:s14], $0x3200  }
0xf5: {  	s18 =	sadd.s32 @!p0 s18, s22;
	[sflag:s14] =	ssyncset.done @!p0 $0x0  }
0xf6: {  	[sflag:s14] =	ssyncadd.s32 @!p0 $0xFFFFCE00;
	s14 =	sshrl.u32 @!p0 s18, $0x3  }
0xf7: {  	s20 =	simm.s32 @!p0 $0x18800;
	s19 =	simm.s32 @!p0 $0x0;
	s18 =	sadd.s32 @!p0 s6, s14  }
0xf8: {  	[tilespmem:s20], [sflag:$0x5] =	stream.linear.gather @!p0 [hbm4b:s18+s19], $0x190, $0x38;
	[tilespmem:$0x1F8A0] =	vst v63  }
0xf9: {  	s18 =	simm.s32 @!p0 $0x5  }
0xfa: {  	_ =	swait.ge @!p0 [sflag:s18], $0x190  }
0xfb: {  	[sflag:s18] =	ssyncset.done @!p0 $0x0  }
0xfc: {  	s24 =	simm.s32 @!p0 $0x18990;
	s23 =	sadd.s32 @!p0 s7, s14;
	[sflag:s18] =	ssyncadd.s32 @!p0 $0xFFFFFE70  }
0xfd: {  	[tilespmem:s24], [sflag:$0x5] =	stream.linear.gather @!p0 [hbm4b:s23+s19], $0x190, $0x38;
	[tilespmem:$0x1F8A0] =	vst v63  }
0xfe: {  	_ =	swait.ge @!p0 [sflag:s18], $0x190  }
0xff: {  	[sflag:s18] =	ssyncset.done @!p0 $0x0  }
0x100: {  	s14 =	sadd.s32 @!p0 s8, s14;
	s23 =	simm.s32 @!p0 $0x18B20;
	[sflag:s18] =	ssyncadd.s32 @!p0 $0xFFFFFE70  }
0x101: {  	[tilespmem:s23], [sflag:$0x5] =	stream.linear.gather @!p0 [hbm4b:s14+s19], $0x190, $0x38;
	[tilespmem:$0x1F8A0] =	vst v63  }
0x102: {  	_ =	swait.ge @!p0 [sflag:s18], $0x190  }
0x103: {  	[sflag:s18] =	ssyncset.done @!p0 $0x0  }
0x104: {  	s14 =	simm.s32 @!p0 $0x190;
	[sflag:s18] =	ssyncadd.s32 @!p0 $0xFFFFFE70;
	s18 =	simm.s32 @!p0 $0x18E40  }
0x105: {  	[tilespmem:s18], [sflag:$0x1] =	stream.indirect.gather @!p0 [hbm4b:s1+s14], $0x20, s20, s14, $0xb8;
	[tilespmem:$0x1F8A0] =	vst v63  }
0x106: {  	_ =	swait.ge [sflag:s12], $0x3200  }
0x107: {  	[sflag:s12] =	ssyncset.done $0x0  }
0x108: {  	s24 =	simm.s32 $0x0;
	[sflag:s12] =	ssyncadd.s32 $0xFFFFCE00  }
0x109: {  	v11 =	vld [tilespmem:s24+$0x1C360];
	_ =	sdelay $0x3  }
0x10a: {  	v4 =	vld [tilespmem:s24+$0x1C1D0]  }
0x10b: {  	v6 =	vbroadcast v11, $0x2;
	v8 =	vbroadcast v11, $0x9  }
0x10c: {  	v7 =	vbroadcast v11, $0x3;
	v9 =	vbroadcast v11, $0xA  }
0x10d: {  	v20 =	vbroadcast v11, $0x1;
	v10 =	vbroadcast v11, $0xE  }
0x10e: {  	v5 =	vadd.f32 $9.999999740e-06, v11;
	v12 =	vbroadcast v11, $0x7;
	v21 =	vbroadcast v11, $0x8  }
0x10f: {  	v4 =	vsub.s32 v4, v0;
	v22 =	vbroadcast v11, $0x4;
	v23 =	vbroadcast v11, $0x0  }
0x110: {  	v33 =	vbroadcast v11, $0xC;
	v36 =	vbroadcast v11, $0xF;
	v4 =	vmin.u32 v4, $0xC350  }
0x111: {  	s18 =	simm.s32 $0x1C780;
	v56 =	vbroadcast v11, $0x5;
	(erf) = vrcp.f32 v5;
	[tilespmem:s24+$0x1C4F0] =	vst v4  }
0x112: {  	v13 =	vmul.f32 v6, v2;
	v24 =	vmul.f32 v7, v3;
	v5 =	vld [tilespmem:s18+$0xD0]  }
0x113: {  	v14 =	vmul.f32 v21, v3;
	v26 =	vmul.f32 v22, v3;
	v18 =	vld [tilespmem:s18+$0xFFFFFF50]  }
0x114: {  	v28 =	vmul.f32 v10, v3;
	v29 =	vmul.f32 v23, v3;
	v30 =	vld [tilespmem:s18+$0xFFFFFF70]  }
0x115: {  	v16 =	vmul.f32 v8, v3;
	v31 =	vmul.f32 v6, v3;
	v32 =	vld [tilespmem:s18+$0xFFFFFF10]  }
0x116: {  	v34 =	vmul.f32 v12, v3;
	v37 =	vmul.f32 v7, v2;
	v35 =	vld [tilespmem:s18+$0xC0]  }
0x117: {  	v40 =	vmul.f32 v9, v2;
	v19 =	vmul.f32 v9, v3;
	v49 =	vld [tilespmem:s18+$0xFFFFFFE0]  }
0x118: {  	v44 =	vmul.f32 v10, v2;
	v48 =	vmul.f32 v12, v2;
	v54 =	vld [tilespmem:s18+$0x0]  }
0x119: {  	v50 =	vmul.f32 v8, v2;
	v10 =	vmul.f32 v33, v2;
	v63 =	vld [tilespmem:s18+$0xFFFFFF80]  }
0x11a: {  	v23 =	vmul.f32 v23, v2;
	v21 =	vmul.f32 v21, v2;
	v39 =	vld [tilespmem:s18+$0xFFFFFF90];
	v28 =	vadd.f32 v5, v28  }
0x11b: {  	v22 =	vmul.f32 v22, v2;
	v47 =	vld [tilespmem:s18+$0xFFFFFFF0];
	v9 =	vadd.f32 v18, v31;
	v24 =	vadd.f32 v30, v24  }
0x11c: {  	v12 =	vadd.f32 v32, v29;
	v29 =	vmul.f32 v33, v3;
	v32 =	vbroadcast v11, $0xB  }
0x11d: {  	v35 =	vadd.f32 v35, v44;
	v44 =	vbroadcast v11, $0x6;
	v21 =	vadd.f32 v54, v21  }
0x11e: {  	v59 =	vadd.f32 v49, v48;
	v22 =	vadd.f32 v63, v22;
	v55 =	vmax.f32 v12, $0.0e+00  }
0x11f: {  	v25 =	vld [tilespmem:s18+$0xFFFFFFB0];
	v58 =	vmul.f32 v32, v3;
	v12 =	vadd.f32 v39, v26;
	v39 =	vmul.f32 v56, v3;
	v38 =	vpop (erf)  }
0x120: {  	v60 =	vld [tilespmem:s18+$0x70];
	v34 =	vadd.f32 v47, v34;
	v32 =	vmul.f32 v32, v2;
	v41 =	vbroadcast v38, $0x0  }
0x121: {  	v63 =	vld [tilespmem:s18+$0x30];
	v21 =	vmax.f32 v21, $0.0e+00;
	v4 =	vbroadcast v38, $0x2;
	v6 =	vbroadcast v38, $0x4  }
0x122: {  	v54 =	vld [tilespmem:s18+$0x50];
	v22 =	vmax.f32 v22, $0.0e+00;
	v46 =	vbroadcast v38, $0xD;
	v15 =	vbroadcast v38, $0x6  }
0x123: {  	v42 =	vld [tilespmem:s18+$0xFFFFFF40];
	v34 =	vmax.f32 v34, $0.0e+00;
	v7 =	vbroadcast v38, $0x8;
	v5 =	vbroadcast v38, $0xA  }
0x124: {  	v61 =	vld [tilespmem:s18+$0xFFFFFF00];
	v24 =	vmax.f32 v24, $0.0e+00;
	v18 =	vbroadcast v38, $0x9;
	v31 =	vbroadcast v38, $0xB  }
0x125: {  	v8 =	vbroadcast v38, $0xC;
	v53 =	vbroadcast v38, $0xE;
	v30 =	vadd.f32 v60, v58  }
0x126: {  	v17 =	vld [tilespmem:s18+$0xE0];
	v60 =	vmul.f32 v36, v2;
	v25 =	vadd.f32 v25, v39;
	v36 =	vmul.f32 v36, v3  }
0x127: {  	v16 =	vadd.f32 v63, v16;
	v19 =	vadd.f32 v54, v19;
	v63 =	vmul.f32 v44, v3  }
0x128: {  	v26 =	vld [tilespmem:s18+$0xA0];
	v62 =	vmul.f32 v55, v41;
	v55 =	vbroadcast v11, $0xD;
	v11 =	vadd.f32 v42, v13  }
0x129: {  	v42 =	vbroadcast v38, $0xF;
	v13 =	vadd.f32 v61, v23;
	v21 =	vmul.f32 v21, v7  }
0x12a: {  	v27 =	vld [tilespmem:s18+$0xB0];
	v30 =	vmax.f32 v30, $0.0e+00;
	v61 =	vbroadcast v38, $0x7;
	v22 =	vmul.f32 v22, v6  }
0x12b: {  	v47 =	vld [tilespmem:s18+$0x20];
	v17 =	vadd.f32 v17, v60;
	v25 =	vmax.f32 v25, $0.0e+00;
	v23 =	vmul.f32 v55, v2  }
0x12c: {  	v51 =	vld [tilespmem:s18+$0xFFFFFFA0];
	v30 =	vmul.f32 v30, v31;
	v16 =	vmax.f32 v16, $0.0e+00;
	v13 =	vmax.f32 v13, $0.0e+00  }
0x12d: {  	v43 =	vld [tilespmem:s18+$0xFFFFFF60];
	[tilespmem:s18+$0x0] =	vst v21;
	v21 =	vmul.f32 v56, v2;
	v49 =	vmul.f32 v55, v3;
	v23 =	vadd.f32 v26, v23  }
0x12e: {  	v34 =	vmul.f32 v34, v61;
	v55 =	vbroadcast v38, $0x5;
	v17 =	vmax.f32 v17, $0.0e+00;
	v26 =	vld [tilespmem:s18+$0x60]  }
0x12f: {  	v57 =	vld [tilespmem:s18+$0xFFFFFF30];
	[tilespmem:s18+$0xFFFFFF10] =	vst v62;
	v13 =	vmul.f32 v13, v41;
	v41 =	vmax.f32 v59, $0.0e+00;
	v23 =	vmax.f32 v23, $0.0e+00  }
0x130: {  	v58 =	vld [tilespmem:s18+$0xFFFFFF20];
	[tilespmem:s18+$0xFFFFFF80] =	vst v22;
	v59 =	vadd.f32 v47, v50;
	v62 =	vmul.f32 v41, v61;
	v23 =	vmul.f32 v23, v46  }
0x131: {  	[tilespmem:s18+$0x70] =	vst v30;
	v21 =	vadd.f32 v51, v21;
	v27 =	vadd.f32 v27, v49;
	v25 =	vmul.f32 v25, v55  }
0x132: {  	v61 =	vmul.f32 v17, v42;
	[tilespmem:s18+$0xA0] =	vst v23;
	v23 =	vadd.f32 v43, v37;
	v43 =	vmul.f32 v20, v3  }
0x133: {  	v45 =	vld [tilespmem:s18+$0x40];
	[tilespmem:s18+$0xFFFFFFF0] =	vst v34;
	v21 =	vmax.f32 v21, $0.0e+00;
	v26 =	vadd.f32 v26, v32;
	v20 =	vmul.f32 v20, v2  }
0x134: {  	v60 =	vld [tilespmem:s18+$0x90];
	v17 =	vmul.f32 v44, v2;
	[tilespmem:s18+$0xFFFFFF00] =	vst v13;
	v21 =	vmul.f32 v21, v55;
	v37 =	vadd.f32 v57, v43  }
0x135: {  	v52 =	vld [tilespmem:s18+$0xF0];
	[tilespmem:s18+$0xFFFFFFE0] =	vst v62;
	v22 =	vmax.f32 v26, $0.0e+00;
	v26 =	vbroadcast v38, $0x1;
	v20 =	vadd.f32 v58, v20  }
0x136: {  	[tilespmem:s18+$0xFFFFFFA0] =	vst v21;
	v21 =	vmax.f32 v27, $0.0e+00;
	v57 =	vld [tilespmem:s18+$0x10];
	v22 =	vmul.f32 v22, v31;
	v37 =	vmax.f32 v37, $0.0e+00  }
0x137: {  	[tilespmem:s18+$0xFFFFFFB0] =	vst v25;
	v21 =	vmul.f32 v21, v46;
	v58 =	vld [tilespmem:s18+$0xFFFFFFC0];
	v20 =	vmax.f32 v20, $0.0e+00;
	v56 =	vmul.f32 v37, v26  }
0x138: {  	v13 =	vadd.f32 v45, v40;
	[tilespmem:s18+$0x60] =	vst v22;
	v22 =	vbroadcast v38, $0x3;
	v20 =	vmul.f32 v20, v26;
	v26 =	vld [tilespmem:s18+$0xFFFFFFD0]  }
0x139: {  	v45 =	vmax.f32 v35, $0.0e+00;
	v25 =	vadd.f32 v60, v29;
	[tilespmem:s18+$0xE0] =	vst v61;
	v23 =	vmax.f32 v23, $0.0e+00  }
0x13a: {  	v27 =	vadd.f32 v52, v36;
	[tilespmem:s18+$0xB0] =	vst v21;
	v24 =	vmul.f32 v24, v22;
	v22 =	vmul.f32 v23, v22  }
0x13b: {  	v21 =	vmul.f32 v16, v18;
	v16 =	vmax.f32 v59, $0.0e+00;
	[tilespmem:s18+$0xFFFFFF30] =	vst v56;
	v23 =	vmax.f32 v28, $0.0e+00  }
0x13c: {  	v17 =	vadd.f32 v58, v17;
	[tilespmem:s18+$0xFFFFFF60] =	vst v22;
	v22 =	vadd.f32 v57, v14;
	v14 =	vmax.f32 v19, $0.0e+00  }
0x13d: {  	v62 =	vmul.f32 v23, v53;
	[tilespmem:s18+$0xFFFFFF70] =	vst v24;
	v24 =	vld [tilespmem:s18+$0x80];
	v19 =	vadd.f32 v26, v63;
	v14 =	vmul.f32 v14, v5  }
0x13e: {  	[tilespmem:s18+$0xFFFFFF20] =	vst v20;
	v23 =	vmul.f32 v45, v53;
	v20 =	vmax.f32 v17, $0.0e+00;
	v17 =	vmul.f32 v16, v18  }
0x13f: {  	v16 =	vmul.f32 v20, v15;
	v18 =	vmax.f32 v19, $0.0e+00;
	[tilespmem:s18+$0x50] =	vst v14;
	v14 =	vmax.f32 v27, $0.0e+00  }
0x140: {  	s19 =	simm.s32 $0x1C780;
	s14 =	simm.s32 $0x40;
	[tilespmem:s18+$0xD0] =	vst v62;
	v18 =	vmul.f32 v18, v15;
	v15 =	vmax.f32 v25, $0.0e+00;
	v14 =	vmul.f32 v14, v42  }
.LBB2_7:
0x141: {  	s20 =	smov.u32 s14  }
0x142: {  	s23 =	sshra.s32 s14, $0x2;
	v9 =	vmax.f32 v9, $0.0e+00;
	v19 =	vmax.f32 v22, $0.0e+00;
	v10 =	vadd.f32 v24, v10;
	[tilespmem:s18+$0xC0] =	vst v23;
	s19 =	sadd.s32 $0x200, s19;
	s20 =	sadd.s32 $0x40, s14  }
0x143: {  	p0 =	sne.s32 s14, $0x600;
	v12 =	vmax.f32 v12, $0.0e+00;
	v9 =	vmul.f32 v9, v4;
	v7 =	vmul.f32 v19, v7;
	v29 =	vld [tilespmem:s23+$0x1C360];
	[tilespmem:s18+$0xFFFFFFD0] =	vst v18  }
0x144: {  	v6 =	vmul.f32 v12, v6;
	v12 =	vmax.f32 v13, $0.0e+00;
	v10 =	vmax.f32 v10, $0.0e+00;
	v18 =	vld [tilespmem:s23+$0x1C1D0];
	[tilespmem:s18+$0x20] =	vst v17  }
0x145: {  	v11 =	vmax.f32 v11, $0.0e+00;
	v5 =	vmul.f32 v12, v5;
	v10 =	vmul.f32 v10, v8;
	[tilespmem:s18+$0x30] =	vst v21  }
0x146: {  	v4 =	vmul.f32 v11, v4;
	[tilespmem:s18+$0xFFFFFF90] =	vst v6  }
0x147: {  	v6 =	vmul.f32 v15, v8;
	[tilespmem:s18+$0xFFFFFF50] =	vst v9  }
0x148: {  	v8 =	vadd.f32 $9.999999740e-06, v29;
	v9 =	vbroadcast v29, $0x2;
	v11 =	vbroadcast v29, $0x9;
	[tilespmem:s18+$0x80] =	vst v10  }
0x149: {  	v12 =	vbroadcast v29, $0x3;
	v13 =	vbroadcast v29, $0xA;
	v10 =	vsub.s32 v18, v0;
	[tilespmem:s18+$0x90] =	vst v6  }
0x14a: {  	v6 =	vmin.u32 v10, $0xC350;
	v30 =	vmul.f32 v9, v2;
	(erf) = vrcp.f32 v8;
	[tilespmem:s18+$0x10] =	vst v7  }
0x14b: {  	v28 =	vbroadcast v29, $0x1;
	v7 =	vbroadcast v29, $0xE;
	[tilespmem:s18+$0xFFFFFF40] =	vst v4  }
0x14c: {  	v31 =	vbroadcast v29, $0x8;
	v8 =	vbroadcast v29, $0x7;
	[tilespmem:s18+$0x40] =	vst v5  }
0x14d: {  	v32 =	vbroadcast v29, $0x0;
	v27 =	vbroadcast v29, $0x4;
	[tilespmem:s18+$0xF0] =	vst v14  }
0x14e: {  	v10 =	vmul.f32 v12, v3;
	v14 =	vmul.f32 v31, v3;
	[tilespmem:s18+$0xFFFFFFC0] =	vst v16;
	s18 =	smov.u32 s19  }
0x14f: {  	v20 =	vmul.f32 v27, v3;
	v5 =	vmul.f32 v7, v3;
	[tilespmem:s23+$0x1C4F0] =	vst v6  }
0x150: {  	v19 =	vmul.f32 v32, v3;
	v16 =	vmul.f32 v11, v3;
	v17 =	vld [tilespmem:s19+$0xD0]  }
0x151: {  	v25 =	vbroadcast v29, $0xC;
	v9 =	vmul.f32 v9, v3;
	v23 =	vld [tilespmem:s19+$0xFFFFFF50]  }
0x152: {  	v35 =	vbroadcast v29, $0xF;
	v33 =	vmul.f32 v8, v3;
	v34 =	vld [tilespmem:s19+$0xE0]  }
0x153: {  	v36 =	vmul.f32 v12, v2;
	v38 =	vmul.f32 v13, v2;
	v37 =	vld [tilespmem:s19+$0xFFFFFFB0];
	v24 =	vpop (erf)  }
0x154: {  	v18 =	vmul.f32 v13, v3;
	v39 =	vbroadcast v24, $0x0;
	v40 =	vld [tilespmem:s19+$0xB0]  }
0x155: {  	v13 =	vmul.f32 v7, v2;
	v4 =	vbroadcast v24, $0x2;
	v12 =	vld [tilespmem:s19+$0xFFFFFF70]  }
0x156: {  	v6 =	vbroadcast v24, $0x4;
	v22 =	vbroadcast v24, $0xD;
	v41 =	vld [tilespmem:s19+$0xFFFFFF10]  }
0x157: {  	v15 =	vbroadcast v24, $0x6;
	v21 =	vadd.f32 v17, v5;
	v42 =	vld [tilespmem:s19+$0xC0]  }
0x158: {  	v7 =	vbroadcast v24, $0x8;
	v9 =	vadd.f32 v23, v9;
	v43 =	vld [tilespmem:s19+$0xFFFFFF90]  }
0x159: {  	v45 =	vmul.f32 v8, v2;
	v5 =	vbroadcast v24, $0xA;
	v44 =	vld [tilespmem:s19+$0xFFFFFF40]  }
0x15a: {  	v26 =	vmul.f32 v11, v2;
	v17 =	vbroadcast v24, $0x9;
	v46 =	vld [tilespmem:s19+$0xFFFFFF60];
	v47 =	vadd.f32 v12, v10  }
0x15b: {  	v48 =	vbroadcast v24, $0xB;
	v10 =	vmul.f32 v25, v2;
	v11 =	vadd.f32 v41, v19;
	v41 =	vld [tilespmem:s19+$0x40]  }
0x15c: {  	v8 =	vbroadcast v24, $0xC;
	v19 =	vmul.f32 v25, v3;
	v49 =	vld [tilespmem:s19+$0xFFFFFFF0];
	v42 =	vadd.f32 v42, v13  }
0x15d: {  	v23 =	vbroadcast v24, $0xE;
	v25 =	vbroadcast v29, $0x6;
	v50 =	vmax.f32 v11, $0.0e+00;
	v51 =	vld [tilespmem:s19+$0xFFFFFFE0]  }
0x15e: {  	v52 =	vbroadcast v29, $0x5;
	v12 =	vadd.f32 v43, v20;
	v20 =	vbroadcast v24, $0xF;
	v43 =	vld [tilespmem:s19+$0xFFFFFFA0]  }
0x15f: {  	v11 =	vadd.f32 v44, v30;
	v30 =	vbroadcast v29, $0xB;
	v44 =	vbroadcast v29, $0xD;
	v53 =	vld [tilespmem:s19+$0xF0]  }
0x160: {  	v54 =	vmul.f32 v52, v3;
	v13 =	vadd.f32 v41, v38;
	v38 =	vld [tilespmem:s19+$0x70];
	v41 =	vmul.f32 v35, v2  }
0x161: {  	v29 =	vmax.f32 v42, $0.0e+00;
	v36 =	vadd.f32 v46, v36;
	v46 =	vmul.f32 v52, v2;
	v55 =	vld [tilespmem:s19+$0xFFFFFF30]  }
0x162: {  	v37 =	vadd.f32 v37, v54;
	v42 =	vadd.f32 v51, v45;
	v45 =	vld [tilespmem:s19+$0x0];
	v51 =	vmul.f32 v44, v3  }
0x163: {  	v52 =	vmul.f32 v30, v3;
	v35 =	vmul.f32 v35, v3;
	v36 =	vmax.f32 v36, $0.0e+00;
	v54 =	vld [tilespmem:s19+$0xA0]  }
0x164: {  	v57 =	vmul.f32 v28, v3;
	v56 =	vld [tilespmem:s19+$0xFFFFFF00];
	v42 =	vmax.f32 v42, $0.0e+00;
	v40 =	vadd.f32 v40, v51  }
0x165: {  	v50 =	vmul.f32 v50, v39;
	v34 =	vadd.f32 v34, v41;
	v38 =	vadd.f32 v38, v52  }
0x166: {  	v31 =	vmul.f32 v31, v2;
	v44 =	vmul.f32 v44, v2;
	v41 =	vld [tilespmem:s19+$0xFFFFFF20];
	v51 =	vadd.f32 v55, v57  }
0x167: {  	v32 =	vmul.f32 v32, v2;
	v40 =	vmax.f32 v40, $0.0e+00;
	[tilespmem:s19+$0xFFFFFF10] =	vst v50;
	v38 =	vmax.f32 v38, $0.0e+00  }
0x168: {  	v31 =	vadd.f32 v45, v31;
	v50 =	vld [tilespmem:s19+$0xFFFFFF80];
	v38 =	vmul.f32 v38, v48;
	v44 =	vadd.f32 v54, v44  }
0x169: {  	v28 =	vmul.f32 v28, v2;
	v35 =	vadd.f32 v53, v35;
	v32 =	vadd.f32 v56, v32;
	v45 =	vld [tilespmem:s19+$0x60]  }
0x16a: {  	v43 =	vadd.f32 v43, v46;
	v31 =	vmax.f32 v31, $0.0e+00;
	[tilespmem:s19+$0x70] =	vst v38;
	v38 =	vmax.f32 v44, $0.0e+00  }
0x16b: {  	v27 =	vmul.f32 v27, v2;
	v32 =	vmax.f32 v32, $0.0e+00;
	v28 =	vadd.f32 v41, v28  }
0x16c: {  	v30 =	vmul.f32 v30, v2;
	v33 =	vadd.f32 v49, v33;
	v32 =	vmul.f32 v32, v39  }
0x16d: {  	v31 =	vmul.f32 v31, v7;
	v39 =	vbroadcast v24, $0x7;
	v27 =	vadd.f32 v50, v27  }
0x16e: {  	[tilespmem:s19+$0xFFFFFF00] =	vst v32;
	v32 =	vmax.f32 v33, $0.0e+00;
	v30 =	vadd.f32 v45, v30;
	v33 =	vmul.f32 v38, v22  }
0x16f: {  	v38 =	vmul.f32 v42, v39;
	v27 =	vmax.f32 v27, $0.0e+00;
	v32 =	vmul.f32 v32, v39;
	[tilespmem:s19+$0x0] =	vst v31  }
0x170: {  	v31 =	vmax.f32 v37, $0.0e+00;
	v27 =	vmul.f32 v27, v6;
	v37 =	vld [tilespmem:s19+$0x30];
	v30 =	vmax.f32 v30, $0.0e+00;
	[tilespmem:s19+$0xA0] =	vst v33  }
0x171: {  	v41 =	vbroadcast v24, $0x3;
	v39 =	vmax.f32 v51, $0.0e+00;
	v33 =	vbroadcast v24, $0x1;
	[tilespmem:s19+$0xFFFFFFE0] =	vst v38;
	v38 =	vld [tilespmem:s19+$0x20]  }
0x172: {  	v28 =	vmax.f32 v28, $0.0e+00;
	v24 =	vbroadcast v24, $0x5;
	v30 =	vmul.f32 v30, v48;
	[tilespmem:s19+$0xFFFFFF80] =	vst v27;
	v27 =	vld [tilespmem:s19+$0x50]  }
0x173: {  	v28 =	vmul.f32 v28, v33;
	v33 =	vmul.f32 v39, v33;
	v39 =	vmax.f32 v43, $0.0e+00;
	[tilespmem:s19+$0xFFFFFFF0] =	vst v32  }
0x174: {  	v32 =	vmax.f32 v47, $0.0e+00;
	v39 =	vmul.f32 v39, v24;
	v24 =	vmul.f32 v31, v24;
	v31 =	vld [tilespmem:s19+$0x10];
	[tilespmem:s19+$0x60] =	vst v30  }
0x175: {  	v30 =	vmul.f32 v36, v41;
	v32 =	vmul.f32 v32, v41;
	[tilespmem:s19+$0xFFFFFF30] =	vst v33;
	v33 =	vld [tilespmem:s19+$0xFFFFFFC0];
	v16 =	vadd.f32 v37, v16  }
0x176: {  	v34 =	vmax.f32 v34, $0.0e+00;
	v22 =	vmul.f32 v40, v22;
	[tilespmem:s19+$0xFFFFFFA0] =	vst v39;
	v36 =	vld [tilespmem:s19+$0xFFFFFFD0];
	v26 =	vadd.f32 v38, v26  }
0x177: {  	v21 =	vmax.f32 v21, $0.0e+00;
	[tilespmem:s19+$0xFFFFFF70] =	vst v32;
	v18 =	vadd.f32 v27, v18;
	v27 =	vld [tilespmem:s19+$0x90];
	v32 =	vmul.f32 v34, v20  }
0x178: {  	v37 =	vmul.f32 v21, v23;
	v34 =	vmul.f32 v25, v2;
	v16 =	vmax.f32 v16, $0.0e+00;
	[tilespmem:s19+$0xB0] =	vst v22  }
0x179: {  	v25 =	vmul.f32 v25, v3;
	[tilespmem:s19+$0xFFFFFF60] =	vst v30;
	v22 =	vadd.f32 v31, v14;
	v14 =	vmax.f32 v18, $0.0e+00  }
.Ltmp2:
0x17a: {  	v23 =	vmul.f32 v29, v23;
	v21 =	vmul.f32 v16, v17;
	[tilespmem:s19+$0xFFFFFFB0] =	vst v24;
	v18 =	vadd.f32 v33, v34;
	v24 =	vld [tilespmem:s19+$0x80];
	(pc) =	sbr.rel @p0 .LBB2_7-.Ltmp2, $4  }
0x17b: {  	v16 =	vmax.f32 v26, $0.0e+00;
	v14 =	vmul.f32 v14, v5;
	[tilespmem:s19+$0xFFFFFF20] =	vst v28;
	v25 =	vadd.f32 v36, v25  }
0x17c: {  	v17 =	vmul.f32 v16, v17;
	v18 =	vmax.f32 v18, $0.0e+00;
	v19 =	vadd.f32 v27, v19;
	[tilespmem:s19+$0xE0] =	vst v32  }
0x17d: {  	v16 =	vmul.f32 v18, v15;
	v18 =	vmax.f32 v25, $0.0e+00;
	[tilespmem:s19+$0x50] =	vst v14;
	v14 =	vmax.f32 v35, $0.0e+00  }
0x17e: {  	s14 =	smov.u32 s20;
	v18 =	vmul.f32 v18, v15;
	v15 =	vmax.f32 v19, $0.0e+00;
	[tilespmem:s19+$0xD0] =	vst v37;
	v14 =	vmul.f32 v14, v20  }
0x17f: {  	[tilespmem:s18+$0xC0] =	vst v23  }
0x180: {  	[tilespmem:s18+$0x20] =	vst v17  }
0x181: {  	[tilespmem:s18+$0x30] =	vst v21  }
0x182: {  	[tilespmem:s18+$0xFFFFFFC0] =	vst v16  }
0x183: {  	v12 =	vmax.f32 v12, $0.0e+00;
	v61 =	vmul.f32 v15, v8;
	[tilespmem:s18+$0xFFFFFFD0] =	vst v18  }
0x184: {  	v9 =	vmax.f32 v9, $0.0e+00;
	v6 =	vmul.f32 v12, v6;
	[tilespmem:s18+$0xF0] =	vst v14  }
0x185: {  	v10 =	vadd.f32 v24, v10;
	v62 =	vmax.f32 v11, $0.0e+00;
	v9 =	vmul.f32 v9, v4;
	[tilespmem:s18+$0x90] =	vst v61  }
0x186: {  	v63 =	vmax.f32 v13, $0.0e+00;
	s17 =	sadd.s32 $0x1, s17;
	v4 =	vmul.f32 v62, v4;
	[tilespmem:s18+$0xFFFFFF90] =	vst v6  }
0x187: {  	v5 =	vmul.f32 v63, v5;
	p0 =	sne.s32 s17, $0xFA;
	v10 =	vmax.f32 v10, $0.0e+00;
	[tilespmem:s18+$0xFFFFFF50] =	vst v9  }
.Ltmp3:
0x188: {  	v60 =	vmax.f32 v22, $0.0e+00;
	v10 =	vmul.f32 v10, v8;
	[tilespmem:s18+$0xFFFFFF40] =	vst v4;
	(pc) =	sbr.rel @p0 .LBB2_4-.Ltmp3, $4  }
0x189: {  	v6 =	vmul.f32 v60, v7;
	[tilespmem:s18+$0x40] =	vst v5  }
0x18a: {  	[tilespmem:s18+$0x80] =	vst v10  }
0x18b: {  	[tilespmem:s18+$0x10] =	vst v6  }
0x18c: {  	[spmem:s2] =	stream.indirect.scatter.add.f32 [tilespmem:s29], [sflag:$0x4], $0x20, s13, s0, $0xb8;
	[tilespmem:$0x1F8A0] =	vst v63  }
0x18d: {  	s14 =	simm.s32 $0x3  }
0x18e: {  	_ =	swait.ge [sflag:s14], $0x3200  }
0x18f: {  	[sflag:s14] =	ssyncset.done $0x0  }
0x190: {  	[sflag:s14] =	ssyncadd.s32 $0xFFFFCE00  }
0x191: {  	_ =	swait.ge [sflag:s15], $0x3200  }
0x192: {  	[sflag:s15] =	ssyncset.done $0x0  }
0x193: {  	s23 =	stileid.u32;
	[sflag:s15] =	ssyncadd.s32 $0xFFFFCE00  }
0x194: {  	s14 =	sshll.u32 s23, $0x6;
	[bflag:$0x0] =	sbarrier.arrive $0xFFFF  }
0x195: {  	s16 =	sshrl.u32 s10, $0x3;
	s14 =	sor.u32 $0x1C05, s14;
	s17 =	rddreg [dreg:$0xf]  }
0x196: {  	[hbm:s17], [sflag:s14] =	dma.local [spmem:s16], $0x3100  }
0x197: {  	_ =	swait.ge [sflag:s26], $0x3100  }
0x198: {  	s4 =	sadd.s32 $0x1, s4;
	s24 =	rddreg [dreg:$0x10]  }
0x199: {  	p0 =	sne.s32 s4, s24  }
.Ltmp4:
0x19a: {  	_ = 	snop;
	(pc) =	sbr.rel @p0 .LBB2_1-.Ltmp4, $3  }
0x19b: {  	_ =	sdelay $0x1  }
0x19c: {  	[sflag:s26] =	ssyncset.done $0x0  }
0x19d: {  	[sflag:s26] =	ssyncadd.s32 $0xFFFFCF00  }
0x19e: {  	_ =	sfence.sel $0x180000  }
0x19f: {  	[bflag:$0x0] =	sbarrier.arrive $0xFFFF  }
0x1a0: {  	_ =	strace $0x90000047  }
0x1a1: {  	s0 =	stileid.u32;
	[bflag:$0x2] =	sbarrier.arrive $0xFFFF  }
0x1a2: {  	p0 =	sne.s32 s0, $0x0;
	s0 =	rddreg [dreg:$0x3]  }
0x1a3: {  	s0 =	sadd.s32 @!p0 $0x100000, s0  }
0x1a4: {  	[sflag:s0] =	ssyncadd.tile.s32 @!p0 $0x1;
	_ =	shalt  }
.Lfunc_end2:
_tile_overlayer_lowered:
.L_overlay_start_2:
0x1a5: {  	(tag) =	ssettag $0x2  }
0x1a6: {  	s0 =	rddreg [dreg:$0x0];
	s2 =	stileid.u32  }
0x1a7: {  	s1 =	rddreg [dreg:$0x1];
	p0 =	sne.s32 s2, $0x0  }
0x1a8: {  	s3 =	rddreg [dreg:$0x2];
	[bflag:$0x3] =	sbarrier.arrive $0xFFFF;
	s2 =	simm.s32 @!p0 $0x1C05  }
0x1a9: {  	[timem:s3], [sflag:s2] =	dma.local @!p0 [hbm:s0], s1  }
0x1aa: {  	s0 =	simm.s32 @!p0 $0x5  }
0x1ab: {  	_ =	swait.ge @!p0 [sflag:s0], s1  }
0x1ac: {  	s1 =	ssub.s32 @!p0 $0x0, s1;
	[sflag:s0] =	ssyncset.done @!p0 $0x0  }
0x1ad: {  	[sflag:s0] =	ssyncadd.s32 @!p0 s1  }
0x1ae: {  	[bflag:$0x3] =	sbarrier.arrive $0xFFFF  }
0x1af: {  	_ =	shalt  }

</sc_bundles>
